<compile_context>
chip_gen: v7x
topology: tpu7x:2x2x1
jax: 0.10.2.dev20260603
libtpu: 0.0.44.dev20260713+nightly
codegen_flags: <defaults>
</compile_context>

<pallas_src>
import functools

import jax
import jax.numpy as jnp
from jax import lax
from jax.experimental import pallas as pl
from jax.experimental.pallas import tpu as pltpu
from jax.experimental.pallas import tpu_sc as plsc

N = 10000
E = 320000
D = 128
H = 16
NC, NS = 2, 16
NT = NC * NS
SCH = 512
KB = 20
EPAD = KB * SCH
RING = 8
LOOK = 3
EPT = E // NT
PADT = EPAD - EPT
NPAD = 10112
RPW = NPAD // NS
PK = 128 // H
NR = N * H // 128
NRP = NPAD * H // 128
NTRASH = NPAD - N


def _xw_body(x_ref, b_ref, o_ref):
    x3 = x_ref[...].reshape(NR, PK, D)
    acc = jnp.dot(x3[:, 0, :], b_ref[0],
                  preferred_element_type=jnp.float32)
    for a in range(1, PK):
        acc += jnp.dot(x3[:, a, :], b_ref[a],
                       preferred_element_type=jnp.float32)
    o_ref[...] = acc


_sc_mesh = plsc.VectorSubcoreMesh(core_axis_name="c", subcore_axis_name="s")


@functools.partial(
    pl.kernel,
    out_type=[
        jax.ShapeDtypeStruct((NC, NPAD, H), jnp.float32),
        jax.ShapeDtypeStruct((NC, NPAD), jnp.float32),
    ],
    mesh=_sc_mesh,
    scratch_types=[
        pltpu.VMEM((EPAD,), jnp.int32),
        pltpu.VMEM((EPAD,), jnp.int32),
        pltpu.VMEM((RING, SCH, H), jnp.float32),
        pltpu.VMEM((SCH,), jnp.float32),
        pltpu.VMEM_SHARED((NPAD, H), jnp.float32),
        pltpu.VMEM_SHARED((NPAD,), jnp.float32),
        pltpu.SemaphoreType.DMA((RING,)),
        pltpu.SemaphoreType.DMA((RING,)),
        pltpu.SemaphoreType.DMA,
    ],
    compiler_params=pltpu.CompilerParams(use_tc_tiling_on_sc=False),
)
def _edge_scatter(xw_hbm, ei_hbm, psrc_hbm, pdst_hbm, zrow_hbm, zcnt_hbm,
                  agg_out, cnt_out,
                  src_v, dst_v, rows_v, ones_v,
                  agg_sh, cnt_sh, gsem, ssem, csem):
    c = lax.axis_index("c")
    s = lax.axis_index("s")
    t = c * NS + s
    lastw = N - (NS - 1) * RPW

    @pl.when(jnp.logical_and(c == 0, s < NS - 1))
    def _():
        pltpu.sync_copy(xw_hbm.at[pl.ds(s * RPW, RPW)],
                        agg_sh.at[pl.ds(s * RPW, RPW)])

    @pl.when(jnp.logical_and(c == 0, s == NS - 1))
    def _():
        pltpu.sync_copy(xw_hbm.at[pl.ds((NS - 1) * RPW, lastw)],
                        agg_sh.at[pl.ds((NS - 1) * RPW, lastw)])
        pltpu.sync_copy(zrow_hbm.at[pl.ds(0, NTRASH)],
                        agg_sh.at[pl.ds(N, NTRASH)])

    @pl.when(c == 1)
    def _():
        pltpu.sync_copy(zrow_hbm.at[pl.ds(s * RPW, RPW)],
                        agg_sh.at[pl.ds(s * RPW, RPW)])

    pltpu.sync_copy(zcnt_hbm.at[pl.ds(s * RPW, RPW)],
                    cnt_sh.at[pl.ds(s * RPW, RPW)])
    for k in range(SCH // 16):
        ones_v[pl.ds(k * 16, 16)] = jnp.ones((16,), jnp.float32)
    plsc.subcore_barrier()
    pltpu.sync_copy(ei_hbm.at[0, pl.ds(t * EPT, EPT)],
                    src_v.at[pl.ds(0, EPT)])
    pltpu.sync_copy(ei_hbm.at[1, pl.ds(t * EPT, EPT)],
                    dst_v.at[pl.ds(0, EPT)])
    pltpu.sync_copy(psrc_hbm.at[pl.ds(t * PADT, PADT)],
                    src_v.at[pl.ds(EPT, PADT)])
    pltpu.sync_copy(pdst_hbm.at[pl.ds(t * PADT, PADT)],
                    dst_v.at[pl.ds(EPT, PADT)])

    def start_gather(g, b):
        pltpu.async_copy(xw_hbm.at[src_v.at[pl.ds(g * SCH, SCH)]],
                         rows_v.at[b], gsem.at[b])

    def wait_gather(b):
        pltpu.make_async_copy(xw_hbm.at[src_v.at[pl.ds(0, SCH)]],
                              rows_v.at[b], gsem.at[b]).wait()

    def start_scatters(g, b):
        pltpu.async_copy(rows_v.at[b], agg_sh.at[dst_v.at[pl.ds(g * SCH, SCH)]],
                         ssem.at[b], add=True)
        pltpu.async_copy(ones_v, cnt_sh.at[dst_v.at[pl.ds(g * SCH, SCH)]],
                         csem, add=True)

    def wait_scatter(b):
        pltpu.make_async_copy(rows_v.at[b], agg_sh.at[dst_v.at[pl.ds(0, SCH)]],
                              ssem.at[b]).wait()

    for g in range(LOOK):
        start_gather(g, g)
    for g in range(KB):
        b = g % RING
        wait_gather(b)
        start_scatters(g, b)
        nxt = g + LOOK
        if nxt < KB:
            bn = nxt % RING
            if nxt >= RING:
                wait_scatter(bn)
            start_gather(nxt, bn)
    for g in range(KB - RING, KB):
        wait_scatter(g % RING)
    for g in range(KB):
        pltpu.make_async_copy(ones_v, cnt_sh.at[dst_v.at[pl.ds(0, SCH)]],
                              csem).wait()
    plsc.subcore_barrier()
    pltpu.sync_copy(agg_sh.at[pl.ds(s * RPW, RPW)],
                    agg_out.at[c, pl.ds(s * RPW, RPW)])
    pltpu.sync_copy(cnt_sh.at[pl.ds(s * RPW, RPW)],
                    cnt_out.at[c, pl.ds(s * RPW, RPW)])


def _mlp_body(p_ref, c_ref, g_ref, bias_ref, w1_ref, b1_ref, w2_ref, b2_ref,
              o_ref):
    s = p_ref[0, :NR, :] + p_ref[1, :NR, :]
    csum = c_ref[0] + c_ref[1]
    blocks = [jnp.dot(csum, g_ref[i], preferred_element_type=jnp.float32)
              for i in range(16)]
    cnt = jnp.stack(blocks, axis=1).reshape(NRP, 128)[:NR, :] + 1.0
    h = jnp.maximum(s / cnt + bias_ref[...], 0.0)
    h = jnp.maximum(
        jnp.dot(h, w1_ref[...], preferred_element_type=jnp.float32)
        + b1_ref[...], 0.0)
    y = (jnp.dot(h, w2_ref[...], preferred_element_type=jnp.float32)
         + b2_ref[...])
    o_ref[...] = jax.nn.sigmoid(y)


def _blockdiag(m, k):
    r, ccol = m.shape
    out = jnp.zeros((k, r, k, ccol), m.dtype)
    out = out.at[jnp.arange(k), :, jnp.arange(k), :].set(m)
    return out.reshape(k * r, k * ccol)


def kernel(x, edge_index, W, u, c, bias, W1, b1, W2, b2):
    del u, c
    ei = edge_index.astype(jnp.int32)
    psrc = jnp.zeros((NT * PADT,), jnp.int32)
    pdst = N + (jnp.arange(NT * PADT, dtype=jnp.int32) % NTRASH)

    b4 = jnp.stack([jnp.pad(W, ((0, 0), (a * H, 128 - (a + 1) * H)))
                    for a in range(PK)])
    xw8 = pl.pallas_call(
        _xw_body,
        out_shape=jax.ShapeDtypeStruct((NR, 128), jnp.float32),
    )(x, b4)

    zrow = jnp.zeros((NPAD, H), jnp.float32)
    zcnt = jnp.zeros((NPAD,), jnp.float32)
    parts, cnts = _edge_scatter(xw8.reshape(N, H), ei, psrc, pdst, zrow, zcnt)

    ii = jnp.arange(16).reshape(16, 1, 1)
    aa = jnp.arange(PK).reshape(1, PK, 1)
    hh = jnp.arange(H).reshape(1, 1, H)
    g = jnp.zeros((16, 128, 128), jnp.float32).at[
        jnp.broadcast_to(ii, (16, PK, H)),
        jnp.broadcast_to(8 * ii + aa, (16, PK, H)),
        jnp.broadcast_to(aa * H + hh, (16, PK, H))].set(1.0)

    y8 = pl.pallas_call(
        _mlp_body,
        out_shape=jax.ShapeDtypeStruct((NR, PK), jnp.float32),
    )(parts.reshape(NC, NRP, 128), cnts.reshape(NC, NPAD // 128, 128), g,
      jnp.tile(bias, PK).reshape(1, PK * H), _blockdiag(W1, PK),
      jnp.tile(b1, PK).reshape(1, PK * 8), _blockdiag(W2, PK),
      b2.reshape(1, 1))
    return y8.reshape(N, 1)

# --- scband reference (transcript-rebuilt; emitter-appended) ---
"""Pipeline reference for scband-one-conv-14242111553625 (READ-ONLY COPY).

The authoritative reference and input builder live on the scoring server;
editing this copy changes nothing except your own understanding.
"""

import jax, jax.numpy as jnp
import numpy as np

N_NODES = 10000
N_EDGES = 320000
D_FEAT = 128
HEADS = 1
HIDDEN = 16

def setup_inputs(seed: int = 0) -> dict:
    key = jax.random.key(seed)
    ks = jax.random.split(key, 12)
    x = jax.random.normal(ks[0], (N_NODES, D_FEAT), dtype=jnp.float32)
    edge_index = jax.random.randint(ks[1], (2, N_EDGES), 0, N_NODES, dtype=jnp.int64)
    # FeaStConv params (in=128, out=16, heads=1)
    W = jax.random.normal(ks[2], (D_FEAT, HEADS * HIDDEN), dtype=jnp.float32) * (1.0 / np.sqrt(D_FEAT))
    u = jax.random.normal(ks[3], (D_FEAT, HEADS), dtype=jnp.float32) * (1.0 / np.sqrt(D_FEAT))
    c = jax.random.normal(ks[4], (HEADS,), dtype=jnp.float32) * 0.1
    bias = jnp.zeros((HIDDEN,), dtype=jnp.float32)
    # lin1: 16 -> 8
    W1 = jax.random.normal(ks[5], (HIDDEN, 8), dtype=jnp.float32) * (1.0 / np.sqrt(HIDDEN))
    b1 = jnp.zeros((8,), dtype=jnp.float32)
    # out: 8 -> 1
    W2 = jax.random.normal(ks[6], (8, 1), dtype=jnp.float32) * (1.0 / np.sqrt(8.0))
    b2 = jnp.zeros((1,), dtype=jnp.float32)
    return {"x": x, "edge_index": edge_index, "W": W, "u": u, "c": c, "bias": bias, "W1": W1, "b1": b1, "W2": W2, "b2": b2}


def reference(x, edge_index, W, u, c, bias, W1, b1, W2, b2):
    N = x.shape[0]
    # FeaStConv adds self loops by default
    loop = jnp.arange(N, dtype=edge_index.dtype)
    src = jnp.concatenate([edge_index[0], loop])
    dst = jnp.concatenate([edge_index[1], loop])
    x_i = x[dst]  # target node features
    x_j = x[src]  # source node features
    # attention over heads: q = softmax((x_j - x_i) @ u + c) over head dim
    q = jax.nn.softmax((x_j - x_i) @ u + c, axis=1)  # [E, heads]
    x_jw = (x_j @ W).reshape(-1, HEADS, HIDDEN)       # [E, heads, 16]
    msg = (x_jw * q[:, :, None]).sum(axis=1)          # [E, 16]
    # mean aggregation over destination nodes
    agg = jax.ops.segment_sum(msg, dst, num_segments=N)
    cnt = jax.ops.segment_sum(jnp.ones((dst.shape[0],), jnp.float32), dst, num_segments=N)
    out = agg / jnp.maximum(cnt, 1.0)[:, None] + bias
    h = jax.nn.relu(out)
    h = jax.nn.relu(h @ W1 + b1)
    y = jax.nn.sigmoid(h @ W2 + b2)
    return y

if __name__ == "__main__":
    import jax
    _d = setup_inputs()
    print(jax.jit(kernel)(*tuple(_d.values())))

</pallas_src>

<mosaic_0001>
#map = affine_map<(d0, d1) -> (0, 0)>
#map1 = affine_map<(d0, d1) -> (0)>
#map2 = affine_map<(d0, d1) -> (0, 0, 0)>
module attributes {stable_mosaic.version = 14 : i64} {
  func.func @_edge_scatter(%arg0: i32, %arg1: i32, %arg2: memref<10000x16xf32, #tpu.memory_space<hbm>>, %arg3: memref<2x320000xi32, #tpu.memory_space<hbm>>, %arg4: memref<7680xi32, #tpu.memory_space<hbm>>, %arg5: memref<7680xi32, #tpu.memory_space<hbm>>, %arg6: memref<10112x16xf32, #tpu.memory_space<hbm>>, %arg7: memref<10112xf32, #tpu.memory_space<hbm>>, %arg8: memref<2x10112x16xf32, #tpu.memory_space<hbm>>, %arg9: memref<2x10112xf32, #tpu.memory_space<hbm>>, %arg10: memref<10240xi32, #tpu.memory_space<vmem>>, %arg11: memref<10240xi32, #tpu.memory_space<vmem>>, %arg12: memref<8x512x16xf32, #tpu.memory_space<vmem>>, %arg13: memref<512xf32, #tpu.memory_space<vmem>>, %arg14: memref<10112x16xf32, #tpu.memory_space<vmem_shared>>, %arg15: memref<10112xf32, #tpu.memory_space<vmem_shared>>, %arg16: memref<8x!tpu.dma_semaphore, #tpu.memory_space<semaphore_mem>>, %arg17: memref<8x!tpu.dma_semaphore, #tpu.memory_space<semaphore_mem>>, %arg18: memref<!tpu.dma_semaphore, #tpu.memory_space<semaphore_mem>>) attributes {dimension_semantics = [#tpu.dimension_semantics<core_parallel>, #tpu.dimension_semantics<subcore_parallel>], iteration_bounds = array<i64: 2, 16>, scalar_prefetch = 0 : i64, scratch_operands = 9 : i64, tpu.core_type = #tpu.core_type<sc_vector_subcore>, window_params = [{transform_indices = #map}, {transform_indices = #map}, {transform_indices = #map1}, {transform_indices = #map1}, {transform_indices = #map}, {transform_indices = #map1}, {transform_indices = #map2}, {transform_indices = #map}]} {
    %mul3A = arith.constant 16 : i32
    %mul3A_0 = arith.muli %arg0, %mul3A : i32
    %add3A = arith.addi %mul3A_0, %arg1 : i32
    %eq3A = arith.constant 0 : i32
    %eq3A_1 = arith.cmpi eq, %arg0, %eq3A : i32
    %lt3A = arith.constant 15 : i32
    %lt3A_2 = arith.cmpi slt, %arg1, %lt3A : i32
    %and3A = arith.andi %eq3A_1, %lt3A_2 : i1
    %convert_element_type3A = arith.extui %and3A : i1 to i32
    %cond3A = arith.constant 0 : i32
    %cond3A_3 = arith.cmpi ne, %convert_element_type3A, %cond3A : i32
    scf.if %cond3A_3 {
      %mul3A_1427 = arith.constant 632 : i32
      %mul3A_1428 = arith.muli %arg1, %mul3A_1427 : i32
      %mul3A_1429 = arith.constant 632 : i32
      %mul3A_1430 = arith.muli %arg1, %mul3A_1429 : i32
      "tpu.region"() ({
        %run_scoped3A_1431 = tpu.sem_alloc : memref<!tpu.dma_semaphore, #tpu.memory_space<semaphore_mem>>
        %dma_start3A_1432 = arith.constant 0 : i32
        %dma_start3A_1433 = tpu.memref_slice %arg14[%mul3A_1430, %dma_start3A_1432] : memref<10112x16xf32, #tpu.memory_space<vmem_shared>> -> memref<632x16xf32, #tpu.memory_space<vmem_shared>>
        %dma_start3A_1434 = arith.constant 0 : i32
        %dma_start3A_1435 = tpu.memref_slice %arg2[%mul3A_1428, %dma_start3A_1434] : memref<10000x16xf32, #tpu.memory_space<hbm>> -> memref<632x16xf32, #tpu.memory_space<hbm>>
        tpu.enqueue_dma source(%dma_start3A_1435 : memref<632x16xf32, #tpu.memory_space<hbm>>) target(%dma_start3A_1433 : memref<632x16xf32, #tpu.memory_space<vmem_shared>>) target_semaphore(%run_scoped3A_1431 : memref<!tpu.dma_semaphore, #tpu.memory_space<semaphore_mem>>)
        %dma_wait3A_1436 = arith.constant 0 : i32
        %dma_wait3A_1437 = tpu.memref_slice %arg14[%mul3A_1430, %dma_wait3A_1436] : memref<10112x16xf32, #tpu.memory_space<vmem_shared>> -> memref<632x16xf32, #tpu.memory_space<vmem_shared>>
        %dma_wait3A_1438 = arith.constant 0 : i32
        %dma_wait3A_1439 = tpu.memref_slice %arg2[%mul3A_1428, %dma_wait3A_1438] : memref<10000x16xf32, #tpu.memory_space<hbm>> -> memref<632x16xf32, #tpu.memory_space<hbm>>
        tpu.wait_dma2 semaphore(%run_scoped3A_1431 : memref<!tpu.dma_semaphore, #tpu.memory_space<semaphore_mem>>) src(%dma_wait3A_1439 : memref<632x16xf32, #tpu.memory_space<hbm>>) dst(%dma_wait3A_1437 : memref<632x16xf32, #tpu.memory_space<vmem_shared>>)
        tpu.yield
      }) : () -> ()
    } else {
    }
    %eq3A_4 = arith.constant 0 : i32
    %eq3A_5 = arith.cmpi eq, %arg0, %eq3A_4 : i32
    %eq3A_6 = arith.constant 15 : i32
    %eq3A_7 = arith.cmpi eq, %arg1, %eq3A_6 : i32
    %and3A_8 = arith.andi %eq3A_5, %eq3A_7 : i1
    %convert_element_type3A_9 = arith.extui %and3A_8 : i1 to i32
    %cond3A_10 = arith.constant 0 : i32
    %cond3A_11 = arith.cmpi ne, %convert_element_type3A_9, %cond3A_10 : i32
    scf.if %cond3A_11 {
      "tpu.region"() ({
        %run_scoped3A_1427 = tpu.sem_alloc : memref<!tpu.dma_semaphore, #tpu.memory_space<semaphore_mem>>
        %dma_start3A_1428 = arith.constant 9480 : i32
        %dma_start3A_1429 = arith.constant 0 : i32
        %dma_start3A_1430 = tpu.memref_slice %arg14[%dma_start3A_1428, %dma_start3A_1429] : memref<10112x16xf32, #tpu.memory_space<vmem_shared>> -> memref<520x16xf32, #tpu.memory_space<vmem_shared>>
        %dma_start3A_1431 = arith.constant 9480 : i32
        %dma_start3A_1432 = arith.constant 0 : i32
        %dma_start3A_1433 = tpu.memref_slice %arg2[%dma_start3A_1431, %dma_start3A_1432] : memref<10000x16xf32, #tpu.memory_space<hbm>> -> memref<520x16xf32, #tpu.memory_space<hbm>>
        tpu.enqueue_dma source(%dma_start3A_1433 : memref<520x16xf32, #tpu.memory_space<hbm>>) target(%dma_start3A_1430 : memref<520x16xf32, #tpu.memory_space<vmem_shared>>) target_semaphore(%run_scoped3A_1427 : memref<!tpu.dma_semaphore, #tpu.memory_space<semaphore_mem>>)
        %dma_wait3A_1434 = arith.constant 9480 : i32
        %dma_wait3A_1435 = arith.constant 0 : i32
        %dma_wait3A_1436 = tpu.memref_slice %arg14[%dma_wait3A_1434, %dma_wait3A_1435] : memref<10112x16xf32, #tpu.memory_space<vmem_shared>> -> memref<520x16xf32, #tpu.memory_space<vmem_shared>>
        %dma_wait3A_1437 = arith.constant 9480 : i32
        %dma_wait3A_1438 = arith.constant 0 : i32
        %dma_wait3A_1439 = tpu.memref_slice %arg2[%dma_wait3A_1437, %dma_wait3A_1438] : memref<10000x16xf32, #tpu.memory_space<hbm>> -> memref<520x16xf32, #tpu.memory_space<hbm>>
        tpu.wait_dma2 semaphore(%run_scoped3A_1427 : memref<!tpu.dma_semaphore, #tpu.memory_space<semaphore_mem>>) src(%dma_wait3A_1439 : memref<520x16xf32, #tpu.memory_space<hbm>>) dst(%dma_wait3A_1436 : memref<520x16xf32, #tpu.memory_space<vmem_shared>>)
        tpu.yield
      }) : () -> ()
      "tpu.region"() ({
        %run_scoped3A_1427 = tpu.sem_alloc : memref<!tpu.dma_semaphore, #tpu.memory_space<semaphore_mem>>
        %dma_start3A_1428 = arith.constant 10000 : i32
        %dma_start3A_1429 = arith.constant 0 : i32
        %dma_start3A_1430 = tpu.memref_slice %arg14[%dma_start3A_1428, %dma_start3A_1429] : memref<10112x16xf32, #tpu.memory_space<vmem_shared>> -> memref<112x16xf32, #tpu.memory_space<vmem_shared>>
        %dma_start3A_1431 = arith.constant 0 : i32
        %dma_start3A_1432 = arith.constant 0 : i32
        %dma_start3A_1433 = tpu.memref_slice %arg6[%dma_start3A_1431, %dma_start3A_1432] : memref<10112x16xf32, #tpu.memory_space<hbm>> -> memref<112x16xf32, #tpu.memory_space<hbm>>
        tpu.enqueue_dma source(%dma_start3A_1433 : memref<112x16xf32, #tpu.memory_space<hbm>>) target(%dma_start3A_1430 : memref<112x16xf32, #tpu.memory_space<vmem_shared>>) target_semaphore(%run_scoped3A_1427 : memref<!tpu.dma_semaphore, #tpu.memory_space<semaphore_mem>>)
        %dma_wait3A_1434 = arith.constant 10000 : i32
        %dma_wait3A_1435 = arith.constant 0 : i32
        %dma_wait3A_1436 = tpu.memref_slice %arg14[%dma_wait3A_1434, %dma_wait3A_1435] : memref<10112x16xf32, #tpu.memory_space<vmem_shared>> -> memref<112x16xf32, #tpu.memory_space<vmem_shared>>
        %dma_wait3A_1437 = arith.constant 0 : i32
        %dma_wait3A_1438 = arith.constant 0 : i32
        %dma_wait3A_1439 = tpu.memref_slice %arg6[%dma_wait3A_1437, %dma_wait3A_1438] : memref<10112x16xf32, #tpu.memory_space<hbm>> -> memref<112x16xf32, #tpu.memory_space<hbm>>
        tpu.wait_dma2 semaphore(%run_scoped3A_1427 : memref<!tpu.dma_semaphore, #tpu.memory_space<semaphore_mem>>) src(%dma_wait3A_1439 : memref<112x16xf32, #tpu.memory_space<hbm>>) dst(%dma_wait3A_1436 : memref<112x16xf32, #tpu.memory_space<vmem_shared>>)
        tpu.yield
      }) : () -> ()
    } else {
    }
    %eq3A_12 = arith.constant 1 : i32
    %eq3A_13 = arith.cmpi eq, %arg0, %eq3A_12 : i32
    %convert_element_type3A_14 = arith.extui %eq3A_13 : i1 to i32
    %cond3A_15 = arith.constant 0 : i32
    %cond3A_16 = arith.cmpi ne, %convert_element_type3A_14, %cond3A_15 : i32
    scf.if %cond3A_16 {
      %mul3A_1427 = arith.constant 632 : i32
      %mul3A_1428 = arith.muli %arg1, %mul3A_1427 : i32
      %mul3A_1429 = arith.constant 632 : i32
      %mul3A_1430 = arith.muli %arg1, %mul3A_1429 : i32
      "tpu.region"() ({
        %run_scoped3A_1431 = tpu.sem_alloc : memref<!tpu.dma_semaphore, #tpu.memory_space<semaphore_mem>>
        %dma_start3A_1432 = arith.constant 0 : i32
        %dma_start3A_1433 = tpu.memref_slice %arg14[%mul3A_1430, %dma_start3A_1432] : memref<10112x16xf32, #tpu.memory_space<vmem_shared>> -> memref<632x16xf32, #tpu.memory_space<vmem_shared>>
        %dma_start3A_1434 = arith.constant 0 : i32
        %dma_start3A_1435 = tpu.memref_slice %arg6[%mul3A_1428, %dma_start3A_1434] : memref<10112x16xf32, #tpu.memory_space<hbm>> -> memref<632x16xf32, #tpu.memory_space<hbm>>
        tpu.enqueue_dma source(%dma_start3A_1435 : memref<632x16xf32, #tpu.memory_space<hbm>>) target(%dma_start3A_1433 : memref<632x16xf32, #tpu.memory_space<vmem_shared>>) target_semaphore(%run_scoped3A_1431 : memref<!tpu.dma_semaphore, #tpu.memory_space<semaphore_mem>>)
        %dma_wait3A_1436 = arith.constant 0 : i32
        %dma_wait3A_1437 = tpu.memref_slice %arg14[%mul3A_1430, %dma_wait3A_1436] : memref<10112x16xf32, #tpu.memory_space<vmem_shared>> -> memref<632x16xf32, #tpu.memory_space<vmem_shared>>
        %dma_wait3A_1438 = arith.constant 0 : i32
        %dma_wait3A_1439 = tpu.memref_slice %arg6[%mul3A_1428, %dma_wait3A_1438] : memref<10112x16xf32, #tpu.memory_space<hbm>> -> memref<632x16xf32, #tpu.memory_space<hbm>>
        tpu.wait_dma2 semaphore(%run_scoped3A_1431 : memref<!tpu.dma_semaphore, #tpu.memory_space<semaphore_mem>>) src(%dma_wait3A_1439 : memref<632x16xf32, #tpu.memory_space<hbm>>) dst(%dma_wait3A_1437 : memref<632x16xf32, #tpu.memory_space<vmem_shared>>)
        tpu.yield
      }) : () -> ()
    } else {
    }
    %mul3A_17 = arith.constant 632 : i32
    %mul3A_18 = arith.muli %arg1, %mul3A_17 : i32
    %mul3A_19 = arith.constant 632 : i32
    %mul3A_20 = arith.muli %arg1, %mul3A_19 : i32
    "tpu.region"() ({
      %run_scoped3A_1427 = tpu.sem_alloc : memref<!tpu.dma_semaphore, #tpu.memory_space<semaphore_mem>>
      %dma_start3A_1428 = tpu.memref_slice %arg15[%mul3A_20] : memref<10112xf32, #tpu.memory_space<vmem_shared>> -> memref<632xf32, #tpu.memory_space<vmem_shared>>
      %dma_start3A_1429 = tpu.memref_slice %arg7[%mul3A_18] : memref<10112xf32, #tpu.memory_space<hbm>> -> memref<632xf32, #tpu.memory_space<hbm>>
      tpu.enqueue_dma source(%dma_start3A_1429 : memref<632xf32, #tpu.memory_space<hbm>>) target(%dma_start3A_1428 : memref<632xf32, #tpu.memory_space<vmem_shared>>) target_semaphore(%run_scoped3A_1427 : memref<!tpu.dma_semaphore, #tpu.memory_space<semaphore_mem>>)
      %dma_wait3A_1430 = tpu.memref_slice %arg15[%mul3A_20] : memref<10112xf32, #tpu.memory_space<vmem_shared>> -> memref<632xf32, #tpu.memory_space<vmem_shared>>
      %dma_wait3A_1431 = tpu.memref_slice %arg7[%mul3A_18] : memref<10112xf32, #tpu.memory_space<hbm>> -> memref<632xf32, #tpu.memory_space<hbm>>
      tpu.wait_dma2 semaphore(%run_scoped3A_1427 : memref<!tpu.dma_semaphore, #tpu.memory_space<semaphore_mem>>) src(%dma_wait3A_1431 : memref<632xf32, #tpu.memory_space<hbm>>) dst(%dma_wait3A_1430 : memref<632xf32, #tpu.memory_space<vmem_shared>>)
      tpu.yield
    }) : () -> ()
    %broadcast_in_dim3A = arith.constant 1.000000e+00 : f32
    %broadcast_in_dim3A_21 = vector.broadcast %broadcast_in_dim3A : f32 to vector<16xf32>
    %swap3A = arith.constant 0 : index
    %swap3A_22 = tpu.vector_load %arg13[%swap3A] {strides = array<i32>} : memref<512xf32, #tpu.memory_space<vmem>>, vector<16xf32>,
    %swap3A_23 = vector.shape_cast %swap3A_22 : vector<16xf32> to vector<16xf32>
    %swap3A_24 = vector.shape_cast %broadcast_in_dim3A_21 : vector<16xf32> to vector<16xf32>
    tpu.vector_store %arg13[%swap3A], %swap3A_24 {strides = array<i32>} : memref<512xf32, #tpu.memory_space<vmem>>, vector<16xf32>,
    %broadcast_in_dim3A_25 = arith.constant 1.000000e+00 : f32
    %broadcast_in_dim3A_26 = vector.broadcast %broadcast_in_dim3A_25 : f32 to vector<16xf32>
    %swap3A_27 = arith.constant 16 : index
    %swap3A_28 = tpu.vector_load %arg13[%swap3A_27] {strides = array<i32>} : memref<512xf32, #tpu.memory_space<vmem>>, vector<16xf32>,
    %swap3A_29 = vector.shape_cast %swap3A_28 : vector<16xf32> to vector<16xf32>
    %swap3A_30 = vector.shape_cast %broadcast_in_dim3A_26 : vector<16xf32> to vector<16xf32>
    tpu.vector_store %arg13[%swap3A_27], %swap3A_30 {strides = array<i32>} : memref<512xf32, #tpu.memory_space<vmem>>, vector<16xf32>,
    %broadcast_in_dim3A_31 = arith.constant 1.000000e+00 : f32
    %broadcast_in_dim3A_32 = vector.broadcast %broadcast_in_dim3A_31 : f32 to vector<16xf32>
    %swap3A_33 = arith.constant 32 : index
    %swap3A_34 = tpu.vector_load %arg13[%swap3A_33] {strides = array<i32>} : memref<512xf32, #tpu.memory_space<vmem>>, vector<16xf32>,
    %swap3A_35 = vector.shape_cast %swap3A_34 : vector<16xf32> to vector<16xf32>
    %swap3A_36 = vector.shape_cast %broadcast_in_dim3A_32 : vector<16xf32> to vector<16xf32>
    tpu.vector_store %arg13[%swap3A_33], %swap3A_36 {strides = array<i32>} : memref<512xf32, #tpu.memory_space<vmem>>, vector<16xf32>,
    %broadcast_in_dim3A_37 = arith.constant 1.000000e+00 : f32
    %broadcast_in_dim3A_38 = vector.broadcast %broadcast_in_dim3A_37 : f32 to vector<16xf32>
    %swap3A_39 = arith.constant 48 : index
    %swap3A_40 = tpu.vector_load %arg13[%swap3A_39] {strides = array<i32>} : memref<512xf32, #tpu.memory_space<vmem>>, vector<16xf32>,
    %swap3A_41 = vector.shape_cast %swap3A_40 : vector<16xf32> to vector<16xf32>
    %swap3A_42 = vector.shape_cast %broadcast_in_dim3A_38 : vector<16xf32> to vector<16xf32>
    tpu.vector_store %arg13[%swap3A_39], %swap3A_42 {strides = array<i32>} : memref<512xf32, #tpu.memory_space<vmem>>, vector<16xf32>,
    %broadcast_in_dim3A_43 = arith.constant 1.000000e+00 : f32
    %broadcast_in_dim3A_44 = vector.broadcast %broadcast_in_dim3A_43 : f32 to vector<16xf32>
    %swap3A_45 = arith.constant 64 : index
    %swap3A_46 = tpu.vector_load %arg13[%swap3A_45] {strides = array<i32>} : memref<512xf32, #tpu.memory_space<vmem>>, vector<16xf32>,
    %swap3A_47 = vector.shape_cast %swap3A_46 : vector<16xf32> to vector<16xf32>
    %swap3A_48 = vector.shape_cast %broadcast_in_dim3A_44 : vector<16xf32> to vector<16xf32>
    tpu.vector_store %arg13[%swap3A_45], %swap3A_48 {strides = array<i32>} : memref<512xf32, #tpu.memory_space<vmem>>, vector<16xf32>,
    %broadcast_in_dim3A_49 = arith.constant 1.000000e+00 : f32
    %broadcast_in_dim3A_50 = vector.broadcast %broadcast_in_dim3A_49 : f32 to vector<16xf32>
    %swap3A_51 = arith.constant 80 : index
    %swap3A_52 = tpu.vector_load %arg13[%swap3A_51] {strides = array<i32>} : memref<512xf32, #tpu.memory_space<vmem>>, vector<16xf32>,
    %swap3A_53 = vector.shape_cast %swap3A_52 : vector<16xf32> to vector<16xf32>
    %swap3A_54 = vector.shape_cast %broadcast_in_dim3A_50 : vector<16xf32> to vector<16xf32>
    tpu.vector_store %arg13[%swap3A_51], %swap3A_54 {strides = array<i32>} : memref<512xf32, #tpu.memory_space<vmem>>, vector<16xf32>,
    %broadcast_in_dim3A_55 = arith.constant 1.000000e+00 : f32
    %broadcast_in_dim3A_56 = vector.broadcast %broadcast_in_dim3A_55 : f32 to vector<16xf32>
    %swap3A_57 = arith.constant 96 : index
    %swap3A_58 = tpu.vector_load %arg13[%swap3A_57] {strides = array<i32>} : memref<512xf32, #tpu.memory_space<vmem>>, vector<16xf32>,
    %swap3A_59 = vector.shape_cast %swap3A_58 : vector<16xf32> to vector<16xf32>
    %swap3A_60 = vector.shape_cast %broadcast_in_dim3A_56 : vector<16xf32> to vector<16xf32>
    tpu.vector_store %arg13[%swap3A_57], %swap3A_60 {strides = array<i32>} : memref<512xf32, #tpu.memory_space<vmem>>, vector<16xf32>,
    %broadcast_in_dim3A_61 = arith.constant 1.000000e+00 : f32
    %broadcast_in_dim3A_62 = vector.broadcast %broadcast_in_dim3A_61 : f32 to vector<16xf32>
    %swap3A_63 = arith.constant 112 : index
    %swap3A_64 = tpu.vector_load %arg13[%swap3A_63] {strides = array<i32>} : memref<512xf32, #tpu.memory_space<vmem>>, vector<16xf32>,
    %swap3A_65 = vector.shape_cast %swap3A_64 : vector<16xf32> to vector<16xf32>
    %swap3A_66 = vector.shape_cast %broadcast_in_dim3A_62 : vector<16xf32> to vector<16xf32>
    tpu.vector_store %arg13[%swap3A_63], %swap3A_66 {strides = array<i32>} : memref<512xf32, #tpu.memory_space<vmem>>, vector<16xf32>,
    %broadcast_in_dim3A_67 = arith.constant 1.000000e+00 : f32
    %broadcast_in_dim3A_68 = vector.broadcast %broadcast_in_dim3A_67 : f32 to vector<16xf32>
    %swap3A_69 = arith.constant 128 : index
    %swap3A_70 = tpu.vector_load %arg13[%swap3A_69] {strides = array<i32>} : memref<512xf32, #tpu.memory_space<vmem>>, vector<16xf32>,
    %swap3A_71 = vector.shape_cast %swap3A_70 : vector<16xf32> to vector<16xf32>
    %swap3A_72 = vector.shape_cast %broadcast_in_dim3A_68 : vector<16xf32> to vector<16xf32>
    tpu.vector_store %arg13[%swap3A_69], %swap3A_72 {strides = array<i32>} : memref<512xf32, #tpu.memory_space<vmem>>, vector<16xf32>,
    %broadcast_in_dim3A_73 = arith.constant 1.000000e+00 : f32
    %broadcast_in_dim3A_74 = vector.broadcast %broadcast_in_dim3A_73 : f32 to vector<16xf32>
    %swap3A_75 = arith.constant 144 : index
    %swap3A_76 = tpu.vector_load %arg13[%swap3A_75] {strides = array<i32>} : memref<512xf32, #tpu.memory_space<vmem>>, vector<16xf32>,
    %swap3A_77 = vector.shape_cast %swap3A_76 : vector<16xf32> to vector<16xf32>
    %swap3A_78 = vector.shape_cast %broadcast_in_dim3A_74 : vector<16xf32> to vector<16xf32>
    tpu.vector_store %arg13[%swap3A_75], %swap3A_78 {strides = array<i32>} : memref<512xf32, #tpu.memory_space<vmem>>, vector<16xf32>,
    %broadcast_in_dim3A_79 = arith.constant 1.000000e+00 : f32
    %broadcast_in_dim3A_80 = vector.broadcast %broadcast_in_dim3A_79 : f32 to vector<16xf32>
    %swap3A_81 = arith.constant 160 : index
    %swap3A_82 = tpu.vector_load %arg13[%swap3A_81] {strides = array<i32>} : memref<512xf32, #tpu.memory_space<vmem>>, vector<16xf32>,
    %swap3A_83 = vector.shape_cast %swap3A_82 : vector<16xf32> to vector<16xf32>
    %swap3A_84 = vector.shape_cast %broadcast_in_dim3A_80 : vector<16xf32> to vector<16xf32>
    tpu.vector_store %arg13[%swap3A_81], %swap3A_84 {strides = array<i32>} : memref<512xf32, #tpu.memory_space<vmem>>, vector<16xf32>,
    %broadcast_in_dim3A_85 = arith.constant 1.000000e+00 : f32
    %broadcast_in_dim3A_86 = vector.broadcast %broadcast_in_dim3A_85 : f32 to vector<16xf32>
    %swap3A_87 = arith.constant 176 : index
    %swap3A_88 = tpu.vector_load %arg13[%swap3A_87] {strides = array<i32>} : memref<512xf32, #tpu.memory_space<vmem>>, vector<16xf32>,
    %swap3A_89 = vector.shape_cast %swap3A_88 : vector<16xf32> to vector<16xf32>
    %swap3A_90 = vector.shape_cast %broadcast_in_dim3A_86 : vector<16xf32> to vector<16xf32>
    tpu.vector_store %arg13[%swap3A_87], %swap3A_90 {strides = array<i32>} : memref<512xf32, #tpu.memory_space<vmem>>, vector<16xf32>,
    %broadcast_in_dim3A_91 = arith.constant 1.000000e+00 : f32
    %broadcast_in_dim3A_92 = vector.broadcast %broadcast_in_dim3A_91 : f32 to vector<16xf32>
    %swap3A_93 = arith.constant 192 : index
    %swap3A_94 = tpu.vector_load %arg13[%swap3A_93] {strides = array<i32>} : memref<512xf32, #tpu.memory_space<vmem>>, vector<16xf32>,
    %swap3A_95 = vector.shape_cast %swap3A_94 : vector<16xf32> to vector<16xf32>
    %swap3A_96 = vector.shape_cast %broadcast_in_dim3A_92 : vector<16xf32> to vector<16xf32>
    tpu.vector_store %arg13[%swap3A_93], %swap3A_96 {strides = array<i32>} : memref<512xf32, #tpu.memory_space<vmem>>, vector<16xf32>,
    %broadcast_in_dim3A_97 = arith.constant 1.000000e+00 : f32
    %broadcast_in_dim3A_98 = vector.broadcast %broadcast_in_dim3A_97 : f32 to vector<16xf32>
    %swap3A_99 = arith.constant 208 : index
    %swap3A_100 = tpu.vector_load %arg13[%swap3A_99] {strides = array<i32>} : memref<512xf32, #tpu.memory_space<vmem>>, vector<16xf32>,
    %swap3A_101 = vector.shape_cast %swap3A_100 : vector<16xf32> to vector<16xf32>
    %swap3A_102 = vector.shape_cast %broadcast_in_dim3A_98 : vector<16xf32> to vector<16xf32>
    tpu.vector_store %arg13[%swap3A_99], %swap3A_102 {strides = array<i32>} : memref<512xf32, #tpu.memory_space<vmem>>, vector<16xf32>,
    %broadcast_in_dim3A_103 = arith.constant 1.000000e+00 : f32
    %broadcast_in_dim3A_104 = vector.broadcast %broadcast_in_dim3A_103 : f32 to vector<16xf32>
    %swap3A_105 = arith.constant 224 : index
    %swap3A_106 = tpu.vector_load %arg13[%swap3A_105] {strides = array<i32>} : memref<512xf32, #tpu.memory_space<vmem>>, vector<16xf32>,
    %swap3A_107 = vector.shape_cast %swap3A_106 : vector<16xf32> to vector<16xf32>
    %swap3A_108 = vector.shape_cast %broadcast_in_dim3A_104 : vector<16xf32> to vector<16xf32>
    tpu.vector_store %arg13[%swap3A_105], %swap3A_108 {strides = array<i32>} : memref<512xf32, #tpu.memory_space<vmem>>, vector<16xf32>,
    %broadcast_in_dim3A_109 = arith.constant 1.000000e+00 : f32
    %broadcast_in_dim3A_110 = vector.broadcast %broadcast_in_dim3A_109 : f32 to vector<16xf32>
    %swap3A_111 = arith.constant 240 : index
    %swap3A_112 = tpu.vector_load %arg13[%swap3A_111] {strides = array<i32>} : memref<512xf32, #tpu.memory_space<vmem>>, vector<16xf32>,
    %swap3A_113 = vector.shape_cast %swap3A_112 : vector<16xf32> to vector<16xf32>
    %swap3A_114 = vector.shape_cast %broadcast_in_dim3A_110 : vector<16xf32> to vector<16xf32>
    tpu.vector_store %arg13[%swap3A_111], %swap3A_114 {strides = array<i32>} : memref<512xf32, #tpu.memory_space<vmem>>, vector<16xf32>,
    %broadcast_in_dim3A_115 = arith.constant 1.000000e+00 : f32
    %broadcast_in_dim3A_116 = vector.broadcast %broadcast_in_dim3A_115 : f32 to vector<16xf32>
    %swap3A_117 = arith.constant 256 : index
    %swap3A_118 = tpu.vector_load %arg13[%swap3A_117] {strides = array<i32>} : memref<512xf32, #tpu.memory_space<vmem>>, vector<16xf32>,
    %swap3A_119 = vector.shape_cast %swap3A_118 : vector<16xf32> to vector<16xf32>
    %swap3A_120 = vector.shape_cast %broadcast_in_dim3A_116 : vector<16xf32> to vector<16xf32>
    tpu.vector_store %arg13[%swap3A_117], %swap3A_120 {strides = array<i32>} : memref<512xf32, #tpu.memory_space<vmem>>, vector<16xf32>,
    %broadcast_in_dim3A_121 = arith.constant 1.000000e+00 : f32
    %broadcast_in_dim3A_122 = vector.broadcast %broadcast_in_dim3A_121 : f32 to vector<16xf32>
    %swap3A_123 = arith.constant 272 : index
    %swap3A_124 = tpu.vector_load %arg13[%swap3A_123] {strides = array<i32>} : memref<512xf32, #tpu.memory_space<vmem>>, vector<16xf32>,
    %swap3A_125 = vector.shape_cast %swap3A_124 : vector<16xf32> to vector<16xf32>
    %swap3A_126 = vector.shape_cast %broadcast_in_dim3A_122 : vector<16xf32> to vector<16xf32>
    tpu.vector_store %arg13[%swap3A_123], %swap3A_126 {strides = array<i32>} : memref<512xf32, #tpu.memory_space<vmem>>, vector<16xf32>,
    %broadcast_in_dim3A_127 = arith.constant 1.000000e+00 : f32
    %broadcast_in_dim3A_128 = vector.broadcast %broadcast_in_dim3A_127 : f32 to vector<16xf32>
    %swap3A_129 = arith.constant 288 : index
    %swap3A_130 = tpu.vector_load %arg13[%swap3A_129] {strides = array<i32>} : memref<512xf32, #tpu.memory_space<vmem>>, vector<16xf32>,
    %swap3A_131 = vector.shape_cast %swap3A_130 : vector<16xf32> to vector<16xf32>
    %swap3A_132 = vector.shape_cast %broadcast_in_dim3A_128 : vector<16xf32> to vector<16xf32>
    tpu.vector_store %arg13[%swap3A_129], %swap3A_132 {strides = array<i32>} : memref<512xf32, #tpu.memory_space<vmem>>, vector<16xf32>,
    %broadcast_in_dim3A_133 = arith.constant 1.000000e+00 : f32
    %broadcast_in_dim3A_134 = vector.broadcast %broadcast_in_dim3A_133 : f32 to vector<16xf32>
    %swap3A_135 = arith.constant 304 : index
    %swap3A_136 = tpu.vector_load %arg13[%swap3A_135] {strides = array<i32>} : memref<512xf32, #tpu.memory_space<vmem>>, vector<16xf32>,
    %swap3A_137 = vector.shape_cast %swap3A_136 : vector<16xf32> to vector<16xf32>
    %swap3A_138 = vector.shape_cast %broadcast_in_dim3A_134 : vector<16xf32> to vector<16xf32>
    tpu.vector_store %arg13[%swap3A_135], %swap3A_138 {strides = array<i32>} : memref<512xf32, #tpu.memory_space<vmem>>, vector<16xf32>,
    %broadcast_in_dim3A_139 = arith.constant 1.000000e+00 : f32
    %broadcast_in_dim3A_140 = vector.broadcast %broadcast_in_dim3A_139 : f32 to vector<16xf32>
    %swap3A_141 = arith.constant 320 : index
    %swap3A_142 = tpu.vector_load %arg13[%swap3A_141] {strides = array<i32>} : memref<512xf32, #tpu.memory_space<vmem>>, vector<16xf32>,
    %swap3A_143 = vector.shape_cast %swap3A_142 : vector<16xf32> to vector<16xf32>
    %swap3A_144 = vector.shape_cast %broadcast_in_dim3A_140 : vector<16xf32> to vector<16xf32>
    tpu.vector_store %arg13[%swap3A_141], %swap3A_144 {strides = array<i32>} : memref<512xf32, #tpu.memory_space<vmem>>, vector<16xf32>,
    %broadcast_in_dim3A_145 = arith.constant 1.000000e+00 : f32
    %broadcast_in_dim3A_146 = vector.broadcast %broadcast_in_dim3A_145 : f32 to vector<16xf32>
    %swap3A_147 = arith.constant 336 : index
    %swap3A_148 = tpu.vector_load %arg13[%swap3A_147] {strides = array<i32>} : memref<512xf32, #tpu.memory_space<vmem>>, vector<16xf32>,
    %swap3A_149 = vector.shape_cast %swap3A_148 : vector<16xf32> to vector<16xf32>
    %swap3A_150 = vector.shape_cast %broadcast_in_dim3A_146 : vector<16xf32> to vector<16xf32>
    tpu.vector_store %arg13[%swap3A_147], %swap3A_150 {strides = array<i32>} : memref<512xf32, #tpu.memory_space<vmem>>, vector<16xf32>,
    %broadcast_in_dim3A_151 = arith.constant 1.000000e+00 : f32
    %broadcast_in_dim3A_152 = vector.broadcast %broadcast_in_dim3A_151 : f32 to vector<16xf32>
    %swap3A_153 = arith.constant 352 : index
    %swap3A_154 = tpu.vector_load %arg13[%swap3A_153] {strides = array<i32>} : memref<512xf32, #tpu.memory_space<vmem>>, vector<16xf32>,
    %swap3A_155 = vector.shape_cast %swap3A_154 : vector<16xf32> to vector<16xf32>
    %swap3A_156 = vector.shape_cast %broadcast_in_dim3A_152 : vector<16xf32> to vector<16xf32>
    tpu.vector_store %arg13[%swap3A_153], %swap3A_156 {strides = array<i32>} : memref<512xf32, #tpu.memory_space<vmem>>, vector<16xf32>,
    %broadcast_in_dim3A_157 = arith.constant 1.000000e+00 : f32
    %broadcast_in_dim3A_158 = vector.broadcast %broadcast_in_dim3A_157 : f32 to vector<16xf32>
    %swap3A_159 = arith.constant 368 : index
    %swap3A_160 = tpu.vector_load %arg13[%swap3A_159] {strides = array<i32>} : memref<512xf32, #tpu.memory_space<vmem>>, vector<16xf32>,
    %swap3A_161 = vector.shape_cast %swap3A_160 : vector<16xf32> to vector<16xf32>
    %swap3A_162 = vector.shape_cast %broadcast_in_dim3A_158 : vector<16xf32> to vector<16xf32>
    tpu.vector_store %arg13[%swap3A_159], %swap3A_162 {strides = array<i32>} : memref<512xf32, #tpu.memory_space<vmem>>, vector<16xf32>,
    %broadcast_in_dim3A_163 = arith.constant 1.000000e+00 : f32
    %broadcast_in_dim3A_164 = vector.broadcast %broadcast_in_dim3A_163 : f32 to vector<16xf32>
    %swap3A_165 = arith.constant 384 : index
    %swap3A_166 = tpu.vector_load %arg13[%swap3A_165] {strides = array<i32>} : memref<512xf32, #tpu.memory_space<vmem>>, vector<16xf32>,
    %swap3A_167 = vector.shape_cast %swap3A_166 : vector<16xf32> to vector<16xf32>
    %swap3A_168 = vector.shape_cast %broadcast_in_dim3A_164 : vector<16xf32> to vector<16xf32>
    tpu.vector_store %arg13[%swap3A_165], %swap3A_168 {strides = array<i32>} : memref<512xf32, #tpu.memory_space<vmem>>, vector<16xf32>,
    %broadcast_in_dim3A_169 = arith.constant 1.000000e+00 : f32
    %broadcast_in_dim3A_170 = vector.broadcast %broadcast_in_dim3A_169 : f32 to vector<16xf32>
    %swap3A_171 = arith.constant 400 : index
    %swap3A_172 = tpu.vector_load %arg13[%swap3A_171] {strides = array<i32>} : memref<512xf32, #tpu.memory_space<vmem>>, vector<16xf32>,
    %swap3A_173 = vector.shape_cast %swap3A_172 : vector<16xf32> to vector<16xf32>
    %swap3A_174 = vector.shape_cast %broadcast_in_dim3A_170 : vector<16xf32> to vector<16xf32>
    tpu.vector_store %arg13[%swap3A_171], %swap3A_174 {strides = array<i32>} : memref<512xf32, #tpu.memory_space<vmem>>, vector<16xf32>,
    %broadcast_in_dim3A_175 = arith.constant 1.000000e+00 : f32
    %broadcast_in_dim3A_176 = vector.broadcast %broadcast_in_dim3A_175 : f32 to vector<16xf32>
    %swap3A_177 = arith.constant 416 : index
    %swap3A_178 = tpu.vector_load %arg13[%swap3A_177] {strides = array<i32>} : memref<512xf32, #tpu.memory_space<vmem>>, vector<16xf32>,
    %swap3A_179 = vector.shape_cast %swap3A_178 : vector<16xf32> to vector<16xf32>
    %swap3A_180 = vector.shape_cast %broadcast_in_dim3A_176 : vector<16xf32> to vector<16xf32>
    tpu.vector_store %arg13[%swap3A_177], %swap3A_180 {strides = array<i32>} : memref<512xf32, #tpu.memory_space<vmem>>, vector<16xf32>,
    %broadcast_in_dim3A_181 = arith.constant 1.000000e+00 : f32
    %broadcast_in_dim3A_182 = vector.broadcast %broadcast_in_dim3A_181 : f32 to vector<16xf32>
    %swap3A_183 = arith.constant 432 : index
    %swap3A_184 = tpu.vector_load %arg13[%swap3A_183] {strides = array<i32>} : memref<512xf32, #tpu.memory_space<vmem>>, vector<16xf32>,
    %swap3A_185 = vector.shape_cast %swap3A_184 : vector<16xf32> to vector<16xf32>
    %swap3A_186 = vector.shape_cast %broadcast_in_dim3A_182 : vector<16xf32> to vector<16xf32>
    tpu.vector_store %arg13[%swap3A_183], %swap3A_186 {strides = array<i32>} : memref<512xf32, #tpu.memory_space<vmem>>, vector<16xf32>,
    %broadcast_in_dim3A_187 = arith.constant 1.000000e+00 : f32
    %broadcast_in_dim3A_188 = vector.broadcast %broadcast_in_dim3A_187 : f32 to vector<16xf32>
    %swap3A_189 = arith.constant 448 : index
    %swap3A_190 = tpu.vector_load %arg13[%swap3A_189] {strides = array<i32>} : memref<512xf32, #tpu.memory_space<vmem>>, vector<16xf32>,
    %swap3A_191 = vector.shape_cast %swap3A_190 : vector<16xf32> to vector<16xf32>
    %swap3A_192 = vector.shape_cast %broadcast_in_dim3A_188 : vector<16xf32> to vector<16xf32>
    tpu.vector_store %arg13[%swap3A_189], %swap3A_192 {strides = array<i32>} : memref<512xf32, #tpu.memory_space<vmem>>, vector<16xf32>,
    %broadcast_in_dim3A_193 = arith.constant 1.000000e+00 : f32
    %broadcast_in_dim3A_194 = vector.broadcast %broadcast_in_dim3A_193 : f32 to vector<16xf32>
    %swap3A_195 = arith.constant 464 : index
    %swap3A_196 = tpu.vector_load %arg13[%swap3A_195] {strides = array<i32>} : memref<512xf32, #tpu.memory_space<vmem>>, vector<16xf32>,
    %swap3A_197 = vector.shape_cast %swap3A_196 : vector<16xf32> to vector<16xf32>
    %swap3A_198 = vector.shape_cast %broadcast_in_dim3A_194 : vector<16xf32> to vector<16xf32>
    tpu.vector_store %arg13[%swap3A_195], %swap3A_198 {strides = array<i32>} : memref<512xf32, #tpu.memory_space<vmem>>, vector<16xf32>,
    %broadcast_in_dim3A_199 = arith.constant 1.000000e+00 : f32
    %broadcast_in_dim3A_200 = vector.broadcast %broadcast_in_dim3A_199 : f32 to vector<16xf32>
    %swap3A_201 = arith.constant 480 : index
    %swap3A_202 = tpu.vector_load %arg13[%swap3A_201] {strides = array<i32>} : memref<512xf32, #tpu.memory_space<vmem>>, vector<16xf32>,
    %swap3A_203 = vector.shape_cast %swap3A_202 : vector<16xf32> to vector<16xf32>
    %swap3A_204 = vector.shape_cast %broadcast_in_dim3A_200 : vector<16xf32> to vector<16xf32>
    tpu.vector_store %arg13[%swap3A_201], %swap3A_204 {strides = array<i32>} : memref<512xf32, #tpu.memory_space<vmem>>, vector<16xf32>,
    %broadcast_in_dim3A_205 = arith.constant 1.000000e+00 : f32
    %broadcast_in_dim3A_206 = vector.broadcast %broadcast_in_dim3A_205 : f32 to vector<16xf32>
    %swap3A_207 = arith.constant 496 : index
    %swap3A_208 = tpu.vector_load %arg13[%swap3A_207] {strides = array<i32>} : memref<512xf32, #tpu.memory_space<vmem>>, vector<16xf32>,
    %swap3A_209 = vector.shape_cast %swap3A_208 : vector<16xf32> to vector<16xf32>
    %swap3A_210 = vector.shape_cast %broadcast_in_dim3A_206 : vector<16xf32> to vector<16xf32>
    tpu.vector_store %arg13[%swap3A_207], %swap3A_210 {strides = array<i32>} : memref<512xf32, #tpu.memory_space<vmem>>, vector<16xf32>,
    %barrier3A = arith.constant 0 : index
    tpu.barrier barrier_id(%barrier3A)
    %mul3A_211 = arith.constant 10000 : i32
    %mul3A_212 = arith.muli %add3A, %mul3A_211 : i32
    %run_scoped3A = arith.constant 0 : i32
    "tpu.region"() ({
      %run_scoped3A_1427 = tpu.sem_alloc : memref<!tpu.dma_semaphore, #tpu.memory_space<semaphore_mem>>
      %dma_start3A_1428 = arith.constant 0 : i32
      %dma_start3A_1429 = tpu.memref_slice %arg10[%dma_start3A_1428] : memref<10240xi32, #tpu.memory_space<vmem>> -> memref<10000xi32, #tpu.memory_space<vmem>>
      %dma_start3A_1430 = tpu.memref_slice %arg3[%run_scoped3A, %mul3A_212] : memref<2x320000xi32, #tpu.memory_space<hbm>> -> memref<1x10000xi32, #tpu.memory_space<hbm>>
      %dma_start3A_1431 = tpu.memref_squeeze %dma_start3A_1430 : memref<1x10000xi32, #tpu.memory_space<hbm>> -> memref<10000xi32, #tpu.memory_space<hbm>>
      %dma_start3A_1432 = arith.constant 0 : i32
      %dma_start3A_1433 = tpu.memref_slice %arg10[%dma_start3A_1432] : memref<10240xi32, #tpu.memory_space<vmem>> -> memref<10000xi32, #tpu.memory_space<vmem>>
      %dma_start3A_1434 = tpu.memref_slice %arg3[%run_scoped3A, %mul3A_212] : memref<2x320000xi32, #tpu.memory_space<hbm>> -> memref<1x10000xi32, #tpu.memory_space<hbm>>
      %dma_start3A_1435 = tpu.memref_squeeze %dma_start3A_1434 : memref<1x10000xi32, #tpu.memory_space<hbm>> -> memref<10000xi32, #tpu.memory_space<hbm>>
      tpu.enqueue_dma source(%dma_start3A_1435 : memref<10000xi32, #tpu.memory_space<hbm>>) target(%dma_start3A_1433 : memref<10000xi32, #tpu.memory_space<vmem>>) target_semaphore(%run_scoped3A_1427 : memref<!tpu.dma_semaphore, #tpu.memory_space<semaphore_mem>>)
      %dma_wait3A_1436 = arith.constant 0 : i32
      %dma_wait3A_1437 = tpu.memref_slice %arg10[%dma_wait3A_1436] : memref<10240xi32, #tpu.memory_space<vmem>> -> memref<10000xi32, #tpu.memory_space<vmem>>
      %dma_wait3A_1438 = tpu.memref_slice %arg3[%run_scoped3A, %mul3A_212] : memref<2x320000xi32, #tpu.memory_space<hbm>> -> memref<1x10000xi32, #tpu.memory_space<hbm>>
      %dma_wait3A_1439 = tpu.memref_squeeze %dma_wait3A_1438 : memref<1x10000xi32, #tpu.memory_space<hbm>> -> memref<10000xi32, #tpu.memory_space<hbm>>
      %dma_wait3A_1440 = arith.constant 0 : i32
      %dma_wait3A_1441 = tpu.memref_slice %arg10[%dma_wait3A_1440] : memref<10240xi32, #tpu.memory_space<vmem>> -> memref<10000xi32, #tpu.memory_space<vmem>>
      %dma_wait3A_1442 = tpu.memref_slice %arg3[%run_scoped3A, %mul3A_212] : memref<2x320000xi32, #tpu.memory_space<hbm>> -> memref<1x10000xi32, #tpu.memory_space<hbm>>
      %dma_wait3A_1443 = tpu.memref_squeeze %dma_wait3A_1442 : memref<1x10000xi32, #tpu.memory_space<hbm>> -> memref<10000xi32, #tpu.memory_space<hbm>>
      tpu.wait_dma2 semaphore(%run_scoped3A_1427 : memref<!tpu.dma_semaphore, #tpu.memory_space<semaphore_mem>>) src(%dma_wait3A_1443 : memref<10000xi32, #tpu.memory_space<hbm>>) dst(%dma_wait3A_1441 : memref<10000xi32, #tpu.memory_space<vmem>>)
      tpu.yield
    }) : () -> ()
    %mul3A_213 = arith.constant 10000 : i32
    %mul3A_214 = arith.muli %add3A, %mul3A_213 : i32
    %run_scoped3A_215 = arith.constant 1 : i32
    "tpu.region"() ({
      %run_scoped3A_1427 = tpu.sem_alloc : memref<!tpu.dma_semaphore, #tpu.memory_space<semaphore_mem>>
      %dma_start3A_1428 = arith.constant 0 : i32
      %dma_start3A_1429 = tpu.memref_slice %arg11[%dma_start3A_1428] : memref<10240xi32, #tpu.memory_space<vmem>> -> memref<10000xi32, #tpu.memory_space<vmem>>
      %dma_start3A_1430 = tpu.memref_slice %arg3[%run_scoped3A_215, %mul3A_214] : memref<2x320000xi32, #tpu.memory_space<hbm>> -> memref<1x10000xi32, #tpu.memory_space<hbm>>
      %dma_start3A_1431 = tpu.memref_squeeze %dma_start3A_1430 : memref<1x10000xi32, #tpu.memory_space<hbm>> -> memref<10000xi32, #tpu.memory_space<hbm>>
      %dma_start3A_1432 = arith.constant 0 : i32
      %dma_start3A_1433 = tpu.memref_slice %arg11[%dma_start3A_1432] : memref<10240xi32, #tpu.memory_space<vmem>> -> memref<10000xi32, #tpu.memory_space<vmem>>
      %dma_start3A_1434 = tpu.memref_slice %arg3[%run_scoped3A_215, %mul3A_214] : memref<2x320000xi32, #tpu.memory_space<hbm>> -> memref<1x10000xi32, #tpu.memory_space<hbm>>
      %dma_start3A_1435 = tpu.memref_squeeze %dma_start3A_1434 : memref<1x10000xi32, #tpu.memory_space<hbm>> -> memref<10000xi32, #tpu.memory_space<hbm>>
      tpu.enqueue_dma source(%dma_start3A_1435 : memref<10000xi32, #tpu.memory_space<hbm>>) target(%dma_start3A_1433 : memref<10000xi32, #tpu.memory_space<vmem>>) target_semaphore(%run_scoped3A_1427 : memref<!tpu.dma_semaphore, #tpu.memory_space<semaphore_mem>>)
      %dma_wait3A_1436 = arith.constant 0 : i32
      %dma_wait3A_1437 = tpu.memref_slice %arg11[%dma_wait3A_1436] : memref<10240xi32, #tpu.memory_space<vmem>> -> memref<10000xi32, #tpu.memory_space<vmem>>
      %dma_wait3A_1438 = tpu.memref_slice %arg3[%run_scoped3A_215, %mul3A_214] : memref<2x320000xi32, #tpu.memory_space<hbm>> -> memref<1x10000xi32, #tpu.memory_space<hbm>>
      %dma_wait3A_1439 = tpu.memref_squeeze %dma_wait3A_1438 : memref<1x10000xi32, #tpu.memory_space<hbm>> -> memref<10000xi32, #tpu.memory_space<hbm>>
      %dma_wait3A_1440 = arith.constant 0 : i32
      %dma_wait3A_1441 = tpu.memref_slice %arg11[%dma_wait3A_1440] : memref<10240xi32, #tpu.memory_space<vmem>> -> memref<10000xi32, #tpu.memory_space<vmem>>
      %dma_wait3A_1442 = tpu.memref_slice %arg3[%run_scoped3A_215, %mul3A_214] : memref<2x320000xi32, #tpu.memory_space<hbm>> -> memref<1x10000xi32, #tpu.memory_space<hbm>>
      %dma_wait3A_1443 = tpu.memref_squeeze %dma_wait3A_1442 : memref<1x10000xi32, #tpu.memory_space<hbm>> -> memref<10000xi32, #tpu.memory_space<hbm>>
      tpu.wait_dma2 semaphore(%run_scoped3A_1427 : memref<!tpu.dma_semaphore, #tpu.memory_space<semaphore_mem>>) src(%dma_wait3A_1443 : memref<10000xi32, #tpu.memory_space<hbm>>) dst(%dma_wait3A_1441 : memref<10000xi32, #tpu.memory_space<vmem>>)
      tpu.yield
    }) : () -> ()
    %mul3A_216 = arith.constant 240 : i32
    %mul3A_217 = arith.muli %add3A, %mul3A_216 : i32
    "tpu.region"() ({
      %run_scoped3A_1427 = tpu.sem_alloc : memref<!tpu.dma_semaphore, #tpu.memory_space<semaphore_mem>>
      %dma_start3A_1428 = arith.constant 10000 : i32
      %dma_start3A_1429 = tpu.memref_slice %arg10[%dma_start3A_1428] : memref<10240xi32, #tpu.memory_space<vmem>> -> memref<240xi32, #tpu.memory_space<vmem>>
      %dma_start3A_1430 = tpu.memref_slice %arg4[%mul3A_217] : memref<7680xi32, #tpu.memory_space<hbm>> -> memref<240xi32, #tpu.memory_space<hbm>>
      %dma_start3A_1431 = arith.constant 10000 : i32
      %dma_start3A_1432 = tpu.memref_slice %arg10[%dma_start3A_1431] : memref<10240xi32, #tpu.memory_space<vmem>> -> memref<240xi32, #tpu.memory_space<vmem>>
      %dma_start3A_1433 = tpu.memref_slice %arg4[%mul3A_217] : memref<7680xi32, #tpu.memory_space<hbm>> -> memref<240xi32, #tpu.memory_space<hbm>>
      tpu.enqueue_dma source(%dma_start3A_1433 : memref<240xi32, #tpu.memory_space<hbm>>) target(%dma_start3A_1432 : memref<240xi32, #tpu.memory_space<vmem>>) target_semaphore(%run_scoped3A_1427 : memref<!tpu.dma_semaphore, #tpu.memory_space<semaphore_mem>>)
      %dma_wait3A_1434 = arith.constant 10000 : i32
      %dma_wait3A_1435 = tpu.memref_slice %arg10[%dma_wait3A_1434] : memref<10240xi32, #tpu.memory_space<vmem>> -> memref<240xi32, #tpu.memory_space<vmem>>
      %dma_wait3A_1436 = tpu.memref_slice %arg4[%mul3A_217] : memref<7680xi32, #tpu.memory_space<hbm>> -> memref<240xi32, #tpu.memory_space<hbm>>
      %dma_wait3A_1437 = arith.constant 10000 : i32
      %dma_wait3A_1438 = tpu.memref_slice %arg10[%dma_wait3A_1437] : memref<10240xi32, #tpu.memory_space<vmem>> -> memref<240xi32, #tpu.memory_space<vmem>>
      %dma_wait3A_1439 = tpu.memref_slice %arg4[%mul3A_217] : memref<7680xi32, #tpu.memory_space<hbm>> -> memref<240xi32, #tpu.memory_space<hbm>>
      tpu.wait_dma2 semaphore(%run_scoped3A_1427 : memref<!tpu.dma_semaphore, #tpu.memory_space<semaphore_mem>>) src(%dma_wait3A_1439 : memref<240xi32, #tpu.memory_space<hbm>>) dst(%dma_wait3A_1438 : memref<240xi32, #tpu.memory_space<vmem>>)
      tpu.yield
    }) : () -> ()
    %mul3A_218 = arith.constant 240 : i32
    %mul3A_219 = arith.muli %add3A, %mul3A_218 : i32
    "tpu.region"() ({
      %run_scoped3A_1427 = tpu.sem_alloc : memref<!tpu.dma_semaphore, #tpu.memory_space<semaphore_mem>>
      %dma_start3A_1428 = arith.constant 10000 : i32
      %dma_start3A_1429 = tpu.memref_slice %arg11[%dma_start3A_1428] : memref<10240xi32, #tpu.memory_space<vmem>> -> memref<240xi32, #tpu.memory_space<vmem>>
      %dma_start3A_1430 = tpu.memref_slice %arg5[%mul3A_219] : memref<7680xi32, #tpu.memory_space<hbm>> -> memref<240xi32, #tpu.memory_space<hbm>>
      %dma_start3A_1431 = arith.constant 10000 : i32
      %dma_start3A_1432 = tpu.memref_slice %arg11[%dma_start3A_1431] : memref<10240xi32, #tpu.memory_space<vmem>> -> memref<240xi32, #tpu.memory_space<vmem>>
      %dma_start3A_1433 = tpu.memref_slice %arg5[%mul3A_219] : memref<7680xi32, #tpu.memory_space<hbm>> -> memref<240xi32, #tpu.memory_space<hbm>>
      tpu.enqueue_dma source(%dma_start3A_1433 : memref<240xi32, #tpu.memory_space<hbm>>) target(%dma_start3A_1432 : memref<240xi32, #tpu.memory_space<vmem>>) target_semaphore(%run_scoped3A_1427 : memref<!tpu.dma_semaphore, #tpu.memory_space<semaphore_mem>>)
      %dma_wait3A_1434 = arith.constant 10000 : i32
      %dma_wait3A_1435 = tpu.memref_slice %arg11[%dma_wait3A_1434] : memref<10240xi32, #tpu.memory_space<vmem>> -> memref<240xi32, #tpu.memory_space<vmem>>
      %dma_wait3A_1436 = tpu.memref_slice %arg5[%mul3A_219] : memref<7680xi32, #tpu.memory_space<hbm>> -> memref<240xi32, #tpu.memory_space<hbm>>
      %dma_wait3A_1437 = arith.constant 10000 : i32
      %dma_wait3A_1438 = tpu.memref_slice %arg11[%dma_wait3A_1437] : memref<10240xi32, #tpu.memory_space<vmem>> -> memref<240xi32, #tpu.memory_space<vmem>>
      %dma_wait3A_1439 = tpu.memref_slice %arg5[%mul3A_219] : memref<7680xi32, #tpu.memory_space<hbm>> -> memref<240xi32, #tpu.memory_space<hbm>>
      tpu.wait_dma2 semaphore(%run_scoped3A_1427 : memref<!tpu.dma_semaphore, #tpu.memory_space<semaphore_mem>>) src(%dma_wait3A_1439 : memref<240xi32, #tpu.memory_space<hbm>>) dst(%dma_wait3A_1438 : memref<240xi32, #tpu.memory_space<vmem>>)
      tpu.yield
    }) : () -> ()
    %dma_start3A = arith.constant 0 : i32
    %dma_start3A_220 = arith.constant 0 : i32
    %dma_start3A_221 = arith.constant 0 : i32
    %dma_start3A_222 = arith.constant 0 : i32
    %dma_start3A_223 = tpu.memref_slice %arg12[%dma_start3A, %dma_start3A_221, %dma_start3A_222] : memref<8x512x16xf32, #tpu.memory_space<vmem>> -> memref<1x512x16xf32, #tpu.memory_space<vmem>>
    %dma_start3A_224 = tpu.memref_squeeze %dma_start3A_223 : memref<1x512x16xf32, #tpu.memory_space<vmem>> -> memref<512x16xf32, #tpu.memory_space<vmem>>
    %dma_start3A_225 = arith.constant 0 : i32
    %dma_start3A_226 = tpu.memref_slice %arg10[%dma_start3A_225] : memref<10240xi32, #tpu.memory_space<vmem>> -> memref<512xi32, #tpu.memory_space<vmem>>
    %dma_start3A_227 = arith.constant 0 : i32
    %dma_start3A_228 = arith.constant 0 : i32
    %dma_start3A_229 = tpu.memref_slice %arg2[%dma_start3A_227, %dma_start3A_228] : memref<10000x16xf32, #tpu.memory_space<hbm>> -> memref<10000x16xf32, #tpu.memory_space<hbm>>
    %dma_start3A_230 = tpu.memref_slice %arg16[%dma_start3A_220] : memref<8x!tpu.dma_semaphore, #tpu.memory_space<semaphore_mem>> -> memref<1x!tpu.dma_semaphore, #tpu.memory_space<semaphore_mem>>
    %dma_start3A_231 = tpu.memref_squeeze %dma_start3A_230 : memref<1x!tpu.dma_semaphore, #tpu.memory_space<semaphore_mem>> -> memref<!tpu.dma_semaphore, #tpu.memory_space<semaphore_mem>>
    tpu.enqueue_indirect_dma source(%dma_start3A_229 : memref<10000x16xf32, #tpu.memory_space<hbm>>) target(%dma_start3A_224 : memref<512x16xf32, #tpu.memory_space<vmem>>) offsets(%dma_start3A_226 : memref<512xi32, #tpu.memory_space<vmem>>) semaphore(%dma_start3A_231 : memref<!tpu.dma_semaphore, #tpu.memory_space<semaphore_mem>>)
    %dma_start3A_232 = arith.constant 1 : i32
    %dma_start3A_233 = arith.constant 1 : i32
    %dma_start3A_234 = arith.constant 0 : i32
    %dma_start3A_235 = arith.constant 0 : i32
    %dma_start3A_236 = tpu.memref_slice %arg12[%dma_start3A_232, %dma_start3A_234, %dma_start3A_235] : memref<8x512x16xf32, #tpu.memory_space<vmem>> -> memref<1x512x16xf32, #tpu.memory_space<vmem>>
    %dma_start3A_237 = tpu.memref_squeeze %dma_start3A_236 : memref<1x512x16xf32, #tpu.memory_space<vmem>> -> memref<512x16xf32, #tpu.memory_space<vmem>>
    %dma_start3A_238 = arith.constant 512 : i32
    %dma_start3A_239 = tpu.memref_slice %arg10[%dma_start3A_238] : memref<10240xi32, #tpu.memory_space<vmem>> -> memref<512xi32, #tpu.memory_space<vmem>>
    %dma_start3A_240 = arith.constant 0 : i32
    %dma_start3A_241 = arith.constant 0 : i32
    %dma_start3A_242 = tpu.memref_slice %arg2[%dma_start3A_240, %dma_start3A_241] : memref<10000x16xf32, #tpu.memory_space<hbm>> -> memref<10000x16xf32, #tpu.memory_space<hbm>>
    %dma_start3A_243 = tpu.memref_slice %arg16[%dma_start3A_233] : memref<8x!tpu.dma_semaphore, #tpu.memory_space<semaphore_mem>> -> memref<1x!tpu.dma_semaphore, #tpu.memory_space<semaphore_mem>>
    %dma_start3A_244 = tpu.memref_squeeze %dma_start3A_243 : memref<1x!tpu.dma_semaphore, #tpu.memory_space<semaphore_mem>> -> memref<!tpu.dma_semaphore, #tpu.memory_space<semaphore_mem>>
    tpu.enqueue_indirect_dma source(%dma_start3A_242 : memref<10000x16xf32, #tpu.memory_space<hbm>>) target(%dma_start3A_237 : memref<512x16xf32, #tpu.memory_space<vmem>>) offsets(%dma_start3A_239 : memref<512xi32, #tpu.memory_space<vmem>>) semaphore(%dma_start3A_244 : memref<!tpu.dma_semaphore, #tpu.memory_space<semaphore_mem>>)
    %dma_start3A_245 = arith.constant 2 : i32
    %dma_start3A_246 = arith.constant 2 : i32
    %dma_start3A_247 = arith.constant 0 : i32
    %dma_start3A_248 = arith.constant 0 : i32
    %dma_start3A_249 = tpu.memref_slice %arg12[%dma_start3A_245, %dma_start3A_247, %dma_start3A_248] : memref<8x512x16xf32, #tpu.memory_space<vmem>> -> memref<1x512x16xf32, #tpu.memory_space<vmem>>
    %dma_start3A_250 = tpu.memref_squeeze %dma_start3A_249 : memref<1x512x16xf32, #tpu.memory_space<vmem>> -> memref<512x16xf32, #tpu.memory_space<vmem>>
    %dma_start3A_251 = arith.constant 1024 : i32
    %dma_start3A_252 = tpu.memref_slice %arg10[%dma_start3A_251] : memref<10240xi32, #tpu.memory_space<vmem>> -> memref<512xi32, #tpu.memory_space<vmem>>
    %dma_start3A_253 = arith.constant 0 : i32
    %dma_start3A_254 = arith.constant 0 : i32
    %dma_start3A_255 = tpu.memref_slice %arg2[%dma_start3A_253, %dma_start3A_254] : memref<10000x16xf32, #tpu.memory_space<hbm>> -> memref<10000x16xf32, #tpu.memory_space<hbm>>
    %dma_start3A_256 = tpu.memref_slice %arg16[%dma_start3A_246] : memref<8x!tpu.dma_semaphore, #tpu.memory_space<semaphore_mem>> -> memref<1x!tpu.dma_semaphore, #tpu.memory_space<semaphore_mem>>
    %dma_start3A_257 = tpu.memref_squeeze %dma_start3A_256 : memref<1x!tpu.dma_semaphore, #tpu.memory_space<semaphore_mem>> -> memref<!tpu.dma_semaphore, #tpu.memory_space<semaphore_mem>>
    tpu.enqueue_indirect_dma source(%dma_start3A_255 : memref<10000x16xf32, #tpu.memory_space<hbm>>) target(%dma_start3A_250 : memref<512x16xf32, #tpu.memory_space<vmem>>) offsets(%dma_start3A_252 : memref<512xi32, #tpu.memory_space<vmem>>) semaphore(%dma_start3A_257 : memref<!tpu.dma_semaphore, #tpu.memory_space<semaphore_mem>>)
    %dma_wait3A = arith.constant 0 : i32
    %dma_wait3A_258 = arith.constant 0 : i32
    %dma_wait3A_259 = arith.constant 0 : i32
    %dma_wait3A_260 = arith.constant 0 : i32
    %dma_wait3A_261 = tpu.memref_slice %arg12[%dma_wait3A, %dma_wait3A_259, %dma_wait3A_260] : memref<8x512x16xf32, #tpu.memory_space<vmem>> -> memref<1x512x16xf32, #tpu.memory_space<vmem>>
    %dma_wait3A_262 = tpu.memref_squeeze %dma_wait3A_261 : memref<1x512x16xf32, #tpu.memory_space<vmem>> -> memref<512x16xf32, #tpu.memory_space<vmem>>
    %dma_wait3A_263 = arith.constant 0 : i32
    %dma_wait3A_264 = tpu.memref_slice %arg10[%dma_wait3A_263] : memref<10240xi32, #tpu.memory_space<vmem>> -> memref<512xi32, #tpu.memory_space<vmem>>
    %dma_wait3A_265 = arith.constant 0 : i32
    %dma_wait3A_266 = arith.constant 0 : i32
    %dma_wait3A_267 = tpu.memref_slice %arg2[%dma_wait3A_265, %dma_wait3A_266] : memref<10000x16xf32, #tpu.memory_space<hbm>> -> memref<10000x16xf32, #tpu.memory_space<hbm>>
    %dma_wait3A_268 = tpu.memref_slice %arg16[%dma_wait3A_258] : memref<8x!tpu.dma_semaphore, #tpu.memory_space<semaphore_mem>> -> memref<1x!tpu.dma_semaphore, #tpu.memory_space<semaphore_mem>>
    %dma_wait3A_269 = tpu.memref_squeeze %dma_wait3A_268 : memref<1x!tpu.dma_semaphore, #tpu.memory_space<semaphore_mem>> -> memref<!tpu.dma_semaphore, #tpu.memory_space<semaphore_mem>>
    tpu.wait_indirect_dma semaphore(%dma_wait3A_269 : memref<!tpu.dma_semaphore, #tpu.memory_space<semaphore_mem>>) src(%dma_wait3A_267 : memref<10000x16xf32, #tpu.memory_space<hbm>>) dst(%dma_wait3A_262 : memref<512x16xf32, #tpu.memory_space<vmem>>)
    %dma_start3A_270 = arith.constant 0 : i32
    %dma_start3A_271 = arith.constant 0 : i32
    %dma_start3A_272 = arith.constant 0 : i32
    %dma_start3A_273 = arith.constant 0 : i32
    %dma_start3A_274 = tpu.memref_slice %arg12[%dma_start3A_270, %dma_start3A_272, %dma_start3A_273] : memref<8x512x16xf32, #tpu.memory_space<vmem>> -> memref<1x512x16xf32, #tpu.memory_space<vmem>>
    %dma_start3A_275 = tpu.memref_squeeze %dma_start3A_274 : memref<1x512x16xf32, #tpu.memory_space<vmem>> -> memref<512x16xf32, #tpu.memory_space<vmem>>
    %dma_start3A_276 = arith.constant 0 : i32
    %dma_start3A_277 = tpu.memref_slice %arg11[%dma_start3A_276] : memref<10240xi32, #tpu.memory_space<vmem>> -> memref<512xi32, #tpu.memory_space<vmem>>
    %dma_start3A_278 = arith.constant 0 : i32
    %dma_start3A_279 = arith.constant 0 : i32
    %dma_start3A_280 = tpu.memref_slice %arg14[%dma_start3A_278, %dma_start3A_279] : memref<10112x16xf32, #tpu.memory_space<vmem_shared>> -> memref<10112x16xf32, #tpu.memory_space<vmem_shared>>
    %dma_start3A_281 = tpu.memref_slice %arg17[%dma_start3A_271] : memref<8x!tpu.dma_semaphore, #tpu.memory_space<semaphore_mem>> -> memref<1x!tpu.dma_semaphore, #tpu.memory_space<semaphore_mem>>
    %dma_start3A_282 = tpu.memref_squeeze %dma_start3A_281 : memref<1x!tpu.dma_semaphore, #tpu.memory_space<semaphore_mem>> -> memref<!tpu.dma_semaphore, #tpu.memory_space<semaphore_mem>>
    tpu.enqueue_indirect_dma source(%dma_start3A_275 : memref<512x16xf32, #tpu.memory_space<vmem>>) target(%dma_start3A_280 : memref<10112x16xf32, #tpu.memory_space<vmem_shared>>) offsets(%dma_start3A_277 : memref<512xi32, #tpu.memory_space<vmem>>) semaphore(%dma_start3A_282 : memref<!tpu.dma_semaphore, #tpu.memory_space<semaphore_mem>>) {add = true}
    %dma_start3A_283 = arith.constant 0 : i32
    %dma_start3A_284 = tpu.memref_slice %arg11[%dma_start3A_283] : memref<10240xi32, #tpu.memory_space<vmem>> -> memref<512xi32, #tpu.memory_space<vmem>>
    %dma_start3A_285 = arith.constant 0 : i32
    %dma_start3A_286 = tpu.memref_slice %arg15[%dma_start3A_285] : memref<10112xf32, #tpu.memory_space<vmem_shared>> -> memref<10112xf32, #tpu.memory_space<vmem_shared>>
    tpu.enqueue_indirect_dma source(%arg13 : memref<512xf32, #tpu.memory_space<vmem>>) target(%dma_start3A_286 : memref<10112xf32, #tpu.memory_space<vmem_shared>>) offsets(%dma_start3A_284 : memref<512xi32, #tpu.memory_space<vmem>>) semaphore(%arg18 : memref<!tpu.dma_semaphore, #tpu.memory_space<semaphore_mem>>) {add = true}
    %dma_start3A_287 = arith.constant 3 : i32
    %dma_start3A_288 = arith.constant 3 : i32
    %dma_start3A_289 = arith.constant 0 : i32
    %dma_start3A_290 = arith.constant 0 : i32
    %dma_start3A_291 = tpu.memref_slice %arg12[%dma_start3A_287, %dma_start3A_289, %dma_start3A_290] : memref<8x512x16xf32, #tpu.memory_space<vmem>> -> memref<1x512x16xf32, #tpu.memory_space<vmem>>
    %dma_start3A_292 = tpu.memref_squeeze %dma_start3A_291 : memref<1x512x16xf32, #tpu.memory_space<vmem>> -> memref<512x16xf32, #tpu.memory_space<vmem>>
    %dma_start3A_293 = arith.constant 1536 : i32
    %dma_start3A_294 = tpu.memref_slice %arg10[%dma_start3A_293] : memref<10240xi32, #tpu.memory_space<vmem>> -> memref<512xi32, #tpu.memory_space<vmem>>
    %dma_start3A_295 = arith.constant 0 : i32
    %dma_start3A_296 = arith.constant 0 : i32
    %dma_start3A_297 = tpu.memref_slice %arg2[%dma_start3A_295, %dma_start3A_296] : memref<10000x16xf32, #tpu.memory_space<hbm>> -> memref<10000x16xf32, #tpu.memory_space<hbm>>
    %dma_start3A_298 = tpu.memref_slice %arg16[%dma_start3A_288] : memref<8x!tpu.dma_semaphore, #tpu.memory_space<semaphore_mem>> -> memref<1x!tpu.dma_semaphore, #tpu.memory_space<semaphore_mem>>
    %dma_start3A_299 = tpu.memref_squeeze %dma_start3A_298 : memref<1x!tpu.dma_semaphore, #tpu.memory_space<semaphore_mem>> -> memref<!tpu.dma_semaphore, #tpu.memory_space<semaphore_mem>>
    tpu.enqueue_indirect_dma source(%dma_start3A_297 : memref<10000x16xf32, #tpu.memory_space<hbm>>) target(%dma_start3A_292 : memref<512x16xf32, #tpu.memory_space<vmem>>) offsets(%dma_start3A_294 : memref<512xi32, #tpu.memory_space<vmem>>) semaphore(%dma_start3A_299 : memref<!tpu.dma_semaphore, #tpu.memory_space<semaphore_mem>>)
    %dma_wait3A_300 = arith.constant 1 : i32
    %dma_wait3A_301 = arith.constant 1 : i32
    %dma_wait3A_302 = arith.constant 0 : i32
    %dma_wait3A_303 = arith.constant 0 : i32
    %dma_wait3A_304 = tpu.memref_slice %arg12[%dma_wait3A_300, %dma_wait3A_302, %dma_wait3A_303] : memref<8x512x16xf32, #tpu.memory_space<vmem>> -> memref<1x512x16xf32, #tpu.memory_space<vmem>>
    %dma_wait3A_305 = tpu.memref_squeeze %dma_wait3A_304 : memref<1x512x16xf32, #tpu.memory_space<vmem>> -> memref<512x16xf32, #tpu.memory_space<vmem>>
    %dma_wait3A_306 = arith.constant 0 : i32
    %dma_wait3A_307 = tpu.memref_slice %arg10[%dma_wait3A_306] : memref<10240xi32, #tpu.memory_space<vmem>> -> memref<512xi32, #tpu.memory_space<vmem>>
    %dma_wait3A_308 = arith.constant 0 : i32
    %dma_wait3A_309 = arith.constant 0 : i32
    %dma_wait3A_310 = tpu.memref_slice %arg2[%dma_wait3A_308, %dma_wait3A_309] : memref<10000x16xf32, #tpu.memory_space<hbm>> -> memref<10000x16xf32, #tpu.memory_space<hbm>>
    %dma_wait3A_311 = tpu.memref_slice %arg16[%dma_wait3A_301] : memref<8x!tpu.dma_semaphore, #tpu.memory_space<semaphore_mem>> -> memref<1x!tpu.dma_semaphore, #tpu.memory_space<semaphore_mem>>
    %dma_wait3A_312 = tpu.memref_squeeze %dma_wait3A_311 : memref<1x!tpu.dma_semaphore, #tpu.memory_space<semaphore_mem>> -> memref<!tpu.dma_semaphore, #tpu.memory_space<semaphore_mem>>
    tpu.wait_indirect_dma semaphore(%dma_wait3A_312 : memref<!tpu.dma_semaphore, #tpu.memory_space<semaphore_mem>>) src(%dma_wait3A_310 : memref<10000x16xf32, #tpu.memory_space<hbm>>) dst(%dma_wait3A_305 : memref<512x16xf32, #tpu.memory_space<vmem>>)
    %dma_start3A_313 = arith.constant 1 : i32
    %dma_start3A_314 = arith.constant 1 : i32
    %dma_start3A_315 = arith.constant 0 : i32
    %dma_start3A_316 = arith.constant 0 : i32
    %dma_start3A_317 = tpu.memref_slice %arg12[%dma_start3A_313, %dma_start3A_315, %dma_start3A_316] : memref<8x512x16xf32, #tpu.memory_space<vmem>> -> memref<1x512x16xf32, #tpu.memory_space<vmem>>
    %dma_start3A_318 = tpu.memref_squeeze %dma_start3A_317 : memref<1x512x16xf32, #tpu.memory_space<vmem>> -> memref<512x16xf32, #tpu.memory_space<vmem>>
    %dma_start3A_319 = arith.constant 512 : i32
    %dma_start3A_320 = tpu.memref_slice %arg11[%dma_start3A_319] : memref<10240xi32, #tpu.memory_space<vmem>> -> memref<512xi32, #tpu.memory_space<vmem>>
    %dma_start3A_321 = arith.constant 0 : i32
    %dma_start3A_322 = arith.constant 0 : i32
    %dma_start3A_323 = tpu.memref_slice %arg14[%dma_start3A_321, %dma_start3A_322] : memref<10112x16xf32, #tpu.memory_space<vmem_shared>> -> memref<10112x16xf32, #tpu.memory_space<vmem_shared>>
    %dma_start3A_324 = tpu.memref_slice %arg17[%dma_start3A_314] : memref<8x!tpu.dma_semaphore, #tpu.memory_space<semaphore_mem>> -> memref<1x!tpu.dma_semaphore, #tpu.memory_space<semaphore_mem>>
    %dma_start3A_325 = tpu.memref_squeeze %dma_start3A_324 : memref<1x!tpu.dma_semaphore, #tpu.memory_space<semaphore_mem>> -> memref<!tpu.dma_semaphore, #tpu.memory_space<semaphore_mem>>
    tpu.enqueue_indirect_dma source(%dma_start3A_318 : memref<512x16xf32, #tpu.memory_space<vmem>>) target(%dma_start3A_323 : memref<10112x16xf32, #tpu.memory_space<vmem_shared>>) offsets(%dma_start3A_320 : memref<512xi32, #tpu.memory_space<vmem>>) semaphore(%dma_start3A_325 : memref<!tpu.dma_semaphore, #tpu.memory_space<semaphore_mem>>) {add = true}
    %dma_start3A_326 = arith.constant 512 : i32
    %dma_start3A_327 = tpu.memref_slice %arg11[%dma_start3A_326] : memref<10240xi32, #tpu.memory_space<vmem>> -> memref<512xi32, #tpu.memory_space<vmem>>
    %dma_start3A_328 = arith.constant 0 : i32
    %dma_start3A_329 = tpu.memref_slice %arg15[%dma_start3A_328] : memref<10112xf32, #tpu.memory_space<vmem_shared>> -> memref<10112xf32, #tpu.memory_space<vmem_shared>>
    tpu.enqueue_indirect_dma source(%arg13 : memref<512xf32, #tpu.memory_space<vmem>>) target(%dma_start3A_329 : memref<10112xf32, #tpu.memory_space<vmem_shared>>) offsets(%dma_start3A_327 : memref<512xi32, #tpu.memory_space<vmem>>) semaphore(%arg18 : memref<!tpu.dma_semaphore, #tpu.memory_space<semaphore_mem>>) {add = true}
    %dma_start3A_330 = arith.constant 4 : i32
    %dma_start3A_331 = arith.constant 4 : i32
    %dma_start3A_332 = arith.constant 0 : i32
    %dma_start3A_333 = arith.constant 0 : i32
    %dma_start3A_334 = tpu.memref_slice %arg12[%dma_start3A_330, %dma_start3A_332, %dma_start3A_333] : memref<8x512x16xf32, #tpu.memory_space<vmem>> -> memref<1x512x16xf32, #tpu.memory_space<vmem>>
    %dma_start3A_335 = tpu.memref_squeeze %dma_start3A_334 : memref<1x512x16xf32, #tpu.memory_space<vmem>> -> memref<512x16xf32, #tpu.memory_space<vmem>>
    %dma_start3A_336 = arith.constant 2048 : i32
    %dma_start3A_337 = tpu.memref_slice %arg10[%dma_start3A_336] : memref<10240xi32, #tpu.memory_space<vmem>> -> memref<512xi32, #tpu.memory_space<vmem>>
    %dma_start3A_338 = arith.constant 0 : i32
    %dma_start3A_339 = arith.constant 0 : i32
    %dma_start3A_340 = tpu.memref_slice %arg2[%dma_start3A_338, %dma_start3A_339] : memref<10000x16xf32, #tpu.memory_space<hbm>> -> memref<10000x16xf32, #tpu.memory_space<hbm>>
    %dma_start3A_341 = tpu.memref_slice %arg16[%dma_start3A_331] : memref<8x!tpu.dma_semaphore, #tpu.memory_space<semaphore_mem>> -> memref<1x!tpu.dma_semaphore, #tpu.memory_space<semaphore_mem>>
    %dma_start3A_342 = tpu.memref_squeeze %dma_start3A_341 : memref<1x!tpu.dma_semaphore, #tpu.memory_space<semaphore_mem>> -> memref<!tpu.dma_semaphore, #tpu.memory_space<semaphore_mem>>
    tpu.enqueue_indirect_dma source(%dma_start3A_340 : memref<10000x16xf32, #tpu.memory_space<hbm>>) target(%dma_start3A_335 : memref<512x16xf32, #tpu.memory_space<vmem>>) offsets(%dma_start3A_337 : memref<512xi32, #tpu.memory_space<vmem>>) semaphore(%dma_start3A_342 : memref<!tpu.dma_semaphore, #tpu.memory_space<semaphore_mem>>)
    %dma_wait3A_343 = arith.constant 2 : i32
    %dma_wait3A_344 = arith.constant 2 : i32
    %dma_wait3A_345 = arith.constant 0 : i32
    %dma_wait3A_346 = arith.constant 0 : i32
    %dma_wait3A_347 = tpu.memref_slice %arg12[%dma_wait3A_343, %dma_wait3A_345, %dma_wait3A_346] : memref<8x512x16xf32, #tpu.memory_space<vmem>> -> memref<1x512x16xf32, #tpu.memory_space<vmem>>
    %dma_wait3A_348 = tpu.memref_squeeze %dma_wait3A_347 : memref<1x512x16xf32, #tpu.memory_space<vmem>> -> memref<512x16xf32, #tpu.memory_space<vmem>>
    %dma_wait3A_349 = arith.constant 0 : i32
    %dma_wait3A_350 = tpu.memref_slice %arg10[%dma_wait3A_349] : memref<10240xi32, #tpu.memory_space<vmem>> -> memref<512xi32, #tpu.memory_space<vmem>>
    %dma_wait3A_351 = arith.constant 0 : i32
    %dma_wait3A_352 = arith.constant 0 : i32
    %dma_wait3A_353 = tpu.memref_slice %arg2[%dma_wait3A_351, %dma_wait3A_352] : memref<10000x16xf32, #tpu.memory_space<hbm>> -> memref<10000x16xf32, #tpu.memory_space<hbm>>
    %dma_wait3A_354 = tpu.memref_slice %arg16[%dma_wait3A_344] : memref<8x!tpu.dma_semaphore, #tpu.memory_space<semaphore_mem>> -> memref<1x!tpu.dma_semaphore, #tpu.memory_space<semaphore_mem>>
    %dma_wait3A_355 = tpu.memref_squeeze %dma_wait3A_354 : memref<1x!tpu.dma_semaphore, #tpu.memory_space<semaphore_mem>> -> memref<!tpu.dma_semaphore, #tpu.memory_space<semaphore_mem>>
    tpu.wait_indirect_dma semaphore(%dma_wait3A_355 : memref<!tpu.dma_semaphore, #tpu.memory_space<semaphore_mem>>) src(%dma_wait3A_353 : memref<10000x16xf32, #tpu.memory_space<hbm>>) dst(%dma_wait3A_348 : memref<512x16xf32, #tpu.memory_space<vmem>>)
    %dma_start3A_356 = arith.constant 2 : i32
    %dma_start3A_357 = arith.constant 2 : i32
    %dma_start3A_358 = arith.constant 0 : i32
    %dma_start3A_359 = arith.constant 0 : i32
    %dma_start3A_360 = tpu.memref_slice %arg12[%dma_start3A_356, %dma_start3A_358, %dma_start3A_359] : memref<8x512x16xf32, #tpu.memory_space<vmem>> -> memref<1x512x16xf32, #tpu.memory_space<vmem>>
    %dma_start3A_361 = tpu.memref_squeeze %dma_start3A_360 : memref<1x512x16xf32, #tpu.memory_space<vmem>> -> memref<512x16xf32, #tpu.memory_space<vmem>>
    %dma_start3A_362 = arith.constant 1024 : i32
    %dma_start3A_363 = tpu.memref_slice %arg11[%dma_start3A_362] : memref<10240xi32, #tpu.memory_space<vmem>> -> memref<512xi32, #tpu.memory_space<vmem>>
    %dma_start3A_364 = arith.constant 0 : i32
    %dma_start3A_365 = arith.constant 0 : i32
    %dma_start3A_366 = tpu.memref_slice %arg14[%dma_start3A_364, %dma_start3A_365] : memref<10112x16xf32, #tpu.memory_space<vmem_shared>> -> memref<10112x16xf32, #tpu.memory_space<vmem_shared>>
    %dma_start3A_367 = tpu.memref_slice %arg17[%dma_start3A_357] : memref<8x!tpu.dma_semaphore, #tpu.memory_space<semaphore_mem>> -> memref<1x!tpu.dma_semaphore, #tpu.memory_space<semaphore_mem>>
    %dma_start3A_368 = tpu.memref_squeeze %dma_start3A_367 : memref<1x!tpu.dma_semaphore, #tpu.memory_space<semaphore_mem>> -> memref<!tpu.dma_semaphore, #tpu.memory_space<semaphore_mem>>
    tpu.enqueue_indirect_dma source(%dma_start3A_361 : memref<512x16xf32, #tpu.memory_space<vmem>>) target(%dma_start3A_366 : memref<10112x16xf32, #tpu.memory_space<vmem_shared>>) offsets(%dma_start3A_363 : memref<512xi32, #tpu.memory_space<vmem>>) semaphore(%dma_start3A_368 : memref<!tpu.dma_semaphore, #tpu.memory_space<semaphore_mem>>) {add = true}
    %dma_start3A_369 = arith.constant 1024 : i32
    %dma_start3A_370 = tpu.memref_slice %arg11[%dma_start3A_369] : memref<10240xi32, #tpu.memory_space<vmem>> -> memref<512xi32, #tpu.memory_space<vmem>>
    %dma_start3A_371 = arith.constant 0 : i32
    %dma_start3A_372 = tpu.memref_slice %arg15[%dma_start3A_371] : memref<10112xf32, #tpu.memory_space<vmem_shared>> -> memref<10112xf32, #tpu.memory_space<vmem_shared>>
    tpu.enqueue_indirect_dma source(%arg13 : memref<512xf32, #tpu.memory_space<vmem>>) target(%dma_start3A_372 : memref<10112xf32, #tpu.memory_space<vmem_shared>>) offsets(%dma_start3A_370 : memref<512xi32, #tpu.memory_space<vmem>>) semaphore(%arg18 : memref<!tpu.dma_semaphore, #tpu.memory_space<semaphore_mem>>) {add = true}
    %dma_start3A_373 = arith.constant 5 : i32
    %dma_start3A_374 = arith.constant 5 : i32
    %dma_start3A_375 = arith.constant 0 : i32
    %dma_start3A_376 = arith.constant 0 : i32
    %dma_start3A_377 = tpu.memref_slice %arg12[%dma_start3A_373, %dma_start3A_375, %dma_start3A_376] : memref<8x512x16xf32, #tpu.memory_space<vmem>> -> memref<1x512x16xf32, #tpu.memory_space<vmem>>
    %dma_start3A_378 = tpu.memref_squeeze %dma_start3A_377 : memref<1x512x16xf32, #tpu.memory_space<vmem>> -> memref<512x16xf32, #tpu.memory_space<vmem>>
    %dma_start3A_379 = arith.constant 2560 : i32
    %dma_start3A_380 = tpu.memref_slice %arg10[%dma_start3A_379] : memref<10240xi32, #tpu.memory_space<vmem>> -> memref<512xi32, #tpu.memory_space<vmem>>
    %dma_start3A_381 = arith.constant 0 : i32
    %dma_start3A_382 = arith.constant 0 : i32
    %dma_start3A_383 = tpu.memref_slice %arg2[%dma_start3A_381, %dma_start3A_382] : memref<10000x16xf32, #tpu.memory_space<hbm>> -> memref<10000x16xf32, #tpu.memory_space<hbm>>
    %dma_start3A_384 = tpu.memref_slice %arg16[%dma_start3A_374] : memref<8x!tpu.dma_semaphore, #tpu.memory_space<semaphore_mem>> -> memref<1x!tpu.dma_semaphore, #tpu.memory_space<semaphore_mem>>
    %dma_start3A_385 = tpu.memref_squeeze %dma_start3A_384 : memref<1x!tpu.dma_semaphore, #tpu.memory_space<semaphore_mem>> -> memref<!tpu.dma_semaphore, #tpu.memory_space<semaphore_mem>>
    tpu.enqueue_indirect_dma source(%dma_start3A_383 : memref<10000x16xf32, #tpu.memory_space<hbm>>) target(%dma_start3A_378 : memref<512x16xf32, #tpu.memory_space<vmem>>) offsets(%dma_start3A_380 : memref<512xi32, #tpu.memory_space<vmem>>) semaphore(%dma_start3A_385 : memref<!tpu.dma_semaphore, #tpu.memory_space<semaphore_mem>>)
    %dma_wait3A_386 = arith.constant 3 : i32
    %dma_wait3A_387 = arith.constant 3 : i32
    %dma_wait3A_388 = arith.constant 0 : i32
    %dma_wait3A_389 = arith.constant 0 : i32
    %dma_wait3A_390 = tpu.memref_slice %arg12[%dma_wait3A_386, %dma_wait3A_388, %dma_wait3A_389] : memref<8x512x16xf32, #tpu.memory_space<vmem>> -> memref<1x512x16xf32, #tpu.memory_space<vmem>>
    %dma_wait3A_391 = tpu.memref_squeeze %dma_wait3A_390 : memref<1x512x16xf32, #tpu.memory_space<vmem>> -> memref<512x16xf32, #tpu.memory_space<vmem>>
    %dma_wait3A_392 = arith.constant 0 : i32
    %dma_wait3A_393 = tpu.memref_slice %arg10[%dma_wait3A_392] : memref<10240xi32, #tpu.memory_space<vmem>> -> memref<512xi32, #tpu.memory_space<vmem>>
    %dma_wait3A_394 = arith.constant 0 : i32
    %dma_wait3A_395 = arith.constant 0 : i32
    %dma_wait3A_396 = tpu.memref_slice %arg2[%dma_wait3A_394, %dma_wait3A_395] : memref<10000x16xf32, #tpu.memory_space<hbm>> -> memref<10000x16xf32, #tpu.memory_space<hbm>>
    %dma_wait3A_397 = tpu.memref_slice %arg16[%dma_wait3A_387] : memref<8x!tpu.dma_semaphore, #tpu.memory_space<semaphore_mem>> -> memref<1x!tpu.dma_semaphore, #tpu.memory_space<semaphore_mem>>
    %dma_wait3A_398 = tpu.memref_squeeze %dma_wait3A_397 : memref<1x!tpu.dma_semaphore, #tpu.memory_space<semaphore_mem>> -> memref<!tpu.dma_semaphore, #tpu.memory_space<semaphore_mem>>
    tpu.wait_indirect_dma semaphore(%dma_wait3A_398 : memref<!tpu.dma_semaphore, #tpu.memory_space<semaphore_mem>>) src(%dma_wait3A_396 : memref<10000x16xf32, #tpu.memory_space<hbm>>) dst(%dma_wait3A_391 : memref<512x16xf32, #tpu.memory_space<vmem>>)
    %dma_start3A_399 = arith.constant 3 : i32
    %dma_start3A_400 = arith.constant 3 : i32
    %dma_start3A_401 = arith.constant 0 : i32
    %dma_start3A_402 = arith.constant 0 : i32
    %dma_start3A_403 = tpu.memref_slice %arg12[%dma_start3A_399, %dma_start3A_401, %dma_start3A_402] : memref<8x512x16xf32, #tpu.memory_space<vmem>> -> memref<1x512x16xf32, #tpu.memory_space<vmem>>
    %dma_start3A_404 = tpu.memref_squeeze %dma_start3A_403 : memref<1x512x16xf32, #tpu.memory_space<vmem>> -> memref<512x16xf32, #tpu.memory_space<vmem>>
    %dma_start3A_405 = arith.constant 1536 : i32
    %dma_start3A_406 = tpu.memref_slice %arg11[%dma_start3A_405] : memref<10240xi32, #tpu.memory_space<vmem>> -> memref<512xi32, #tpu.memory_space<vmem>>
    %dma_start3A_407 = arith.constant 0 : i32
    %dma_start3A_408 = arith.constant 0 : i32
    %dma_start3A_409 = tpu.memref_slice %arg14[%dma_start3A_407, %dma_start3A_408] : memref<10112x16xf32, #tpu.memory_space<vmem_shared>> -> memref<10112x16xf32, #tpu.memory_space<vmem_shared>>
    %dma_start3A_410 = tpu.memref_slice %arg17[%dma_start3A_400] : memref<8x!tpu.dma_semaphore, #tpu.memory_space<semaphore_mem>> -> memref<1x!tpu.dma_semaphore, #tpu.memory_space<semaphore_mem>>
    %dma_start3A_411 = tpu.memref_squeeze %dma_start3A_410 : memref<1x!tpu.dma_semaphore, #tpu.memory_space<semaphore_mem>> -> memref<!tpu.dma_semaphore, #tpu.memory_space<semaphore_mem>>
    tpu.enqueue_indirect_dma source(%dma_start3A_404 : memref<512x16xf32, #tpu.memory_space<vmem>>) target(%dma_start3A_409 : memref<10112x16xf32, #tpu.memory_space<vmem_shared>>) offsets(%dma_start3A_406 : memref<512xi32, #tpu.memory_space<vmem>>) semaphore(%dma_start3A_411 : memref<!tpu.dma_semaphore, #tpu.memory_space<semaphore_mem>>) {add = true}
    %dma_start3A_412 = arith.constant 1536 : i32
    %dma_start3A_413 = tpu.memref_slice %arg11[%dma_start3A_412] : memref<10240xi32, #tpu.memory_space<vmem>> -> memref<512xi32, #tpu.memory_space<vmem>>
    %dma_start3A_414 = arith.constant 0 : i32
    %dma_start3A_415 = tpu.memref_slice %arg15[%dma_start3A_414] : memref<10112xf32, #tpu.memory_space<vmem_shared>> -> memref<10112xf32, #tpu.memory_space<vmem_shared>>
    tpu.enqueue_indirect_dma source(%arg13 : memref<512xf32, #tpu.memory_space<vmem>>) target(%dma_start3A_415 : memref<10112xf32, #tpu.memory_space<vmem_shared>>) offsets(%dma_start3A_413 : memref<512xi32, #tpu.memory_space<vmem>>) semaphore(%arg18 : memref<!tpu.dma_semaphore, #tpu.memory_space<semaphore_mem>>) {add = true}
    %dma_start3A_416 = arith.constant 6 : i32
    %dma_start3A_417 = arith.constant 6 : i32
    %dma_start3A_418 = arith.constant 0 : i32
    %dma_start3A_419 = arith.constant 0 : i32
    %dma_start3A_420 = tpu.memref_slice %arg12[%dma_start3A_416, %dma_start3A_418, %dma_start3A_419] : memref<8x512x16xf32, #tpu.memory_space<vmem>> -> memref<1x512x16xf32, #tpu.memory_space<vmem>>
    %dma_start3A_421 = tpu.memref_squeeze %dma_start3A_420 : memref<1x512x16xf32, #tpu.memory_space<vmem>> -> memref<512x16xf32, #tpu.memory_space<vmem>>
    %dma_start3A_422 = arith.constant 3072 : i32
    %dma_start3A_423 = tpu.memref_slice %arg10[%dma_start3A_422] : memref<10240xi32, #tpu.memory_space<vmem>> -> memref<512xi32, #tpu.memory_space<vmem>>
    %dma_start3A_424 = arith.constant 0 : i32
    %dma_start3A_425 = arith.constant 0 : i32
    %dma_start3A_426 = tpu.memref_slice %arg2[%dma_start3A_424, %dma_start3A_425] : memref<10000x16xf32, #tpu.memory_space<hbm>> -> memref<10000x16xf32, #tpu.memory_space<hbm>>
    %dma_start3A_427 = tpu.memref_slice %arg16[%dma_start3A_417] : memref<8x!tpu.dma_semaphore, #tpu.memory_space<semaphore_mem>> -> memref<1x!tpu.dma_semaphore, #tpu.memory_space<semaphore_mem>>
    %dma_start3A_428 = tpu.memref_squeeze %dma_start3A_427 : memref<1x!tpu.dma_semaphore, #tpu.memory_space<semaphore_mem>> -> memref<!tpu.dma_semaphore, #tpu.memory_space<semaphore_mem>>
    tpu.enqueue_indirect_dma source(%dma_start3A_426 : memref<10000x16xf32, #tpu.memory_space<hbm>>) target(%dma_start3A_421 : memref<512x16xf32, #tpu.memory_space<vmem>>) offsets(%dma_start3A_423 : memref<512xi32, #tpu.memory_space<vmem>>) semaphore(%dma_start3A_428 : memref<!tpu.dma_semaphore, #tpu.memory_space<semaphore_mem>>)
    %dma_wait3A_429 = arith.constant 4 : i32
    %dma_wait3A_430 = arith.constant 4 : i32
    %dma_wait3A_431 = arith.constant 0 : i32
    %dma_wait3A_432 = arith.constant 0 : i32
    %dma_wait3A_433 = tpu.memref_slice %arg12[%dma_wait3A_429, %dma_wait3A_431, %dma_wait3A_432] : memref<8x512x16xf32, #tpu.memory_space<vmem>> -> memref<1x512x16xf32, #tpu.memory_space<vmem>>
    %dma_wait3A_434 = tpu.memref_squeeze %dma_wait3A_433 : memref<1x512x16xf32, #tpu.memory_space<vmem>> -> memref<512x16xf32, #tpu.memory_space<vmem>>
    %dma_wait3A_435 = arith.constant 0 : i32
    %dma_wait3A_436 = tpu.memref_slice %arg10[%dma_wait3A_435] : memref<10240xi32, #tpu.memory_space<vmem>> -> memref<512xi32, #tpu.memory_space<vmem>>
    %dma_wait3A_437 = arith.constant 0 : i32
    %dma_wait3A_438 = arith.constant 0 : i32
    %dma_wait3A_439 = tpu.memref_slice %arg2[%dma_wait3A_437, %dma_wait3A_438] : memref<10000x16xf32, #tpu.memory_space<hbm>> -> memref<10000x16xf32, #tpu.memory_space<hbm>>
    %dma_wait3A_440 = tpu.memref_slice %arg16[%dma_wait3A_430] : memref<8x!tpu.dma_semaphore, #tpu.memory_space<semaphore_mem>> -> memref<1x!tpu.dma_semaphore, #tpu.memory_space<semaphore_mem>>
    %dma_wait3A_441 = tpu.memref_squeeze %dma_wait3A_440 : memref<1x!tpu.dma_semaphore, #tpu.memory_space<semaphore_mem>> -> memref<!tpu.dma_semaphore, #tpu.memory_space<semaphore_mem>>
    tpu.wait_indirect_dma semaphore(%dma_wait3A_441 : memref<!tpu.dma_semaphore, #tpu.memory_space<semaphore_mem>>) src(%dma_wait3A_439 : memref<10000x16xf32, #tpu.memory_space<hbm>>) dst(%dma_wait3A_434 : memref<512x16xf32, #tpu.memory_space<vmem>>)
    %dma_start3A_442 = arith.constant 4 : i32
    %dma_start3A_443 = arith.constant 4 : i32
    %dma_start3A_444 = arith.constant 0 : i32
    %dma_start3A_445 = arith.constant 0 : i32
    %dma_start3A_446 = tpu.memref_slice %arg12[%dma_start3A_442, %dma_start3A_444, %dma_start3A_445] : memref<8x512x16xf32, #tpu.memory_space<vmem>> -> memref<1x512x16xf32, #tpu.memory_space<vmem>>
    %dma_start3A_447 = tpu.memref_squeeze %dma_start3A_446 : memref<1x512x16xf32, #tpu.memory_space<vmem>> -> memref<512x16xf32, #tpu.memory_space<vmem>>
    %dma_start3A_448 = arith.constant 2048 : i32
    %dma_start3A_449 = tpu.memref_slice %arg11[%dma_start3A_448] : memref<10240xi32, #tpu.memory_space<vmem>> -> memref<512xi32, #tpu.memory_space<vmem>>
    %dma_start3A_450 = arith.constant 0 : i32
    %dma_start3A_451 = arith.constant 0 : i32
    %dma_start3A_452 = tpu.memref_slice %arg14[%dma_start3A_450, %dma_start3A_451] : memref<10112x16xf32, #tpu.memory_space<vmem_shared>> -> memref<10112x16xf32, #tpu.memory_space<vmem_shared>>
    %dma_start3A_453 = tpu.memref_slice %arg17[%dma_start3A_443] : memref<8x!tpu.dma_semaphore, #tpu.memory_space<semaphore_mem>> -> memref<1x!tpu.dma_semaphore, #tpu.memory_space<semaphore_mem>>
    %dma_start3A_454 = tpu.memref_squeeze %dma_start3A_453 : memref<1x!tpu.dma_semaphore, #tpu.memory_space<semaphore_mem>> -> memref<!tpu.dma_semaphore, #tpu.memory_space<semaphore_mem>>
    tpu.enqueue_indirect_dma source(%dma_start3A_447 : memref<512x16xf32, #tpu.memory_space<vmem>>) target(%dma_start3A_452 : memref<10112x16xf32, #tpu.memory_space<vmem_shared>>) offsets(%dma_start3A_449 : memref<512xi32, #tpu.memory_space<vmem>>) semaphore(%dma_start3A_454 : memref<!tpu.dma_semaphore, #tpu.memory_space<semaphore_mem>>) {add = true}
    %dma_start3A_455 = arith.constant 2048 : i32
    %dma_start3A_456 = tpu.memref_slice %arg11[%dma_start3A_455] : memref<10240xi32, #tpu.memory_space<vmem>> -> memref<512xi32, #tpu.memory_space<vmem>>
    %dma_start3A_457 = arith.constant 0 : i32
    %dma_start3A_458 = tpu.memref_slice %arg15[%dma_start3A_457] : memref<10112xf32, #tpu.memory_space<vmem_shared>> -> memref<10112xf32, #tpu.memory_space<vmem_shared>>
    tpu.enqueue_indirect_dma source(%arg13 : memref<512xf32, #tpu.memory_space<vmem>>) target(%dma_start3A_458 : memref<10112xf32, #tpu.memory_space<vmem_shared>>) offsets(%dma_start3A_456 : memref<512xi32, #tpu.memory_space<vmem>>) semaphore(%arg18 : memref<!tpu.dma_semaphore, #tpu.memory_space<semaphore_mem>>) {add = true}
    %dma_start3A_459 = arith.constant 7 : i32
    %dma_start3A_460 = arith.constant 7 : i32
    %dma_start3A_461 = arith.constant 0 : i32
    %dma_start3A_462 = arith.constant 0 : i32
    %dma_start3A_463 = tpu.memref_slice %arg12[%dma_start3A_459, %dma_start3A_461, %dma_start3A_462] : memref<8x512x16xf32, #tpu.memory_space<vmem>> -> memref<1x512x16xf32, #tpu.memory_space<vmem>>
    %dma_start3A_464 = tpu.memref_squeeze %dma_start3A_463 : memref<1x512x16xf32, #tpu.memory_space<vmem>> -> memref<512x16xf32, #tpu.memory_space<vmem>>
    %dma_start3A_465 = arith.constant 3584 : i32
    %dma_start3A_466 = tpu.memref_slice %arg10[%dma_start3A_465] : memref<10240xi32, #tpu.memory_space<vmem>> -> memref<512xi32, #tpu.memory_space<vmem>>
    %dma_start3A_467 = arith.constant 0 : i32
    %dma_start3A_468 = arith.constant 0 : i32
    %dma_start3A_469 = tpu.memref_slice %arg2[%dma_start3A_467, %dma_start3A_468] : memref<10000x16xf32, #tpu.memory_space<hbm>> -> memref<10000x16xf32, #tpu.memory_space<hbm>>
    %dma_start3A_470 = tpu.memref_slice %arg16[%dma_start3A_460] : memref<8x!tpu.dma_semaphore, #tpu.memory_space<semaphore_mem>> -> memref<1x!tpu.dma_semaphore, #tpu.memory_space<semaphore_mem>>
    %dma_start3A_471 = tpu.memref_squeeze %dma_start3A_470 : memref<1x!tpu.dma_semaphore, #tpu.memory_space<semaphore_mem>> -> memref<!tpu.dma_semaphore, #tpu.memory_space<semaphore_mem>>
    tpu.enqueue_indirect_dma source(%dma_start3A_469 : memref<10000x16xf32, #tpu.memory_space<hbm>>) target(%dma_start3A_464 : memref<512x16xf32, #tpu.memory_space<vmem>>) offsets(%dma_start3A_466 : memref<512xi32, #tpu.memory_space<vmem>>) semaphore(%dma_start3A_471 : memref<!tpu.dma_semaphore, #tpu.memory_space<semaphore_mem>>)
    %dma_wait3A_472 = arith.constant 5 : i32
    %dma_wait3A_473 = arith.constant 5 : i32
    %dma_wait3A_474 = arith.constant 0 : i32
    %dma_wait3A_475 = arith.constant 0 : i32
    %dma_wait3A_476 = tpu.memref_slice %arg12[%dma_wait3A_472, %dma_wait3A_474, %dma_wait3A_475] : memref<8x512x16xf32, #tpu.memory_space<vmem>> -> memref<1x512x16xf32, #tpu.memory_space<vmem>>
    %dma_wait3A_477 = tpu.memref_squeeze %dma_wait3A_476 : memref<1x512x16xf32, #tpu.memory_space<vmem>> -> memref<512x16xf32, #tpu.memory_space<vmem>>
    %dma_wait3A_478 = arith.constant 0 : i32
    %dma_wait3A_479 = tpu.memref_slice %arg10[%dma_wait3A_478] : memref<10240xi32, #tpu.memory_space<vmem>> -> memref<512xi32, #tpu.memory_space<vmem>>
    %dma_wait3A_480 = arith.constant 0 : i32
    %dma_wait3A_481 = arith.constant 0 : i32
    %dma_wait3A_482 = tpu.memref_slice %arg2[%dma_wait3A_480, %dma_wait3A_481] : memref<10000x16xf32, #tpu.memory_space<hbm>> -> memref<10000x16xf32, #tpu.memory_space<hbm>>
    %dma_wait3A_483 = tpu.memref_slice %arg16[%dma_wait3A_473] : memref<8x!tpu.dma_semaphore, #tpu.memory_space<semaphore_mem>> -> memref<1x!tpu.dma_semaphore, #tpu.memory_space<semaphore_mem>>
    %dma_wait3A_484 = tpu.memref_squeeze %dma_wait3A_483 : memref<1x!tpu.dma_semaphore, #tpu.memory_space<semaphore_mem>> -> memref<!tpu.dma_semaphore, #tpu.memory_space<semaphore_mem>>
    tpu.wait_indirect_dma semaphore(%dma_wait3A_484 : memref<!tpu.dma_semaphore, #tpu.memory_space<semaphore_mem>>) src(%dma_wait3A_482 : memref<10000x16xf32, #tpu.memory_space<hbm>>) dst(%dma_wait3A_477 : memref<512x16xf32, #tpu.memory_space<vmem>>)
    %dma_start3A_485 = arith.constant 5 : i32
    %dma_start3A_486 = arith.constant 5 : i32
    %dma_start3A_487 = arith.constant 0 : i32
    %dma_start3A_488 = arith.constant 0 : i32
    %dma_start3A_489 = tpu.memref_slice %arg12[%dma_start3A_485, %dma_start3A_487, %dma_start3A_488] : memref<8x512x16xf32, #tpu.memory_space<vmem>> -> memref<1x512x16xf32, #tpu.memory_space<vmem>>
    %dma_start3A_490 = tpu.memref_squeeze %dma_start3A_489 : memref<1x512x16xf32, #tpu.memory_space<vmem>> -> memref<512x16xf32, #tpu.memory_space<vmem>>
    %dma_start3A_491 = arith.constant 2560 : i32
    %dma_start3A_492 = tpu.memref_slice %arg11[%dma_start3A_491] : memref<10240xi32, #tpu.memory_space<vmem>> -> memref<512xi32, #tpu.memory_space<vmem>>
    %dma_start3A_493 = arith.constant 0 : i32
    %dma_start3A_494 = arith.constant 0 : i32
    %dma_start3A_495 = tpu.memref_slice %arg14[%dma_start3A_493, %dma_start3A_494] : memref<10112x16xf32, #tpu.memory_space<vmem_shared>> -> memref<10112x16xf32, #tpu.memory_space<vmem_shared>>
    %dma_start3A_496 = tpu.memref_slice %arg17[%dma_start3A_486] : memref<8x!tpu.dma_semaphore, #tpu.memory_space<semaphore_mem>> -> memref<1x!tpu.dma_semaphore, #tpu.memory_space<semaphore_mem>>
    %dma_start3A_497 = tpu.memref_squeeze %dma_start3A_496 : memref<1x!tpu.dma_semaphore, #tpu.memory_space<semaphore_mem>> -> memref<!tpu.dma_semaphore, #tpu.memory_space<semaphore_mem>>
    tpu.enqueue_indirect_dma source(%dma_start3A_490 : memref<512x16xf32, #tpu.memory_space<vmem>>) target(%dma_start3A_495 : memref<10112x16xf32, #tpu.memory_space<vmem_shared>>) offsets(%dma_start3A_492 : memref<512xi32, #tpu.memory_space<vmem>>) semaphore(%dma_start3A_497 : memref<!tpu.dma_semaphore, #tpu.memory_space<semaphore_mem>>) {add = true}
    %dma_start3A_498 = arith.constant 2560 : i32
    %dma_start3A_499 = tpu.memref_slice %arg11[%dma_start3A_498] : memref<10240xi32, #tpu.memory_space<vmem>> -> memref<512xi32, #tpu.memory_space<vmem>>
    %dma_start3A_500 = arith.constant 0 : i32
    %dma_start3A_501 = tpu.memref_slice %arg15[%dma_start3A_500] : memref<10112xf32, #tpu.memory_space<vmem_shared>> -> memref<10112xf32, #tpu.memory_space<vmem_shared>>
    tpu.enqueue_indirect_dma source(%arg13 : memref<512xf32, #tpu.memory_space<vmem>>) target(%dma_start3A_501 : memref<10112xf32, #tpu.memory_space<vmem_shared>>) offsets(%dma_start3A_499 : memref<512xi32, #tpu.memory_space<vmem>>) semaphore(%arg18 : memref<!tpu.dma_semaphore, #tpu.memory_space<semaphore_mem>>) {add = true}
    %dma_wait3A_502 = arith.constant 0 : i32
    %dma_wait3A_503 = arith.constant 0 : i32
    %dma_wait3A_504 = arith.constant 0 : i32
    %dma_wait3A_505 = arith.constant 0 : i32
    %dma_wait3A_506 = tpu.memref_slice %arg12[%dma_wait3A_502, %dma_wait3A_504, %dma_wait3A_505] : memref<8x512x16xf32, #tpu.memory_space<vmem>> -> memref<1x512x16xf32, #tpu.memory_space<vmem>>
    %dma_wait3A_507 = tpu.memref_squeeze %dma_wait3A_506 : memref<1x512x16xf32, #tpu.memory_space<vmem>> -> memref<512x16xf32, #tpu.memory_space<vmem>>
    %dma_wait3A_508 = arith.constant 0 : i32
    %dma_wait3A_509 = tpu.memref_slice %arg11[%dma_wait3A_508] : memref<10240xi32, #tpu.memory_space<vmem>> -> memref<512xi32, #tpu.memory_space<vmem>>
    %dma_wait3A_510 = arith.constant 0 : i32
    %dma_wait3A_511 = arith.constant 0 : i32
    %dma_wait3A_512 = tpu.memref_slice %arg14[%dma_wait3A_510, %dma_wait3A_511] : memref<10112x16xf32, #tpu.memory_space<vmem_shared>> -> memref<10112x16xf32, #tpu.memory_space<vmem_shared>>
    %dma_wait3A_513 = tpu.memref_slice %arg17[%dma_wait3A_503] : memref<8x!tpu.dma_semaphore, #tpu.memory_space<semaphore_mem>> -> memref<1x!tpu.dma_semaphore, #tpu.memory_space<semaphore_mem>>
    %dma_wait3A_514 = tpu.memref_squeeze %dma_wait3A_513 : memref<1x!tpu.dma_semaphore, #tpu.memory_space<semaphore_mem>> -> memref<!tpu.dma_semaphore, #tpu.memory_space<semaphore_mem>>
    tpu.wait_indirect_dma semaphore(%dma_wait3A_514 : memref<!tpu.dma_semaphore, #tpu.memory_space<semaphore_mem>>) src(%dma_wait3A_507 : memref<512x16xf32, #tpu.memory_space<vmem>>) dst(%dma_wait3A_512 : memref<10112x16xf32, #tpu.memory_space<vmem_shared>>)
    %dma_start3A_515 = arith.constant 0 : i32
    %dma_start3A_516 = arith.constant 0 : i32
    %dma_start3A_517 = arith.constant 0 : i32
    %dma_start3A_518 = arith.constant 0 : i32
    %dma_start3A_519 = tpu.memref_slice %arg12[%dma_start3A_515, %dma_start3A_517, %dma_start3A_518] : memref<8x512x16xf32, #tpu.memory_space<vmem>> -> memref<1x512x16xf32, #tpu.memory_space<vmem>>
    %dma_start3A_520 = tpu.memref_squeeze %dma_start3A_519 : memref<1x512x16xf32, #tpu.memory_space<vmem>> -> memref<512x16xf32, #tpu.memory_space<vmem>>
    %dma_start3A_521 = arith.constant 4096 : i32
    %dma_start3A_522 = tpu.memref_slice %arg10[%dma_start3A_521] : memref<10240xi32, #tpu.memory_space<vmem>> -> memref<512xi32, #tpu.memory_space<vmem>>
    %dma_start3A_523 = arith.constant 0 : i32
    %dma_start3A_524 = arith.constant 0 : i32
    %dma_start3A_525 = tpu.memref_slice %arg2[%dma_start3A_523, %dma_start3A_524] : memref<10000x16xf32, #tpu.memory_space<hbm>> -> memref<10000x16xf32, #tpu.memory_space<hbm>>
    %dma_start3A_526 = tpu.memref_slice %arg16[%dma_start3A_516] : memref<8x!tpu.dma_semaphore, #tpu.memory_space<semaphore_mem>> -> memref<1x!tpu.dma_semaphore, #tpu.memory_space<semaphore_mem>>
    %dma_start3A_527 = tpu.memref_squeeze %dma_start3A_526 : memref<1x!tpu.dma_semaphore, #tpu.memory_space<semaphore_mem>> -> memref<!tpu.dma_semaphore, #tpu.memory_space<semaphore_mem>>
    tpu.enqueue_indirect_dma source(%dma_start3A_525 : memref<10000x16xf32, #tpu.memory_space<hbm>>) target(%dma_start3A_520 : memref<512x16xf32, #tpu.memory_space<vmem>>) offsets(%dma_start3A_522 : memref<512xi32, #tpu.memory_space<vmem>>) semaphore(%dma_start3A_527 : memref<!tpu.dma_semaphore, #tpu.memory_space<semaphore_mem>>)
    %dma_wait3A_528 = arith.constant 6 : i32
    %dma_wait3A_529 = arith.constant 6 : i32
    %dma_wait3A_530 = arith.constant 0 : i32
    %dma_wait3A_531 = arith.constant 0 : i32
    %dma_wait3A_532 = tpu.memref_slice %arg12[%dma_wait3A_528, %dma_wait3A_530, %dma_wait3A_531] : memref<8x512x16xf32, #tpu.memory_space<vmem>> -> memref<1x512x16xf32, #tpu.memory_space<vmem>>
    %dma_wait3A_533 = tpu.memref_squeeze %dma_wait3A_532 : memref<1x512x16xf32, #tpu.memory_space<vmem>> -> memref<512x16xf32, #tpu.memory_space<vmem>>
    %dma_wait3A_534 = arith.constant 0 : i32
    %dma_wait3A_535 = tpu.memref_slice %arg10[%dma_wait3A_534] : memref<10240xi32, #tpu.memory_space<vmem>> -> memref<512xi32, #tpu.memory_space<vmem>>
    %dma_wait3A_536 = arith.constant 0 : i32
    %dma_wait3A_537 = arith.constant 0 : i32
    %dma_wait3A_538 = tpu.memref_slice %arg2[%dma_wait3A_536, %dma_wait3A_537] : memref<10000x16xf32, #tpu.memory_space<hbm>> -> memref<10000x16xf32, #tpu.memory_space<hbm>>
    %dma_wait3A_539 = tpu.memref_slice %arg16[%dma_wait3A_529] : memref<8x!tpu.dma_semaphore, #tpu.memory_space<semaphore_mem>> -> memref<1x!tpu.dma_semaphore, #tpu.memory_space<semaphore_mem>>
    %dma_wait3A_540 = tpu.memref_squeeze %dma_wait3A_539 : memref<1x!tpu.dma_semaphore, #tpu.memory_space<semaphore_mem>> -> memref<!tpu.dma_semaphore, #tpu.memory_space<semaphore_mem>>
    tpu.wait_indirect_dma semaphore(%dma_wait3A_540 : memref<!tpu.dma_semaphore, #tpu.memory_space<semaphore_mem>>) src(%dma_wait3A_538 : memref<10000x16xf32, #tpu.memory_space<hbm>>) dst(%dma_wait3A_533 : memref<512x16xf32, #tpu.memory_space<vmem>>)
    %dma_start3A_541 = arith.constant 6 : i32
    %dma_start3A_542 = arith.constant 6 : i32
    %dma_start3A_543 = arith.constant 0 : i32
    %dma_start3A_544 = arith.constant 0 : i32
    %dma_start3A_545 = tpu.memref_slice %arg12[%dma_start3A_541, %dma_start3A_543, %dma_start3A_544] : memref<8x512x16xf32, #tpu.memory_space<vmem>> -> memref<1x512x16xf32, #tpu.memory_space<vmem>>
    %dma_start3A_546 = tpu.memref_squeeze %dma_start3A_545 : memref<1x512x16xf32, #tpu.memory_space<vmem>> -> memref<512x16xf32, #tpu.memory_space<vmem>>
    %dma_start3A_547 = arith.constant 3072 : i32
    %dma_start3A_548 = tpu.memref_slice %arg11[%dma_start3A_547] : memref<10240xi32, #tpu.memory_space<vmem>> -> memref<512xi32, #tpu.memory_space<vmem>>
    %dma_start3A_549 = arith.constant 0 : i32
    %dma_start3A_550 = arith.constant 0 : i32
    %dma_start3A_551 = tpu.memref_slice %arg14[%dma_start3A_549, %dma_start3A_550] : memref<10112x16xf32, #tpu.memory_space<vmem_shared>> -> memref<10112x16xf32, #tpu.memory_space<vmem_shared>>
    %dma_start3A_552 = tpu.memref_slice %arg17[%dma_start3A_542] : memref<8x!tpu.dma_semaphore, #tpu.memory_space<semaphore_mem>> -> memref<1x!tpu.dma_semaphore, #tpu.memory_space<semaphore_mem>>
    %dma_start3A_553 = tpu.memref_squeeze %dma_start3A_552 : memref<1x!tpu.dma_semaphore, #tpu.memory_space<semaphore_mem>> -> memref<!tpu.dma_semaphore, #tpu.memory_space<semaphore_mem>>
    tpu.enqueue_indirect_dma source(%dma_start3A_546 : memref<512x16xf32, #tpu.memory_space<vmem>>) target(%dma_start3A_551 : memref<10112x16xf32, #tpu.memory_space<vmem_shared>>) offsets(%dma_start3A_548 : memref<512xi32, #tpu.memory_space<vmem>>) semaphore(%dma_start3A_553 : memref<!tpu.dma_semaphore, #tpu.memory_space<semaphore_mem>>) {add = true}
    %dma_start3A_554 = arith.constant 3072 : i32
    %dma_start3A_555 = tpu.memref_slice %arg11[%dma_start3A_554] : memref<10240xi32, #tpu.memory_space<vmem>> -> memref<512xi32, #tpu.memory_space<vmem>>
    %dma_start3A_556 = arith.constant 0 : i32
    %dma_start3A_557 = tpu.memref_slice %arg15[%dma_start3A_556] : memref<10112xf32, #tpu.memory_space<vmem_shared>> -> memref<10112xf32, #tpu.memory_space<vmem_shared>>
    tpu.enqueue_indirect_dma source(%arg13 : memref<512xf32, #tpu.memory_space<vmem>>) target(%dma_start3A_557 : memref<10112xf32, #tpu.memory_space<vmem_shared>>) offsets(%dma_start3A_555 : memref<512xi32, #tpu.memory_space<vmem>>) semaphore(%arg18 : memref<!tpu.dma_semaphore, #tpu.memory_space<semaphore_mem>>) {add = true}
    %dma_wait3A_558 = arith.constant 1 : i32
    %dma_wait3A_559 = arith.constant 1 : i32
    %dma_wait3A_560 = arith.constant 0 : i32
    %dma_wait3A_561 = arith.constant 0 : i32
    %dma_wait3A_562 = tpu.memref_slice %arg12[%dma_wait3A_558, %dma_wait3A_560, %dma_wait3A_561] : memref<8x512x16xf32, #tpu.memory_space<vmem>> -> memref<1x512x16xf32, #tpu.memory_space<vmem>>
    %dma_wait3A_563 = tpu.memref_squeeze %dma_wait3A_562 : memref<1x512x16xf32, #tpu.memory_space<vmem>> -> memref<512x16xf32, #tpu.memory_space<vmem>>
    %dma_wait3A_564 = arith.constant 0 : i32
    %dma_wait3A_565 = tpu.memref_slice %arg11[%dma_wait3A_564] : memref<10240xi32, #tpu.memory_space<vmem>> -> memref<512xi32, #tpu.memory_space<vmem>>
    %dma_wait3A_566 = arith.constant 0 : i32
    %dma_wait3A_567 = arith.constant 0 : i32
    %dma_wait3A_568 = tpu.memref_slice %arg14[%dma_wait3A_566, %dma_wait3A_567] : memref<10112x16xf32, #tpu.memory_space<vmem_shared>> -> memref<10112x16xf32, #tpu.memory_space<vmem_shared>>
    %dma_wait3A_569 = tpu.memref_slice %arg17[%dma_wait3A_559] : memref<8x!tpu.dma_semaphore, #tpu.memory_space<semaphore_mem>> -> memref<1x!tpu.dma_semaphore, #tpu.memory_space<semaphore_mem>>
    %dma_wait3A_570 = tpu.memref_squeeze %dma_wait3A_569 : memref<1x!tpu.dma_semaphore, #tpu.memory_space<semaphore_mem>> -> memref<!tpu.dma_semaphore, #tpu.memory_space<semaphore_mem>>
    tpu.wait_indirect_dma semaphore(%dma_wait3A_570 : memref<!tpu.dma_semaphore, #tpu.memory_space<semaphore_mem>>) src(%dma_wait3A_563 : memref<512x16xf32, #tpu.memory_space<vmem>>) dst(%dma_wait3A_568 : memref<10112x16xf32, #tpu.memory_space<vmem_shared>>)
    %dma_start3A_571 = arith.constant 1 : i32
    %dma_start3A_572 = arith.constant 1 : i32
    %dma_start3A_573 = arith.constant 0 : i32
    %dma_start3A_574 = arith.constant 0 : i32
    %dma_start3A_575 = tpu.memref_slice %arg12[%dma_start3A_571, %dma_start3A_573, %dma_start3A_574] : memref<8x512x16xf32, #tpu.memory_space<vmem>> -> memref<1x512x16xf32, #tpu.memory_space<vmem>>
    %dma_start3A_576 = tpu.memref_squeeze %dma_start3A_575 : memref<1x512x16xf32, #tpu.memory_space<vmem>> -> memref<512x16xf32, #tpu.memory_space<vmem>>
    %dma_start3A_577 = arith.constant 4608 : i32
    %dma_start3A_578 = tpu.memref_slice %arg10[%dma_start3A_577] : memref<10240xi32, #tpu.memory_space<vmem>> -> memref<512xi32, #tpu.memory_space<vmem>>
    %dma_start3A_579 = arith.constant 0 : i32
    %dma_start3A_580 = arith.constant 0 : i32
    %dma_start3A_581 = tpu.memref_slice %arg2[%dma_start3A_579, %dma_start3A_580] : memref<10000x16xf32, #tpu.memory_space<hbm>> -> memref<10000x16xf32, #tpu.memory_space<hbm>>
    %dma_start3A_582 = tpu.memref_slice %arg16[%dma_start3A_572] : memref<8x!tpu.dma_semaphore, #tpu.memory_space<semaphore_mem>> -> memref<1x!tpu.dma_semaphore, #tpu.memory_space<semaphore_mem>>
    %dma_start3A_583 = tpu.memref_squeeze %dma_start3A_582 : memref<1x!tpu.dma_semaphore, #tpu.memory_space<semaphore_mem>> -> memref<!tpu.dma_semaphore, #tpu.memory_space<semaphore_mem>>
    tpu.enqueue_indirect_dma source(%dma_start3A_581 : memref<10000x16xf32, #tpu.memory_space<hbm>>) target(%dma_start3A_576 : memref<512x16xf32, #tpu.memory_space<vmem>>) offsets(%dma_start3A_578 : memref<512xi32, #tpu.memory_space<vmem>>) semaphore(%dma_start3A_583 : memref<!tpu.dma_semaphore, #tpu.memory_space<semaphore_mem>>)
    %dma_wait3A_584 = arith.constant 7 : i32
    %dma_wait3A_585 = arith.constant 7 : i32
    %dma_wait3A_586 = arith.constant 0 : i32
    %dma_wait3A_587 = arith.constant 0 : i32
    %dma_wait3A_588 = tpu.memref_slice %arg12[%dma_wait3A_584, %dma_wait3A_586, %dma_wait3A_587] : memref<8x512x16xf32, #tpu.memory_space<vmem>> -> memref<1x512x16xf32, #tpu.memory_space<vmem>>
    %dma_wait3A_589 = tpu.memref_squeeze %dma_wait3A_588 : memref<1x512x16xf32, #tpu.memory_space<vmem>> -> memref<512x16xf32, #tpu.memory_space<vmem>>
    %dma_wait3A_590 = arith.constant 0 : i32
    %dma_wait3A_591 = tpu.memref_slice %arg10[%dma_wait3A_590] : memref<10240xi32, #tpu.memory_space<vmem>> -> memref<512xi32, #tpu.memory_space<vmem>>
    %dma_wait3A_592 = arith.constant 0 : i32
    %dma_wait3A_593 = arith.constant 0 : i32
    %dma_wait3A_594 = tpu.memref_slice %arg2[%dma_wait3A_592, %dma_wait3A_593] : memref<10000x16xf32, #tpu.memory_space<hbm>> -> memref<10000x16xf32, #tpu.memory_space<hbm>>
    %dma_wait3A_595 = tpu.memref_slice %arg16[%dma_wait3A_585] : memref<8x!tpu.dma_semaphore, #tpu.memory_space<semaphore_mem>> -> memref<1x!tpu.dma_semaphore, #tpu.memory_space<semaphore_mem>>
    %dma_wait3A_596 = tpu.memref_squeeze %dma_wait3A_595 : memref<1x!tpu.dma_semaphore, #tpu.memory_space<semaphore_mem>> -> memref<!tpu.dma_semaphore, #tpu.memory_space<semaphore_mem>>
    tpu.wait_indirect_dma semaphore(%dma_wait3A_596 : memref<!tpu.dma_semaphore, #tpu.memory_space<semaphore_mem>>) src(%dma_wait3A_594 : memref<10000x16xf32, #tpu.memory_space<hbm>>) dst(%dma_wait3A_589 : memref<512x16xf32, #tpu.memory_space<vmem>>)
    %dma_start3A_597 = arith.constant 7 : i32
    %dma_start3A_598 = arith.constant 7 : i32
    %dma_start3A_599 = arith.constant 0 : i32
    %dma_start3A_600 = arith.constant 0 : i32
    %dma_start3A_601 = tpu.memref_slice %arg12[%dma_start3A_597, %dma_start3A_599, %dma_start3A_600] : memref<8x512x16xf32, #tpu.memory_space<vmem>> -> memref<1x512x16xf32, #tpu.memory_space<vmem>>
    %dma_start3A_602 = tpu.memref_squeeze %dma_start3A_601 : memref<1x512x16xf32, #tpu.memory_space<vmem>> -> memref<512x16xf32, #tpu.memory_space<vmem>>
    %dma_start3A_603 = arith.constant 3584 : i32
    %dma_start3A_604 = tpu.memref_slice %arg11[%dma_start3A_603] : memref<10240xi32, #tpu.memory_space<vmem>> -> memref<512xi32, #tpu.memory_space<vmem>>
    %dma_start3A_605 = arith.constant 0 : i32
    %dma_start3A_606 = arith.constant 0 : i32
    %dma_start3A_607 = tpu.memref_slice %arg14[%dma_start3A_605, %dma_start3A_606] : memref<10112x16xf32, #tpu.memory_space<vmem_shared>> -> memref<10112x16xf32, #tpu.memory_space<vmem_shared>>
    %dma_start3A_608 = tpu.memref_slice %arg17[%dma_start3A_598] : memref<8x!tpu.dma_semaphore, #tpu.memory_space<semaphore_mem>> -> memref<1x!tpu.dma_semaphore, #tpu.memory_space<semaphore_mem>>
    %dma_start3A_609 = tpu.memref_squeeze %dma_start3A_608 : memref<1x!tpu.dma_semaphore, #tpu.memory_space<semaphore_mem>> -> memref<!tpu.dma_semaphore, #tpu.memory_space<semaphore_mem>>
    tpu.enqueue_indirect_dma source(%dma_start3A_602 : memref<512x16xf32, #tpu.memory_space<vmem>>) target(%dma_start3A_607 : memref<10112x16xf32, #tpu.memory_space<vmem_shared>>) offsets(%dma_start3A_604 : memref<512xi32, #tpu.memory_space<vmem>>) semaphore(%dma_start3A_609 : memref<!tpu.dma_semaphore, #tpu.memory_space<semaphore_mem>>) {add = true}
    %dma_start3A_610 = arith.constant 3584 : i32
    %dma_start3A_611 = tpu.memref_slice %arg11[%dma_start3A_610] : memref<10240xi32, #tpu.memory_space<vmem>> -> memref<512xi32, #tpu.memory_space<vmem>>
    %dma_start3A_612 = arith.constant 0 : i32
    %dma_start3A_613 = tpu.memref_slice %arg15[%dma_start3A_612] : memref<10112xf32, #tpu.memory_space<vmem_shared>> -> memref<10112xf32, #tpu.memory_space<vmem_shared>>
    tpu.enqueue_indirect_dma source(%arg13 : memref<512xf32, #tpu.memory_space<vmem>>) target(%dma_start3A_613 : memref<10112xf32, #tpu.memory_space<vmem_shared>>) offsets(%dma_start3A_611 : memref<512xi32, #tpu.memory_space<vmem>>) semaphore(%arg18 : memref<!tpu.dma_semaphore, #tpu.memory_space<semaphore_mem>>) {add = true}
    %dma_wait3A_614 = arith.constant 2 : i32
    %dma_wait3A_615 = arith.constant 2 : i32
    %dma_wait3A_616 = arith.constant 0 : i32
    %dma_wait3A_617 = arith.constant 0 : i32
    %dma_wait3A_618 = tpu.memref_slice %arg12[%dma_wait3A_614, %dma_wait3A_616, %dma_wait3A_617] : memref<8x512x16xf32, #tpu.memory_space<vmem>> -> memref<1x512x16xf32, #tpu.memory_space<vmem>>
    %dma_wait3A_619 = tpu.memref_squeeze %dma_wait3A_618 : memref<1x512x16xf32, #tpu.memory_space<vmem>> -> memref<512x16xf32, #tpu.memory_space<vmem>>
    %dma_wait3A_620 = arith.constant 0 : i32
    %dma_wait3A_621 = tpu.memref_slice %arg11[%dma_wait3A_620] : memref<10240xi32, #tpu.memory_space<vmem>> -> memref<512xi32, #tpu.memory_space<vmem>>
    %dma_wait3A_622 = arith.constant 0 : i32
    %dma_wait3A_623 = arith.constant 0 : i32
    %dma_wait3A_624 = tpu.memref_slice %arg14[%dma_wait3A_622, %dma_wait3A_623] : memref<10112x16xf32, #tpu.memory_space<vmem_shared>> -> memref<10112x16xf32, #tpu.memory_space<vmem_shared>>
    %dma_wait3A_625 = tpu.memref_slice %arg17[%dma_wait3A_615] : memref<8x!tpu.dma_semaphore, #tpu.memory_space<semaphore_mem>> -> memref<1x!tpu.dma_semaphore, #tpu.memory_space<semaphore_mem>>
    %dma_wait3A_626 = tpu.memref_squeeze %dma_wait3A_625 : memref<1x!tpu.dma_semaphore, #tpu.memory_space<semaphore_mem>> -> memref<!tpu.dma_semaphore, #tpu.memory_space<semaphore_mem>>
    tpu.wait_indirect_dma semaphore(%dma_wait3A_626 : memref<!tpu.dma_semaphore, #tpu.memory_space<semaphore_mem>>) src(%dma_wait3A_619 : memref<512x16xf32, #tpu.memory_space<vmem>>) dst(%dma_wait3A_624 : memref<10112x16xf32, #tpu.memory_space<vmem_shared>>)
    %dma_start3A_627 = arith.constant 2 : i32
    %dma_start3A_628 = arith.constant 2 : i32
    %dma_start3A_629 = arith.constant 0 : i32
    %dma_start3A_630 = arith.constant 0 : i32
    %dma_start3A_631 = tpu.memref_slice %arg12[%dma_start3A_627, %dma_start3A_629, %dma_start3A_630] : memref<8x512x16xf32, #tpu.memory_space<vmem>> -> memref<1x512x16xf32, #tpu.memory_space<vmem>>
    %dma_start3A_632 = tpu.memref_squeeze %dma_start3A_631 : memref<1x512x16xf32, #tpu.memory_space<vmem>> -> memref<512x16xf32, #tpu.memory_space<vmem>>
    %dma_start3A_633 = arith.constant 5120 : i32
    %dma_start3A_634 = tpu.memref_slice %arg10[%dma_start3A_633] : memref<10240xi32, #tpu.memory_space<vmem>> -> memref<512xi32, #tpu.memory_space<vmem>>
    %dma_start3A_635 = arith.constant 0 : i32
    %dma_start3A_636 = arith.constant 0 : i32
    %dma_start3A_637 = tpu.memref_slice %arg2[%dma_start3A_635, %dma_start3A_636] : memref<10000x16xf32, #tpu.memory_space<hbm>> -> memref<10000x16xf32, #tpu.memory_space<hbm>>
    %dma_start3A_638 = tpu.memref_slice %arg16[%dma_start3A_628] : memref<8x!tpu.dma_semaphore, #tpu.memory_space<semaphore_mem>> -> memref<1x!tpu.dma_semaphore, #tpu.memory_space<semaphore_mem>>
    %dma_start3A_639 = tpu.memref_squeeze %dma_start3A_638 : memref<1x!tpu.dma_semaphore, #tpu.memory_space<semaphore_mem>> -> memref<!tpu.dma_semaphore, #tpu.memory_space<semaphore_mem>>
    tpu.enqueue_indirect_dma source(%dma_start3A_637 : memref<10000x16xf32, #tpu.memory_space<hbm>>) target(%dma_start3A_632 : memref<512x16xf32, #tpu.memory_space<vmem>>) offsets(%dma_start3A_634 : memref<512xi32, #tpu.memory_space<vmem>>) semaphore(%dma_start3A_639 : memref<!tpu.dma_semaphore, #tpu.memory_space<semaphore_mem>>)
    %dma_wait3A_640 = arith.constant 0 : i32
    %dma_wait3A_641 = arith.constant 0 : i32
    %dma_wait3A_642 = arith.constant 0 : i32
    %dma_wait3A_643 = arith.constant 0 : i32
    %dma_wait3A_644 = tpu.memref_slice %arg12[%dma_wait3A_640, %dma_wait3A_642, %dma_wait3A_643] : memref<8x512x16xf32, #tpu.memory_space<vmem>> -> memref<1x512x16xf32, #tpu.memory_space<vmem>>
    %dma_wait3A_645 = tpu.memref_squeeze %dma_wait3A_644 : memref<1x512x16xf32, #tpu.memory_space<vmem>> -> memref<512x16xf32, #tpu.memory_space<vmem>>
    %dma_wait3A_646 = arith.constant 0 : i32
    %dma_wait3A_647 = tpu.memref_slice %arg10[%dma_wait3A_646] : memref<10240xi32, #tpu.memory_space<vmem>> -> memref<512xi32, #tpu.memory_space<vmem>>
    %dma_wait3A_648 = arith.constant 0 : i32
    %dma_wait3A_649 = arith.constant 0 : i32
    %dma_wait3A_650 = tpu.memref_slice %arg2[%dma_wait3A_648, %dma_wait3A_649] : memref<10000x16xf32, #tpu.memory_space<hbm>> -> memref<10000x16xf32, #tpu.memory_space<hbm>>
    %dma_wait3A_651 = tpu.memref_slice %arg16[%dma_wait3A_641] : memref<8x!tpu.dma_semaphore, #tpu.memory_space<semaphore_mem>> -> memref<1x!tpu.dma_semaphore, #tpu.memory_space<semaphore_mem>>
    %dma_wait3A_652 = tpu.memref_squeeze %dma_wait3A_651 : memref<1x!tpu.dma_semaphore, #tpu.memory_space<semaphore_mem>> -> memref<!tpu.dma_semaphore, #tpu.memory_space<semaphore_mem>>
    tpu.wait_indirect_dma semaphore(%dma_wait3A_652 : memref<!tpu.dma_semaphore, #tpu.memory_space<semaphore_mem>>) src(%dma_wait3A_650 : memref<10000x16xf32, #tpu.memory_space<hbm>>) dst(%dma_wait3A_645 : memref<512x16xf32, #tpu.memory_space<vmem>>)
    %dma_start3A_653 = arith.constant 0 : i32
    %dma_start3A_654 = arith.constant 0 : i32
    %dma_start3A_655 = arith.constant 0 : i32
    %dma_start3A_656 = arith.constant 0 : i32
    %dma_start3A_657 = tpu.memref_slice %arg12[%dma_start3A_653, %dma_start3A_655, %dma_start3A_656] : memref<8x512x16xf32, #tpu.memory_space<vmem>> -> memref<1x512x16xf32, #tpu.memory_space<vmem>>
    %dma_start3A_658 = tpu.memref_squeeze %dma_start3A_657 : memref<1x512x16xf32, #tpu.memory_space<vmem>> -> memref<512x16xf32, #tpu.memory_space<vmem>>
    %dma_start3A_659 = arith.constant 4096 : i32
    %dma_start3A_660 = tpu.memref_slice %arg11[%dma_start3A_659] : memref<10240xi32, #tpu.memory_space<vmem>> -> memref<512xi32, #tpu.memory_space<vmem>>
    %dma_start3A_661 = arith.constant 0 : i32
    %dma_start3A_662 = arith.constant 0 : i32
    %dma_start3A_663 = tpu.memref_slice %arg14[%dma_start3A_661, %dma_start3A_662] : memref<10112x16xf32, #tpu.memory_space<vmem_shared>> -> memref<10112x16xf32, #tpu.memory_space<vmem_shared>>
    %dma_start3A_664 = tpu.memref_slice %arg17[%dma_start3A_654] : memref<8x!tpu.dma_semaphore, #tpu.memory_space<semaphore_mem>> -> memref<1x!tpu.dma_semaphore, #tpu.memory_space<semaphore_mem>>
    %dma_start3A_665 = tpu.memref_squeeze %dma_start3A_664 : memref<1x!tpu.dma_semaphore, #tpu.memory_space<semaphore_mem>> -> memref<!tpu.dma_semaphore, #tpu.memory_space<semaphore_mem>>
    tpu.enqueue_indirect_dma source(%dma_start3A_658 : memref<512x16xf32, #tpu.memory_space<vmem>>) target(%dma_start3A_663 : memref<10112x16xf32, #tpu.memory_space<vmem_shared>>) offsets(%dma_start3A_660 : memref<512xi32, #tpu.memory_space<vmem>>) semaphore(%dma_start3A_665 : memref<!tpu.dma_semaphore, #tpu.memory_space<semaphore_mem>>) {add = true}
    %dma_start3A_666 = arith.constant 4096 : i32
    %dma_start3A_667 = tpu.memref_slice %arg11[%dma_start3A_666] : memref<10240xi32, #tpu.memory_space<vmem>> -> memref<512xi32, #tpu.memory_space<vmem>>
    %dma_start3A_668 = arith.constant 0 : i32
    %dma_start3A_669 = tpu.memref_slice %arg15[%dma_start3A_668] : memref<10112xf32, #tpu.memory_space<vmem_shared>> -> memref<10112xf32, #tpu.memory_space<vmem_shared>>
    tpu.enqueue_indirect_dma source(%arg13 : memref<512xf32, #tpu.memory_space<vmem>>) target(%dma_start3A_669 : memref<10112xf32, #tpu.memory_space<vmem_shared>>) offsets(%dma_start3A_667 : memref<512xi32, #tpu.memory_space<vmem>>) semaphore(%arg18 : memref<!tpu.dma_semaphore, #tpu.memory_space<semaphore_mem>>) {add = true}
    %dma_wait3A_670 = arith.constant 3 : i32
    %dma_wait3A_671 = arith.constant 3 : i32
    %dma_wait3A_672 = arith.constant 0 : i32
    %dma_wait3A_673 = arith.constant 0 : i32
    %dma_wait3A_674 = tpu.memref_slice %arg12[%dma_wait3A_670, %dma_wait3A_672, %dma_wait3A_673] : memref<8x512x16xf32, #tpu.memory_space<vmem>> -> memref<1x512x16xf32, #tpu.memory_space<vmem>>
    %dma_wait3A_675 = tpu.memref_squeeze %dma_wait3A_674 : memref<1x512x16xf32, #tpu.memory_space<vmem>> -> memref<512x16xf32, #tpu.memory_space<vmem>>
    %dma_wait3A_676 = arith.constant 0 : i32
    %dma_wait3A_677 = tpu.memref_slice %arg11[%dma_wait3A_676] : memref<10240xi32, #tpu.memory_space<vmem>> -> memref<512xi32, #tpu.memory_space<vmem>>
    %dma_wait3A_678 = arith.constant 0 : i32
    %dma_wait3A_679 = arith.constant 0 : i32
    %dma_wait3A_680 = tpu.memref_slice %arg14[%dma_wait3A_678, %dma_wait3A_679] : memref<10112x16xf32, #tpu.memory_space<vmem_shared>> -> memref<10112x16xf32, #tpu.memory_space<vmem_shared>>
    %dma_wait3A_681 = tpu.memref_slice %arg17[%dma_wait3A_671] : memref<8x!tpu.dma_semaphore, #tpu.memory_space<semaphore_mem>> -> memref<1x!tpu.dma_semaphore, #tpu.memory_space<semaphore_mem>>
    %dma_wait3A_682 = tpu.memref_squeeze %dma_wait3A_681 : memref<1x!tpu.dma_semaphore, #tpu.memory_space<semaphore_mem>> -> memref<!tpu.dma_semaphore, #tpu.memory_space<semaphore_mem>>
    tpu.wait_indirect_dma semaphore(%dma_wait3A_682 : memref<!tpu.dma_semaphore, #tpu.memory_space<semaphore_mem>>) src(%dma_wait3A_675 : memref<512x16xf32, #tpu.memory_space<vmem>>) dst(%dma_wait3A_680 : memref<10112x16xf32, #tpu.memory_space<vmem_shared>>)
    %dma_start3A_683 = arith.constant 3 : i32
    %dma_start3A_684 = arith.constant 3 : i32
    %dma_start3A_685 = arith.constant 0 : i32
    %dma_start3A_686 = arith.constant 0 : i32
    %dma_start3A_687 = tpu.memref_slice %arg12[%dma_start3A_683, %dma_start3A_685, %dma_start3A_686] : memref<8x512x16xf32, #tpu.memory_space<vmem>> -> memref<1x512x16xf32, #tpu.memory_space<vmem>>
    %dma_start3A_688 = tpu.memref_squeeze %dma_start3A_687 : memref<1x512x16xf32, #tpu.memory_space<vmem>> -> memref<512x16xf32, #tpu.memory_space<vmem>>
    %dma_start3A_689 = arith.constant 5632 : i32
    %dma_start3A_690 = tpu.memref_slice %arg10[%dma_start3A_689] : memref<10240xi32, #tpu.memory_space<vmem>> -> memref<512xi32, #tpu.memory_space<vmem>>
    %dma_start3A_691 = arith.constant 0 : i32
    %dma_start3A_692 = arith.constant 0 : i32
    %dma_start3A_693 = tpu.memref_slice %arg2[%dma_start3A_691, %dma_start3A_692] : memref<10000x16xf32, #tpu.memory_space<hbm>> -> memref<10000x16xf32, #tpu.memory_space<hbm>>
    %dma_start3A_694 = tpu.memref_slice %arg16[%dma_start3A_684] : memref<8x!tpu.dma_semaphore, #tpu.memory_space<semaphore_mem>> -> memref<1x!tpu.dma_semaphore, #tpu.memory_space<semaphore_mem>>
    %dma_start3A_695 = tpu.memref_squeeze %dma_start3A_694 : memref<1x!tpu.dma_semaphore, #tpu.memory_space<semaphore_mem>> -> memref<!tpu.dma_semaphore, #tpu.memory_space<semaphore_mem>>
    tpu.enqueue_indirect_dma source(%dma_start3A_693 : memref<10000x16xf32, #tpu.memory_space<hbm>>) target(%dma_start3A_688 : memref<512x16xf32, #tpu.memory_space<vmem>>) offsets(%dma_start3A_690 : memref<512xi32, #tpu.memory_space<vmem>>) semaphore(%dma_start3A_695 : memref<!tpu.dma_semaphore, #tpu.memory_space<semaphore_mem>>)
    %dma_wait3A_696 = arith.constant 1 : i32
    %dma_wait3A_697 = arith.constant 1 : i32
    %dma_wait3A_698 = arith.constant 0 : i32
    %dma_wait3A_699 = arith.constant 0 : i32
    %dma_wait3A_700 = tpu.memref_slice %arg12[%dma_wait3A_696, %dma_wait3A_698, %dma_wait3A_699] : memref<8x512x16xf32, #tpu.memory_space<vmem>> -> memref<1x512x16xf32, #tpu.memory_space<vmem>>
    %dma_wait3A_701 = tpu.memref_squeeze %dma_wait3A_700 : memref<1x512x16xf32, #tpu.memory_space<vmem>> -> memref<512x16xf32, #tpu.memory_space<vmem>>
    %dma_wait3A_702 = arith.constant 0 : i32
    %dma_wait3A_703 = tpu.memref_slice %arg10[%dma_wait3A_702] : memref<10240xi32, #tpu.memory_space<vmem>> -> memref<512xi32, #tpu.memory_space<vmem>>
    %dma_wait3A_704 = arith.constant 0 : i32
    %dma_wait3A_705 = arith.constant 0 : i32
    %dma_wait3A_706 = tpu.memref_slice %arg2[%dma_wait3A_704, %dma_wait3A_705] : memref<10000x16xf32, #tpu.memory_space<hbm>> -> memref<10000x16xf32, #tpu.memory_space<hbm>>
    %dma_wait3A_707 = tpu.memref_slice %arg16[%dma_wait3A_697] : memref<8x!tpu.dma_semaphore, #tpu.memory_space<semaphore_mem>> -> memref<1x!tpu.dma_semaphore, #tpu.memory_space<semaphore_mem>>
    %dma_wait3A_708 = tpu.memref_squeeze %dma_wait3A_707 : memref<1x!tpu.dma_semaphore, #tpu.memory_space<semaphore_mem>> -> memref<!tpu.dma_semaphore, #tpu.memory_space<semaphore_mem>>
    tpu.wait_indirect_dma semaphore(%dma_wait3A_708 : memref<!tpu.dma_semaphore, #tpu.memory_space<semaphore_mem>>) src(%dma_wait3A_706 : memref<10000x16xf32, #tpu.memory_space<hbm>>) dst(%dma_wait3A_701 : memref<512x16xf32, #tpu.memory_space<vmem>>)
    %dma_start3A_709 = arith.constant 1 : i32
    %dma_start3A_710 = arith.constant 1 : i32
    %dma_start3A_711 = arith.constant 0 : i32
    %dma_start3A_712 = arith.constant 0 : i32
    %dma_start3A_713 = tpu.memref_slice %arg12[%dma_start3A_709, %dma_start3A_711, %dma_start3A_712] : memref<8x512x16xf32, #tpu.memory_space<vmem>> -> memref<1x512x16xf32, #tpu.memory_space<vmem>>
    %dma_start3A_714 = tpu.memref_squeeze %dma_start3A_713 : memref<1x512x16xf32, #tpu.memory_space<vmem>> -> memref<512x16xf32, #tpu.memory_space<vmem>>
    %dma_start3A_715 = arith.constant 4608 : i32
    %dma_start3A_716 = tpu.memref_slice %arg11[%dma_start3A_715] : memref<10240xi32, #tpu.memory_space<vmem>> -> memref<512xi32, #tpu.memory_space<vmem>>
    %dma_start3A_717 = arith.constant 0 : i32
    %dma_start3A_718 = arith.constant 0 : i32
    %dma_start3A_719 = tpu.memref_slice %arg14[%dma_start3A_717, %dma_start3A_718] : memref<10112x16xf32, #tpu.memory_space<vmem_shared>> -> memref<10112x16xf32, #tpu.memory_space<vmem_shared>>
    %dma_start3A_720 = tpu.memref_slice %arg17[%dma_start3A_710] : memref<8x!tpu.dma_semaphore, #tpu.memory_space<semaphore_mem>> -> memref<1x!tpu.dma_semaphore, #tpu.memory_space<semaphore_mem>>
    %dma_start3A_721 = tpu.memref_squeeze %dma_start3A_720 : memref<1x!tpu.dma_semaphore, #tpu.memory_space<semaphore_mem>> -> memref<!tpu.dma_semaphore, #tpu.memory_space<semaphore_mem>>
    tpu.enqueue_indirect_dma source(%dma_start3A_714 : memref<512x16xf32, #tpu.memory_space<vmem>>) target(%dma_start3A_719 : memref<10112x16xf32, #tpu.memory_space<vmem_shared>>) offsets(%dma_start3A_716 : memref<512xi32, #tpu.memory_space<vmem>>) semaphore(%dma_start3A_721 : memref<!tpu.dma_semaphore, #tpu.memory_space<semaphore_mem>>) {add = true}
    %dma_start3A_722 = arith.constant 4608 : i32
    %dma_start3A_723 = tpu.memref_slice %arg11[%dma_start3A_722] : memref<10240xi32, #tpu.memory_space<vmem>> -> memref<512xi32, #tpu.memory_space<vmem>>
    %dma_start3A_724 = arith.constant 0 : i32
    %dma_start3A_725 = tpu.memref_slice %arg15[%dma_start3A_724] : memref<10112xf32, #tpu.memory_space<vmem_shared>> -> memref<10112xf32, #tpu.memory_space<vmem_shared>>
    tpu.enqueue_indirect_dma source(%arg13 : memref<512xf32, #tpu.memory_space<vmem>>) target(%dma_start3A_725 : memref<10112xf32, #tpu.memory_space<vmem_shared>>) offsets(%dma_start3A_723 : memref<512xi32, #tpu.memory_space<vmem>>) semaphore(%arg18 : memref<!tpu.dma_semaphore, #tpu.memory_space<semaphore_mem>>) {add = true}
    %dma_wait3A_726 = arith.constant 4 : i32
    %dma_wait3A_727 = arith.constant 4 : i32
    %dma_wait3A_728 = arith.constant 0 : i32
    %dma_wait3A_729 = arith.constant 0 : i32
    %dma_wait3A_730 = tpu.memref_slice %arg12[%dma_wait3A_726, %dma_wait3A_728, %dma_wait3A_729] : memref<8x512x16xf32, #tpu.memory_space<vmem>> -> memref<1x512x16xf32, #tpu.memory_space<vmem>>
    %dma_wait3A_731 = tpu.memref_squeeze %dma_wait3A_730 : memref<1x512x16xf32, #tpu.memory_space<vmem>> -> memref<512x16xf32, #tpu.memory_space<vmem>>
    %dma_wait3A_732 = arith.constant 0 : i32
    %dma_wait3A_733 = tpu.memref_slice %arg11[%dma_wait3A_732] : memref<10240xi32, #tpu.memory_space<vmem>> -> memref<512xi32, #tpu.memory_space<vmem>>
    %dma_wait3A_734 = arith.constant 0 : i32
    %dma_wait3A_735 = arith.constant 0 : i32
    %dma_wait3A_736 = tpu.memref_slice %arg14[%dma_wait3A_734, %dma_wait3A_735] : memref<10112x16xf32, #tpu.memory_space<vmem_shared>> -> memref<10112x16xf32, #tpu.memory_space<vmem_shared>>
    %dma_wait3A_737 = tpu.memref_slice %arg17[%dma_wait3A_727] : memref<8x!tpu.dma_semaphore, #tpu.memory_space<semaphore_mem>> -> memref<1x!tpu.dma_semaphore, #tpu.memory_space<semaphore_mem>>
    %dma_wait3A_738 = tpu.memref_squeeze %dma_wait3A_737 : memref<1x!tpu.dma_semaphore, #tpu.memory_space<semaphore_mem>> -> memref<!tpu.dma_semaphore, #tpu.memory_space<semaphore_mem>>
    tpu.wait_indirect_dma semaphore(%dma_wait3A_738 : memref<!tpu.dma_semaphore, #tpu.memory_space<semaphore_mem>>) src(%dma_wait3A_731 : memref<512x16xf32, #tpu.memory_space<vmem>>) dst(%dma_wait3A_736 : memref<10112x16xf32, #tpu.memory_space<vmem_shared>>)
    %dma_start3A_739 = arith.constant 4 : i32
    %dma_start3A_740 = arith.constant 4 : i32
    %dma_start3A_741 = arith.constant 0 : i32
    %dma_start3A_742 = arith.constant 0 : i32
    %dma_start3A_743 = tpu.memref_slice %arg12[%dma_start3A_739, %dma_start3A_741, %dma_start3A_742] : memref<8x512x16xf32, #tpu.memory_space<vmem>> -> memref<1x512x16xf32, #tpu.memory_space<vmem>>
    %dma_start3A_744 = tpu.memref_squeeze %dma_start3A_743 : memref<1x512x16xf32, #tpu.memory_space<vmem>> -> memref<512x16xf32, #tpu.memory_space<vmem>>
    %dma_start3A_745 = arith.constant 6144 : i32
    %dma_start3A_746 = tpu.memref_slice %arg10[%dma_start3A_745] : memref<10240xi32, #tpu.memory_space<vmem>> -> memref<512xi32, #tpu.memory_space<vmem>>
    %dma_start3A_747 = arith.constant 0 : i32
    %dma_start3A_748 = arith.constant 0 : i32
    %dma_start3A_749 = tpu.memref_slice %arg2[%dma_start3A_747, %dma_start3A_748] : memref<10000x16xf32, #tpu.memory_space<hbm>> -> memref<10000x16xf32, #tpu.memory_space<hbm>>
    %dma_start3A_750 = tpu.memref_slice %arg16[%dma_start3A_740] : memref<8x!tpu.dma_semaphore, #tpu.memory_space<semaphore_mem>> -> memref<1x!tpu.dma_semaphore, #tpu.memory_space<semaphore_mem>>
    %dma_start3A_751 = tpu.memref_squeeze %dma_start3A_750 : memref<1x!tpu.dma_semaphore, #tpu.memory_space<semaphore_mem>> -> memref<!tpu.dma_semaphore, #tpu.memory_space<semaphore_mem>>
    tpu.enqueue_indirect_dma source(%dma_start3A_749 : memref<10000x16xf32, #tpu.memory_space<hbm>>) target(%dma_start3A_744 : memref<512x16xf32, #tpu.memory_space<vmem>>) offsets(%dma_start3A_746 : memref<512xi32, #tpu.memory_space<vmem>>) semaphore(%dma_start3A_751 : memref<!tpu.dma_semaphore, #tpu.memory_space<semaphore_mem>>)
    %dma_wait3A_752 = arith.constant 2 : i32
    %dma_wait3A_753 = arith.constant 2 : i32
    %dma_wait3A_754 = arith.constant 0 : i32
    %dma_wait3A_755 = arith.constant 0 : i32
    %dma_wait3A_756 = tpu.memref_slice %arg12[%dma_wait3A_752, %dma_wait3A_754, %dma_wait3A_755] : memref<8x512x16xf32, #tpu.memory_space<vmem>> -> memref<1x512x16xf32, #tpu.memory_space<vmem>>
    %dma_wait3A_757 = tpu.memref_squeeze %dma_wait3A_756 : memref<1x512x16xf32, #tpu.memory_space<vmem>> -> memref<512x16xf32, #tpu.memory_space<vmem>>
    %dma_wait3A_758 = arith.constant 0 : i32
    %dma_wait3A_759 = tpu.memref_slice %arg10[%dma_wait3A_758] : memref<10240xi32, #tpu.memory_space<vmem>> -> memref<512xi32, #tpu.memory_space<vmem>>
    %dma_wait3A_760 = arith.constant 0 : i32
    %dma_wait3A_761 = arith.constant 0 : i32
    %dma_wait3A_762 = tpu.memref_slice %arg2[%dma_wait3A_760, %dma_wait3A_761] : memref<10000x16xf32, #tpu.memory_space<hbm>> -> memref<10000x16xf32, #tpu.memory_space<hbm>>
    %dma_wait3A_763 = tpu.memref_slice %arg16[%dma_wait3A_753] : memref<8x!tpu.dma_semaphore, #tpu.memory_space<semaphore_mem>> -> memref<1x!tpu.dma_semaphore, #tpu.memory_space<semaphore_mem>>
    %dma_wait3A_764 = tpu.memref_squeeze %dma_wait3A_763 : memref<1x!tpu.dma_semaphore, #tpu.memory_space<semaphore_mem>> -> memref<!tpu.dma_semaphore, #tpu.memory_space<semaphore_mem>>
    tpu.wait_indirect_dma semaphore(%dma_wait3A_764 : memref<!tpu.dma_semaphore, #tpu.memory_space<semaphore_mem>>) src(%dma_wait3A_762 : memref<10000x16xf32, #tpu.memory_space<hbm>>) dst(%dma_wait3A_757 : memref<512x16xf32, #tpu.memory_space<vmem>>)
    %dma_start3A_765 = arith.constant 2 : i32
    %dma_start3A_766 = arith.constant 2 : i32
    %dma_start3A_767 = arith.constant 0 : i32
    %dma_start3A_768 = arith.constant 0 : i32
    %dma_start3A_769 = tpu.memref_slice %arg12[%dma_start3A_765, %dma_start3A_767, %dma_start3A_768] : memref<8x512x16xf32, #tpu.memory_space<vmem>> -> memref<1x512x16xf32, #tpu.memory_space<vmem>>
    %dma_start3A_770 = tpu.memref_squeeze %dma_start3A_769 : memref<1x512x16xf32, #tpu.memory_space<vmem>> -> memref<512x16xf32, #tpu.memory_space<vmem>>
    %dma_start3A_771 = arith.constant 5120 : i32
    %dma_start3A_772 = tpu.memref_slice %arg11[%dma_start3A_771] : memref<10240xi32, #tpu.memory_space<vmem>> -> memref<512xi32, #tpu.memory_space<vmem>>
    %dma_start3A_773 = arith.constant 0 : i32
    %dma_start3A_774 = arith.constant 0 : i32
    %dma_start3A_775 = tpu.memref_slice %arg14[%dma_start3A_773, %dma_start3A_774] : memref<10112x16xf32, #tpu.memory_space<vmem_shared>> -> memref<10112x16xf32, #tpu.memory_space<vmem_shared>>
    %dma_start3A_776 = tpu.memref_slice %arg17[%dma_start3A_766] : memref<8x!tpu.dma_semaphore, #tpu.memory_space<semaphore_mem>> -> memref<1x!tpu.dma_semaphore, #tpu.memory_space<semaphore_mem>>
    %dma_start3A_777 = tpu.memref_squeeze %dma_start3A_776 : memref<1x!tpu.dma_semaphore, #tpu.memory_space<semaphore_mem>> -> memref<!tpu.dma_semaphore, #tpu.memory_space<semaphore_mem>>
    tpu.enqueue_indirect_dma source(%dma_start3A_770 : memref<512x16xf32, #tpu.memory_space<vmem>>) target(%dma_start3A_775 : memref<10112x16xf32, #tpu.memory_space<vmem_shared>>) offsets(%dma_start3A_772 : memref<512xi32, #tpu.memory_space<vmem>>) semaphore(%dma_start3A_777 : memref<!tpu.dma_semaphore, #tpu.memory_space<semaphore_mem>>) {add = true}
    %dma_start3A_778 = arith.constant 5120 : i32
    %dma_start3A_779 = tpu.memref_slice %arg11[%dma_start3A_778] : memref<10240xi32, #tpu.memory_space<vmem>> -> memref<512xi32, #tpu.memory_space<vmem>>
    %dma_start3A_780 = arith.constant 0 : i32
    %dma_start3A_781 = tpu.memref_slice %arg15[%dma_start3A_780] : memref<10112xf32, #tpu.memory_space<vmem_shared>> -> memref<10112xf32, #tpu.memory_space<vmem_shared>>
    tpu.enqueue_indirect_dma source(%arg13 : memref<512xf32, #tpu.memory_space<vmem>>) target(%dma_start3A_781 : memref<10112xf32, #tpu.memory_space<vmem_shared>>) offsets(%dma_start3A_779 : memref<512xi32, #tpu.memory_space<vmem>>) semaphore(%arg18 : memref<!tpu.dma_semaphore, #tpu.memory_space<semaphore_mem>>) {add = true}
    %dma_wait3A_782 = arith.constant 5 : i32
    %dma_wait3A_783 = arith.constant 5 : i32
    %dma_wait3A_784 = arith.constant 0 : i32
    %dma_wait3A_785 = arith.constant 0 : i32
    %dma_wait3A_786 = tpu.memref_slice %arg12[%dma_wait3A_782, %dma_wait3A_784, %dma_wait3A_785] : memref<8x512x16xf32, #tpu.memory_space<vmem>> -> memref<1x512x16xf32, #tpu.memory_space<vmem>>
    %dma_wait3A_787 = tpu.memref_squeeze %dma_wait3A_786 : memref<1x512x16xf32, #tpu.memory_space<vmem>> -> memref<512x16xf32, #tpu.memory_space<vmem>>
    %dma_wait3A_788 = arith.constant 0 : i32
    %dma_wait3A_789 = tpu.memref_slice %arg11[%dma_wait3A_788] : memref<10240xi32, #tpu.memory_space<vmem>> -> memref<512xi32, #tpu.memory_space<vmem>>
    %dma_wait3A_790 = arith.constant 0 : i32
    %dma_wait3A_791 = arith.constant 0 : i32
    %dma_wait3A_792 = tpu.memref_slice %arg14[%dma_wait3A_790, %dma_wait3A_791] : memref<10112x16xf32, #tpu.memory_space<vmem_shared>> -> memref<10112x16xf32, #tpu.memory_space<vmem_shared>>
    %dma_wait3A_793 = tpu.memref_slice %arg17[%dma_wait3A_783] : memref<8x!tpu.dma_semaphore, #tpu.memory_space<semaphore_mem>> -> memref<1x!tpu.dma_semaphore, #tpu.memory_space<semaphore_mem>>
    %dma_wait3A_794 = tpu.memref_squeeze %dma_wait3A_793 : memref<1x!tpu.dma_semaphore, #tpu.memory_space<semaphore_mem>> -> memref<!tpu.dma_semaphore, #tpu.memory_space<semaphore_mem>>
    tpu.wait_indirect_dma semaphore(%dma_wait3A_794 : memref<!tpu.dma_semaphore, #tpu.memory_space<semaphore_mem>>) src(%dma_wait3A_787 : memref<512x16xf32, #tpu.memory_space<vmem>>) dst(%dma_wait3A_792 : memref<10112x16xf32, #tpu.memory_space<vmem_shared>>)
    %dma_start3A_795 = arith.constant 5 : i32
    %dma_start3A_796 = arith.constant 5 : i32
    %dma_start3A_797 = arith.constant 0 : i32
    %dma_start3A_798 = arith.constant 0 : i32
    %dma_start3A_799 = tpu.memref_slice %arg12[%dma_start3A_795, %dma_start3A_797, %dma_start3A_798] : memref<8x512x16xf32, #tpu.memory_space<vmem>> -> memref<1x512x16xf32, #tpu.memory_space<vmem>>
    %dma_start3A_800 = tpu.memref_squeeze %dma_start3A_799 : memref<1x512x16xf32, #tpu.memory_space<vmem>> -> memref<512x16xf32, #tpu.memory_space<vmem>>
    %dma_start3A_801 = arith.constant 6656 : i32
    %dma_start3A_802 = tpu.memref_slice %arg10[%dma_start3A_801] : memref<10240xi32, #tpu.memory_space<vmem>> -> memref<512xi32, #tpu.memory_space<vmem>>
    %dma_start3A_803 = arith.constant 0 : i32
    %dma_start3A_804 = arith.constant 0 : i32
    %dma_start3A_805 = tpu.memref_slice %arg2[%dma_start3A_803, %dma_start3A_804] : memref<10000x16xf32, #tpu.memory_space<hbm>> -> memref<10000x16xf32, #tpu.memory_space<hbm>>
    %dma_start3A_806 = tpu.memref_slice %arg16[%dma_start3A_796] : memref<8x!tpu.dma_semaphore, #tpu.memory_space<semaphore_mem>> -> memref<1x!tpu.dma_semaphore, #tpu.memory_space<semaphore_mem>>
    %dma_start3A_807 = tpu.memref_squeeze %dma_start3A_806 : memref<1x!tpu.dma_semaphore, #tpu.memory_space<semaphore_mem>> -> memref<!tpu.dma_semaphore, #tpu.memory_space<semaphore_mem>>
    tpu.enqueue_indirect_dma source(%dma_start3A_805 : memref<10000x16xf32, #tpu.memory_space<hbm>>) target(%dma_start3A_800 : memref<512x16xf32, #tpu.memory_space<vmem>>) offsets(%dma_start3A_802 : memref<512xi32, #tpu.memory_space<vmem>>) semaphore(%dma_start3A_807 : memref<!tpu.dma_semaphore, #tpu.memory_space<semaphore_mem>>)
    %dma_wait3A_808 = arith.constant 3 : i32
    %dma_wait3A_809 = arith.constant 3 : i32
    %dma_wait3A_810 = arith.constant 0 : i32
    %dma_wait3A_811 = arith.constant 0 : i32
    %dma_wait3A_812 = tpu.memref_slice %arg12[%dma_wait3A_808, %dma_wait3A_810, %dma_wait3A_811] : memref<8x512x16xf32, #tpu.memory_space<vmem>> -> memref<1x512x16xf32, #tpu.memory_space<vmem>>
    %dma_wait3A_813 = tpu.memref_squeeze %dma_wait3A_812 : memref<1x512x16xf32, #tpu.memory_space<vmem>> -> memref<512x16xf32, #tpu.memory_space<vmem>>
    %dma_wait3A_814 = arith.constant 0 : i32
    %dma_wait3A_815 = tpu.memref_slice %arg10[%dma_wait3A_814] : memref<10240xi32, #tpu.memory_space<vmem>> -> memref<512xi32, #tpu.memory_space<vmem>>
    %dma_wait3A_816 = arith.constant 0 : i32
    %dma_wait3A_817 = arith.constant 0 : i32
    %dma_wait3A_818 = tpu.memref_slice %arg2[%dma_wait3A_816, %dma_wait3A_817] : memref<10000x16xf32, #tpu.memory_space<hbm>> -> memref<10000x16xf32, #tpu.memory_space<hbm>>
    %dma_wait3A_819 = tpu.memref_slice %arg16[%dma_wait3A_809] : memref<8x!tpu.dma_semaphore, #tpu.memory_space<semaphore_mem>> -> memref<1x!tpu.dma_semaphore, #tpu.memory_space<semaphore_mem>>
    %dma_wait3A_820 = tpu.memref_squeeze %dma_wait3A_819 : memref<1x!tpu.dma_semaphore, #tpu.memory_space<semaphore_mem>> -> memref<!tpu.dma_semaphore, #tpu.memory_space<semaphore_mem>>
    tpu.wait_indirect_dma semaphore(%dma_wait3A_820 : memref<!tpu.dma_semaphore, #tpu.memory_space<semaphore_mem>>) src(%dma_wait3A_818 : memref<10000x16xf32, #tpu.memory_space<hbm>>) dst(%dma_wait3A_813 : memref<512x16xf32, #tpu.memory_space<vmem>>)
    %dma_start3A_821 = arith.constant 3 : i32
    %dma_start3A_822 = arith.constant 3 : i32
    %dma_start3A_823 = arith.constant 0 : i32
    %dma_start3A_824 = arith.constant 0 : i32
    %dma_start3A_825 = tpu.memref_slice %arg12[%dma_start3A_821, %dma_start3A_823, %dma_start3A_824] : memref<8x512x16xf32, #tpu.memory_space<vmem>> -> memref<1x512x16xf32, #tpu.memory_space<vmem>>
    %dma_start3A_826 = tpu.memref_squeeze %dma_start3A_825 : memref<1x512x16xf32, #tpu.memory_space<vmem>> -> memref<512x16xf32, #tpu.memory_space<vmem>>
    %dma_start3A_827 = arith.constant 5632 : i32
    %dma_start3A_828 = tpu.memref_slice %arg11[%dma_start3A_827] : memref<10240xi32, #tpu.memory_space<vmem>> -> memref<512xi32, #tpu.memory_space<vmem>>
    %dma_start3A_829 = arith.constant 0 : i32
    %dma_start3A_830 = arith.constant 0 : i32
    %dma_start3A_831 = tpu.memref_slice %arg14[%dma_start3A_829, %dma_start3A_830] : memref<10112x16xf32, #tpu.memory_space<vmem_shared>> -> memref<10112x16xf32, #tpu.memory_space<vmem_shared>>
    %dma_start3A_832 = tpu.memref_slice %arg17[%dma_start3A_822] : memref<8x!tpu.dma_semaphore, #tpu.memory_space<semaphore_mem>> -> memref<1x!tpu.dma_semaphore, #tpu.memory_space<semaphore_mem>>
    %dma_start3A_833 = tpu.memref_squeeze %dma_start3A_832 : memref<1x!tpu.dma_semaphore, #tpu.memory_space<semaphore_mem>> -> memref<!tpu.dma_semaphore, #tpu.memory_space<semaphore_mem>>
    tpu.enqueue_indirect_dma source(%dma_start3A_826 : memref<512x16xf32, #tpu.memory_space<vmem>>) target(%dma_start3A_831 : memref<10112x16xf32, #tpu.memory_space<vmem_shared>>) offsets(%dma_start3A_828 : memref<512xi32, #tpu.memory_space<vmem>>) semaphore(%dma_start3A_833 : memref<!tpu.dma_semaphore, #tpu.memory_space<semaphore_mem>>) {add = true}
    %dma_start3A_834 = arith.constant 5632 : i32
    %dma_start3A_835 = tpu.memref_slice %arg11[%dma_start3A_834] : memref<10240xi32, #tpu.memory_space<vmem>> -> memref<512xi32, #tpu.memory_space<vmem>>
    %dma_start3A_836 = arith.constant 0 : i32
    %dma_start3A_837 = tpu.memref_slice %arg15[%dma_start3A_836] : memref<10112xf32, #tpu.memory_space<vmem_shared>> -> memref<10112xf32, #tpu.memory_space<vmem_shared>>
    tpu.enqueue_indirect_dma source(%arg13 : memref<512xf32, #tpu.memory_space<vmem>>) target(%dma_start3A_837 : memref<10112xf32, #tpu.memory_space<vmem_shared>>) offsets(%dma_start3A_835 : memref<512xi32, #tpu.memory_space<vmem>>) semaphore(%arg18 : memref<!tpu.dma_semaphore, #tpu.memory_space<semaphore_mem>>) {add = true}
    %dma_wait3A_838 = arith.constant 6 : i32
    %dma_wait3A_839 = arith.constant 6 : i32
    %dma_wait3A_840 = arith.constant 0 : i32
    %dma_wait3A_841 = arith.constant 0 : i32
    %dma_wait3A_842 = tpu.memref_slice %arg12[%dma_wait3A_838, %dma_wait3A_840, %dma_wait3A_841] : memref<8x512x16xf32, #tpu.memory_space<vmem>> -> memref<1x512x16xf32, #tpu.memory_space<vmem>>
    %dma_wait3A_843 = tpu.memref_squeeze %dma_wait3A_842 : memref<1x512x16xf32, #tpu.memory_space<vmem>> -> memref<512x16xf32, #tpu.memory_space<vmem>>
    %dma_wait3A_844 = arith.constant 0 : i32
    %dma_wait3A_845 = tpu.memref_slice %arg11[%dma_wait3A_844] : memref<10240xi32, #tpu.memory_space<vmem>> -> memref<512xi32, #tpu.memory_space<vmem>>
    %dma_wait3A_846 = arith.constant 0 : i32
    %dma_wait3A_847 = arith.constant 0 : i32
    %dma_wait3A_848 = tpu.memref_slice %arg14[%dma_wait3A_846, %dma_wait3A_847] : memref<10112x16xf32, #tpu.memory_space<vmem_shared>> -> memref<10112x16xf32, #tpu.memory_space<vmem_shared>>
    %dma_wait3A_849 = tpu.memref_slice %arg17[%dma_wait3A_839] : memref<8x!tpu.dma_semaphore, #tpu.memory_space<semaphore_mem>> -> memref<1x!tpu.dma_semaphore, #tpu.memory_space<semaphore_mem>>
    %dma_wait3A_850 = tpu.memref_squeeze %dma_wait3A_849 : memref<1x!tpu.dma_semaphore, #tpu.memory_space<semaphore_mem>> -> memref<!tpu.dma_semaphore, #tpu.memory_space<semaphore_mem>>
    tpu.wait_indirect_dma semaphore(%dma_wait3A_850 : memref<!tpu.dma_semaphore, #tpu.memory_space<semaphore_mem>>) src(%dma_wait3A_843 : memref<512x16xf32, #tpu.memory_space<vmem>>) dst(%dma_wait3A_848 : memref<10112x16xf32, #tpu.memory_space<vmem_shared>>)
    %dma_start3A_851 = arith.constant 6 : i32
    %dma_start3A_852 = arith.constant 6 : i32
    %dma_start3A_853 = arith.constant 0 : i32
    %dma_start3A_854 = arith.constant 0 : i32
    %dma_start3A_855 = tpu.memref_slice %arg12[%dma_start3A_851, %dma_start3A_853, %dma_start3A_854] : memref<8x512x16xf32, #tpu.memory_space<vmem>> -> memref<1x512x16xf32, #tpu.memory_space<vmem>>
    %dma_start3A_856 = tpu.memref_squeeze %dma_start3A_855 : memref<1x512x16xf32, #tpu.memory_space<vmem>> -> memref<512x16xf32, #tpu.memory_space<vmem>>
    %dma_start3A_857 = arith.constant 7168 : i32
    %dma_start3A_858 = tpu.memref_slice %arg10[%dma_start3A_857] : memref<10240xi32, #tpu.memory_space<vmem>> -> memref<512xi32, #tpu.memory_space<vmem>>
    %dma_start3A_859 = arith.constant 0 : i32
    %dma_start3A_860 = arith.constant 0 : i32
    %dma_start3A_861 = tpu.memref_slice %arg2[%dma_start3A_859, %dma_start3A_860] : memref<10000x16xf32, #tpu.memory_space<hbm>> -> memref<10000x16xf32, #tpu.memory_space<hbm>>
    %dma_start3A_862 = tpu.memref_slice %arg16[%dma_start3A_852] : memref<8x!tpu.dma_semaphore, #tpu.memory_space<semaphore_mem>> -> memref<1x!tpu.dma_semaphore, #tpu.memory_space<semaphore_mem>>
    %dma_start3A_863 = tpu.memref_squeeze %dma_start3A_862 : memref<1x!tpu.dma_semaphore, #tpu.memory_space<semaphore_mem>> -> memref<!tpu.dma_semaphore, #tpu.memory_space<semaphore_mem>>
    tpu.enqueue_indirect_dma source(%dma_start3A_861 : memref<10000x16xf32, #tpu.memory_space<hbm>>) target(%dma_start3A_856 : memref<512x16xf32, #tpu.memory_space<vmem>>) offsets(%dma_start3A_858 : memref<512xi32, #tpu.memory_space<vmem>>) semaphore(%dma_start3A_863 : memref<!tpu.dma_semaphore, #tpu.memory_space<semaphore_mem>>)
    %dma_wait3A_864 = arith.constant 4 : i32
    %dma_wait3A_865 = arith.constant 4 : i32
    %dma_wait3A_866 = arith.constant 0 : i32
    %dma_wait3A_867 = arith.constant 0 : i32
    %dma_wait3A_868 = tpu.memref_slice %arg12[%dma_wait3A_864, %dma_wait3A_866, %dma_wait3A_867] : memref<8x512x16xf32, #tpu.memory_space<vmem>> -> memref<1x512x16xf32, #tpu.memory_space<vmem>>
    %dma_wait3A_869 = tpu.memref_squeeze %dma_wait3A_868 : memref<1x512x16xf32, #tpu.memory_space<vmem>> -> memref<512x16xf32, #tpu.memory_space<vmem>>
    %dma_wait3A_870 = arith.constant 0 : i32
    %dma_wait3A_871 = tpu.memref_slice %arg10[%dma_wait3A_870] : memref<10240xi32, #tpu.memory_space<vmem>> -> memref<512xi32, #tpu.memory_space<vmem>>
    %dma_wait3A_872 = arith.constant 0 : i32
    %dma_wait3A_873 = arith.constant 0 : i32
    %dma_wait3A_874 = tpu.memref_slice %arg2[%dma_wait3A_872, %dma_wait3A_873] : memref<10000x16xf32, #tpu.memory_space<hbm>> -> memref<10000x16xf32, #tpu.memory_space<hbm>>
    %dma_wait3A_875 = tpu.memref_slice %arg16[%dma_wait3A_865] : memref<8x!tpu.dma_semaphore, #tpu.memory_space<semaphore_mem>> -> memref<1x!tpu.dma_semaphore, #tpu.memory_space<semaphore_mem>>
    %dma_wait3A_876 = tpu.memref_squeeze %dma_wait3A_875 : memref<1x!tpu.dma_semaphore, #tpu.memory_space<semaphore_mem>> -> memref<!tpu.dma_semaphore, #tpu.memory_space<semaphore_mem>>
    tpu.wait_indirect_dma semaphore(%dma_wait3A_876 : memref<!tpu.dma_semaphore, #tpu.memory_space<semaphore_mem>>) src(%dma_wait3A_874 : memref<10000x16xf32, #tpu.memory_space<hbm>>) dst(%dma_wait3A_869 : memref<512x16xf32, #tpu.memory_space<vmem>>)
    %dma_start3A_877 = arith.constant 4 : i32
    %dma_start3A_878 = arith.constant 4 : i32
    %dma_start3A_879 = arith.constant 0 : i32
    %dma_start3A_880 = arith.constant 0 : i32
    %dma_start3A_881 = tpu.memref_slice %arg12[%dma_start3A_877, %dma_start3A_879, %dma_start3A_880] : memref<8x512x16xf32, #tpu.memory_space<vmem>> -> memref<1x512x16xf32, #tpu.memory_space<vmem>>
    %dma_start3A_882 = tpu.memref_squeeze %dma_start3A_881 : memref<1x512x16xf32, #tpu.memory_space<vmem>> -> memref<512x16xf32, #tpu.memory_space<vmem>>
    %dma_start3A_883 = arith.constant 6144 : i32
    %dma_start3A_884 = tpu.memref_slice %arg11[%dma_start3A_883] : memref<10240xi32, #tpu.memory_space<vmem>> -> memref<512xi32, #tpu.memory_space<vmem>>
    %dma_start3A_885 = arith.constant 0 : i32
    %dma_start3A_886 = arith.constant 0 : i32
    %dma_start3A_887 = tpu.memref_slice %arg14[%dma_start3A_885, %dma_start3A_886] : memref<10112x16xf32, #tpu.memory_space<vmem_shared>> -> memref<10112x16xf32, #tpu.memory_space<vmem_shared>>
    %dma_start3A_888 = tpu.memref_slice %arg17[%dma_start3A_878] : memref<8x!tpu.dma_semaphore, #tpu.memory_space<semaphore_mem>> -> memref<1x!tpu.dma_semaphore, #tpu.memory_space<semaphore_mem>>
    %dma_start3A_889 = tpu.memref_squeeze %dma_start3A_888 : memref<1x!tpu.dma_semaphore, #tpu.memory_space<semaphore_mem>> -> memref<!tpu.dma_semaphore, #tpu.memory_space<semaphore_mem>>
    tpu.enqueue_indirect_dma source(%dma_start3A_882 : memref<512x16xf32, #tpu.memory_space<vmem>>) target(%dma_start3A_887 : memref<10112x16xf32, #tpu.memory_space<vmem_shared>>) offsets(%dma_start3A_884 : memref<512xi32, #tpu.memory_space<vmem>>) semaphore(%dma_start3A_889 : memref<!tpu.dma_semaphore, #tpu.memory_space<semaphore_mem>>) {add = true}
    %dma_start3A_890 = arith.constant 6144 : i32
    %dma_start3A_891 = tpu.memref_slice %arg11[%dma_start3A_890] : memref<10240xi32, #tpu.memory_space<vmem>> -> memref<512xi32, #tpu.memory_space<vmem>>
    %dma_start3A_892 = arith.constant 0 : i32
    %dma_start3A_893 = tpu.memref_slice %arg15[%dma_start3A_892] : memref<10112xf32, #tpu.memory_space<vmem_shared>> -> memref<10112xf32, #tpu.memory_space<vmem_shared>>
    tpu.enqueue_indirect_dma source(%arg13 : memref<512xf32, #tpu.memory_space<vmem>>) target(%dma_start3A_893 : memref<10112xf32, #tpu.memory_space<vmem_shared>>) offsets(%dma_start3A_891 : memref<512xi32, #tpu.memory_space<vmem>>) semaphore(%arg18 : memref<!tpu.dma_semaphore, #tpu.memory_space<semaphore_mem>>) {add = true}
    %dma_wait3A_894 = arith.constant 7 : i32
    %dma_wait3A_895 = arith.constant 7 : i32
    %dma_wait3A_896 = arith.constant 0 : i32
    %dma_wait3A_897 = arith.constant 0 : i32
    %dma_wait3A_898 = tpu.memref_slice %arg12[%dma_wait3A_894, %dma_wait3A_896, %dma_wait3A_897] : memref<8x512x16xf32, #tpu.memory_space<vmem>> -> memref<1x512x16xf32, #tpu.memory_space<vmem>>
    %dma_wait3A_899 = tpu.memref_squeeze %dma_wait3A_898 : memref<1x512x16xf32, #tpu.memory_space<vmem>> -> memref<512x16xf32, #tpu.memory_space<vmem>>
    %dma_wait3A_900 = arith.constant 0 : i32
    %dma_wait3A_901 = tpu.memref_slice %arg11[%dma_wait3A_900] : memref<10240xi32, #tpu.memory_space<vmem>> -> memref<512xi32, #tpu.memory_space<vmem>>
    %dma_wait3A_902 = arith.constant 0 : i32
    %dma_wait3A_903 = arith.constant 0 : i32
    %dma_wait3A_904 = tpu.memref_slice %arg14[%dma_wait3A_902, %dma_wait3A_903] : memref<10112x16xf32, #tpu.memory_space<vmem_shared>> -> memref<10112x16xf32, #tpu.memory_space<vmem_shared>>
    %dma_wait3A_905 = tpu.memref_slice %arg17[%dma_wait3A_895] : memref<8x!tpu.dma_semaphore, #tpu.memory_space<semaphore_mem>> -> memref<1x!tpu.dma_semaphore, #tpu.memory_space<semaphore_mem>>
    %dma_wait3A_906 = tpu.memref_squeeze %dma_wait3A_905 : memref<1x!tpu.dma_semaphore, #tpu.memory_space<semaphore_mem>> -> memref<!tpu.dma_semaphore, #tpu.memory_space<semaphore_mem>>
    tpu.wait_indirect_dma semaphore(%dma_wait3A_906 : memref<!tpu.dma_semaphore, #tpu.memory_space<semaphore_mem>>) src(%dma_wait3A_899 : memref<512x16xf32, #tpu.memory_space<vmem>>) dst(%dma_wait3A_904 : memref<10112x16xf32, #tpu.memory_space<vmem_shared>>)
    %dma_start3A_907 = arith.constant 7 : i32
    %dma_start3A_908 = arith.constant 7 : i32
    %dma_start3A_909 = arith.constant 0 : i32
    %dma_start3A_910 = arith.constant 0 : i32
    %dma_start3A_911 = tpu.memref_slice %arg12[%dma_start3A_907, %dma_start3A_909, %dma_start3A_910] : memref<8x512x16xf32, #tpu.memory_space<vmem>> -> memref<1x512x16xf32, #tpu.memory_space<vmem>>
    %dma_start3A_912 = tpu.memref_squeeze %dma_start3A_911 : memref<1x512x16xf32, #tpu.memory_space<vmem>> -> memref<512x16xf32, #tpu.memory_space<vmem>>
    %dma_start3A_913 = arith.constant 7680 : i32
    %dma_start3A_914 = tpu.memref_slice %arg10[%dma_start3A_913] : memref<10240xi32, #tpu.memory_space<vmem>> -> memref<512xi32, #tpu.memory_space<vmem>>
    %dma_start3A_915 = arith.constant 0 : i32
    %dma_start3A_916 = arith.constant 0 : i32
    %dma_start3A_917 = tpu.memref_slice %arg2[%dma_start3A_915, %dma_start3A_916] : memref<10000x16xf32, #tpu.memory_space<hbm>> -> memref<10000x16xf32, #tpu.memory_space<hbm>>
    %dma_start3A_918 = tpu.memref_slice %arg16[%dma_start3A_908] : memref<8x!tpu.dma_semaphore, #tpu.memory_space<semaphore_mem>> -> memref<1x!tpu.dma_semaphore, #tpu.memory_space<semaphore_mem>>
    %dma_start3A_919 = tpu.memref_squeeze %dma_start3A_918 : memref<1x!tpu.dma_semaphore, #tpu.memory_space<semaphore_mem>> -> memref<!tpu.dma_semaphore, #tpu.memory_space<semaphore_mem>>
    tpu.enqueue_indirect_dma source(%dma_start3A_917 : memref<10000x16xf32, #tpu.memory_space<hbm>>) target(%dma_start3A_912 : memref<512x16xf32, #tpu.memory_space<vmem>>) offsets(%dma_start3A_914 : memref<512xi32, #tpu.memory_space<vmem>>) semaphore(%dma_start3A_919 : memref<!tpu.dma_semaphore, #tpu.memory_space<semaphore_mem>>)
    %dma_wait3A_920 = arith.constant 5 : i32
    %dma_wait3A_921 = arith.constant 5 : i32
    %dma_wait3A_922 = arith.constant 0 : i32
    %dma_wait3A_923 = arith.constant 0 : i32
    %dma_wait3A_924 = tpu.memref_slice %arg12[%dma_wait3A_920, %dma_wait3A_922, %dma_wait3A_923] : memref<8x512x16xf32, #tpu.memory_space<vmem>> -> memref<1x512x16xf32, #tpu.memory_space<vmem>>
    %dma_wait3A_925 = tpu.memref_squeeze %dma_wait3A_924 : memref<1x512x16xf32, #tpu.memory_space<vmem>> -> memref<512x16xf32, #tpu.memory_space<vmem>>
    %dma_wait3A_926 = arith.constant 0 : i32
    %dma_wait3A_927 = tpu.memref_slice %arg10[%dma_wait3A_926] : memref<10240xi32, #tpu.memory_space<vmem>> -> memref<512xi32, #tpu.memory_space<vmem>>
    %dma_wait3A_928 = arith.constant 0 : i32
    %dma_wait3A_929 = arith.constant 0 : i32
    %dma_wait3A_930 = tpu.memref_slice %arg2[%dma_wait3A_928, %dma_wait3A_929] : memref<10000x16xf32, #tpu.memory_space<hbm>> -> memref<10000x16xf32, #tpu.memory_space<hbm>>
    %dma_wait3A_931 = tpu.memref_slice %arg16[%dma_wait3A_921] : memref<8x!tpu.dma_semaphore, #tpu.memory_space<semaphore_mem>> -> memref<1x!tpu.dma_semaphore, #tpu.memory_space<semaphore_mem>>
    %dma_wait3A_932 = tpu.memref_squeeze %dma_wait3A_931 : memref<1x!tpu.dma_semaphore, #tpu.memory_space<semaphore_mem>> -> memref<!tpu.dma_semaphore, #tpu.memory_space<semaphore_mem>>
    tpu.wait_indirect_dma semaphore(%dma_wait3A_932 : memref<!tpu.dma_semaphore, #tpu.memory_space<semaphore_mem>>) src(%dma_wait3A_930 : memref<10000x16xf32, #tpu.memory_space<hbm>>) dst(%dma_wait3A_925 : memref<512x16xf32, #tpu.memory_space<vmem>>)
    %dma_start3A_933 = arith.constant 5 : i32
    %dma_start3A_934 = arith.constant 5 : i32
    %dma_start3A_935 = arith.constant 0 : i32
    %dma_start3A_936 = arith.constant 0 : i32
    %dma_start3A_937 = tpu.memref_slice %arg12[%dma_start3A_933, %dma_start3A_935, %dma_start3A_936] : memref<8x512x16xf32, #tpu.memory_space<vmem>> -> memref<1x512x16xf32, #tpu.memory_space<vmem>>
    %dma_start3A_938 = tpu.memref_squeeze %dma_start3A_937 : memref<1x512x16xf32, #tpu.memory_space<vmem>> -> memref<512x16xf32, #tpu.memory_space<vmem>>
    %dma_start3A_939 = arith.constant 6656 : i32
    %dma_start3A_940 = tpu.memref_slice %arg11[%dma_start3A_939] : memref<10240xi32, #tpu.memory_space<vmem>> -> memref<512xi32, #tpu.memory_space<vmem>>
    %dma_start3A_941 = arith.constant 0 : i32
    %dma_start3A_942 = arith.constant 0 : i32
    %dma_start3A_943 = tpu.memref_slice %arg14[%dma_start3A_941, %dma_start3A_942] : memref<10112x16xf32, #tpu.memory_space<vmem_shared>> -> memref<10112x16xf32, #tpu.memory_space<vmem_shared>>
    %dma_start3A_944 = tpu.memref_slice %arg17[%dma_start3A_934] : memref<8x!tpu.dma_semaphore, #tpu.memory_space<semaphore_mem>> -> memref<1x!tpu.dma_semaphore, #tpu.memory_space<semaphore_mem>>
    %dma_start3A_945 = tpu.memref_squeeze %dma_start3A_944 : memref<1x!tpu.dma_semaphore, #tpu.memory_space<semaphore_mem>> -> memref<!tpu.dma_semaphore, #tpu.memory_space<semaphore_mem>>
    tpu.enqueue_indirect_dma source(%dma_start3A_938 : memref<512x16xf32, #tpu.memory_space<vmem>>) target(%dma_start3A_943 : memref<10112x16xf32, #tpu.memory_space<vmem_shared>>) offsets(%dma_start3A_940 : memref<512xi32, #tpu.memory_space<vmem>>) semaphore(%dma_start3A_945 : memref<!tpu.dma_semaphore, #tpu.memory_space<semaphore_mem>>) {add = true}
    %dma_start3A_946 = arith.constant 6656 : i32
    %dma_start3A_947 = tpu.memref_slice %arg11[%dma_start3A_946] : memref<10240xi32, #tpu.memory_space<vmem>> -> memref<512xi32, #tpu.memory_space<vmem>>
    %dma_start3A_948 = arith.constant 0 : i32
    %dma_start3A_949 = tpu.memref_slice %arg15[%dma_start3A_948] : memref<10112xf32, #tpu.memory_space<vmem_shared>> -> memref<10112xf32, #tpu.memory_space<vmem_shared>>
    tpu.enqueue_indirect_dma source(%arg13 : memref<512xf32, #tpu.memory_space<vmem>>) target(%dma_start3A_949 : memref<10112xf32, #tpu.memory_space<vmem_shared>>) offsets(%dma_start3A_947 : memref<512xi32, #tpu.memory_space<vmem>>) semaphore(%arg18 : memref<!tpu.dma_semaphore, #tpu.memory_space<semaphore_mem>>) {add = true}
    %dma_wait3A_950 = arith.constant 0 : i32
    %dma_wait3A_951 = arith.constant 0 : i32
    %dma_wait3A_952 = arith.constant 0 : i32
    %dma_wait3A_953 = arith.constant 0 : i32
    %dma_wait3A_954 = tpu.memref_slice %arg12[%dma_wait3A_950, %dma_wait3A_952, %dma_wait3A_953] : memref<8x512x16xf32, #tpu.memory_space<vmem>> -> memref<1x512x16xf32, #tpu.memory_space<vmem>>
    %dma_wait3A_955 = tpu.memref_squeeze %dma_wait3A_954 : memref<1x512x16xf32, #tpu.memory_space<vmem>> -> memref<512x16xf32, #tpu.memory_space<vmem>>
    %dma_wait3A_956 = arith.constant 0 : i32
    %dma_wait3A_957 = tpu.memref_slice %arg11[%dma_wait3A_956] : memref<10240xi32, #tpu.memory_space<vmem>> -> memref<512xi32, #tpu.memory_space<vmem>>
    %dma_wait3A_958 = arith.constant 0 : i32
    %dma_wait3A_959 = arith.constant 0 : i32
    %dma_wait3A_960 = tpu.memref_slice %arg14[%dma_wait3A_958, %dma_wait3A_959] : memref<10112x16xf32, #tpu.memory_space<vmem_shared>> -> memref<10112x16xf32, #tpu.memory_space<vmem_shared>>
    %dma_wait3A_961 = tpu.memref_slice %arg17[%dma_wait3A_951] : memref<8x!tpu.dma_semaphore, #tpu.memory_space<semaphore_mem>> -> memref<1x!tpu.dma_semaphore, #tpu.memory_space<semaphore_mem>>
    %dma_wait3A_962 = tpu.memref_squeeze %dma_wait3A_961 : memref<1x!tpu.dma_semaphore, #tpu.memory_space<semaphore_mem>> -> memref<!tpu.dma_semaphore, #tpu.memory_space<semaphore_mem>>
    tpu.wait_indirect_dma semaphore(%dma_wait3A_962 : memref<!tpu.dma_semaphore, #tpu.memory_space<semaphore_mem>>) src(%dma_wait3A_955 : memref<512x16xf32, #tpu.memory_space<vmem>>) dst(%dma_wait3A_960 : memref<10112x16xf32, #tpu.memory_space<vmem_shared>>)
    %dma_start3A_963 = arith.constant 0 : i32
    %dma_start3A_964 = arith.constant 0 : i32
    %dma_start3A_965 = arith.constant 0 : i32
    %dma_start3A_966 = arith.constant 0 : i32
    %dma_start3A_967 = tpu.memref_slice %arg12[%dma_start3A_963, %dma_start3A_965, %dma_start3A_966] : memref<8x512x16xf32, #tpu.memory_space<vmem>> -> memref<1x512x16xf32, #tpu.memory_space<vmem>>
    %dma_start3A_968 = tpu.memref_squeeze %dma_start3A_967 : memref<1x512x16xf32, #tpu.memory_space<vmem>> -> memref<512x16xf32, #tpu.memory_space<vmem>>
    %dma_start3A_969 = arith.constant 8192 : i32
    %dma_start3A_970 = tpu.memref_slice %arg10[%dma_start3A_969] : memref<10240xi32, #tpu.memory_space<vmem>> -> memref<512xi32, #tpu.memory_space<vmem>>
    %dma_start3A_971 = arith.constant 0 : i32
    %dma_start3A_972 = arith.constant 0 : i32
    %dma_start3A_973 = tpu.memref_slice %arg2[%dma_start3A_971, %dma_start3A_972] : memref<10000x16xf32, #tpu.memory_space<hbm>> -> memref<10000x16xf32, #tpu.memory_space<hbm>>
    %dma_start3A_974 = tpu.memref_slice %arg16[%dma_start3A_964] : memref<8x!tpu.dma_semaphore, #tpu.memory_space<semaphore_mem>> -> memref<1x!tpu.dma_semaphore, #tpu.memory_space<semaphore_mem>>
    %dma_start3A_975 = tpu.memref_squeeze %dma_start3A_974 : memref<1x!tpu.dma_semaphore, #tpu.memory_space<semaphore_mem>> -> memref<!tpu.dma_semaphore, #tpu.memory_space<semaphore_mem>>
    tpu.enqueue_indirect_dma source(%dma_start3A_973 : memref<10000x16xf32, #tpu.memory_space<hbm>>) target(%dma_start3A_968 : memref<512x16xf32, #tpu.memory_space<vmem>>) offsets(%dma_start3A_970 : memref<512xi32, #tpu.memory_space<vmem>>) semaphore(%dma_start3A_975 : memref<!tpu.dma_semaphore, #tpu.memory_space<semaphore_mem>>)
    %dma_wait3A_976 = arith.constant 6 : i32
    %dma_wait3A_977 = arith.constant 6 : i32
    %dma_wait3A_978 = arith.constant 0 : i32
    %dma_wait3A_979 = arith.constant 0 : i32
    %dma_wait3A_980 = tpu.memref_slice %arg12[%dma_wait3A_976, %dma_wait3A_978, %dma_wait3A_979] : memref<8x512x16xf32, #tpu.memory_space<vmem>> -> memref<1x512x16xf32, #tpu.memory_space<vmem>>
    %dma_wait3A_981 = tpu.memref_squeeze %dma_wait3A_980 : memref<1x512x16xf32, #tpu.memory_space<vmem>> -> memref<512x16xf32, #tpu.memory_space<vmem>>
    %dma_wait3A_982 = arith.constant 0 : i32
    %dma_wait3A_983 = tpu.memref_slice %arg10[%dma_wait3A_982] : memref<10240xi32, #tpu.memory_space<vmem>> -> memref<512xi32, #tpu.memory_space<vmem>>
    %dma_wait3A_984 = arith.constant 0 : i32
    %dma_wait3A_985 = arith.constant 0 : i32
    %dma_wait3A_986 = tpu.memref_slice %arg2[%dma_wait3A_984, %dma_wait3A_985] : memref<10000x16xf32, #tpu.memory_space<hbm>> -> memref<10000x16xf32, #tpu.memory_space<hbm>>
    %dma_wait3A_987 = tpu.memref_slice %arg16[%dma_wait3A_977] : memref<8x!tpu.dma_semaphore, #tpu.memory_space<semaphore_mem>> -> memref<1x!tpu.dma_semaphore, #tpu.memory_space<semaphore_mem>>
    %dma_wait3A_988 = tpu.memref_squeeze %dma_wait3A_987 : memref<1x!tpu.dma_semaphore, #tpu.memory_space<semaphore_mem>> -> memref<!tpu.dma_semaphore, #tpu.memory_space<semaphore_mem>>
    tpu.wait_indirect_dma semaphore(%dma_wait3A_988 : memref<!tpu.dma_semaphore, #tpu.memory_space<semaphore_mem>>) src(%dma_wait3A_986 : memref<10000x16xf32, #tpu.memory_space<hbm>>) dst(%dma_wait3A_981 : memref<512x16xf32, #tpu.memory_space<vmem>>)
    %dma_start3A_989 = arith.constant 6 : i32
    %dma_start3A_990 = arith.constant 6 : i32
    %dma_start3A_991 = arith.constant 0 : i32
    %dma_start3A_992 = arith.constant 0 : i32
    %dma_start3A_993 = tpu.memref_slice %arg12[%dma_start3A_989, %dma_start3A_991, %dma_start3A_992] : memref<8x512x16xf32, #tpu.memory_space<vmem>> -> memref<1x512x16xf32, #tpu.memory_space<vmem>>
    %dma_start3A_994 = tpu.memref_squeeze %dma_start3A_993 : memref<1x512x16xf32, #tpu.memory_space<vmem>> -> memref<512x16xf32, #tpu.memory_space<vmem>>
    %dma_start3A_995 = arith.constant 7168 : i32
    %dma_start3A_996 = tpu.memref_slice %arg11[%dma_start3A_995] : memref<10240xi32, #tpu.memory_space<vmem>> -> memref<512xi32, #tpu.memory_space<vmem>>
    %dma_start3A_997 = arith.constant 0 : i32
    %dma_start3A_998 = arith.constant 0 : i32
    %dma_start3A_999 = tpu.memref_slice %arg14[%dma_start3A_997, %dma_start3A_998] : memref<10112x16xf32, #tpu.memory_space<vmem_shared>> -> memref<10112x16xf32, #tpu.memory_space<vmem_shared>>
    %dma_start3A_1000 = tpu.memref_slice %arg17[%dma_start3A_990] : memref<8x!tpu.dma_semaphore, #tpu.memory_space<semaphore_mem>> -> memref<1x!tpu.dma_semaphore, #tpu.memory_space<semaphore_mem>>
    %dma_start3A_1001 = tpu.memref_squeeze %dma_start3A_1000 : memref<1x!tpu.dma_semaphore, #tpu.memory_space<semaphore_mem>> -> memref<!tpu.dma_semaphore, #tpu.memory_space<semaphore_mem>>
    tpu.enqueue_indirect_dma source(%dma_start3A_994 : memref<512x16xf32, #tpu.memory_space<vmem>>) target(%dma_start3A_999 : memref<10112x16xf32, #tpu.memory_space<vmem_shared>>) offsets(%dma_start3A_996 : memref<512xi32, #tpu.memory_space<vmem>>) semaphore(%dma_start3A_1001 : memref<!tpu.dma_semaphore, #tpu.memory_space<semaphore_mem>>) {add = true}
    %dma_start3A_1002 = arith.constant 7168 : i32
    %dma_start3A_1003 = tpu.memref_slice %arg11[%dma_start3A_1002] : memref<10240xi32, #tpu.memory_space<vmem>> -> memref<512xi32, #tpu.memory_space<vmem>>
    %dma_start3A_1004 = arith.constant 0 : i32
    %dma_start3A_1005 = tpu.memref_slice %arg15[%dma_start3A_1004] : memref<10112xf32, #tpu.memory_space<vmem_shared>> -> memref<10112xf32, #tpu.memory_space<vmem_shared>>
    tpu.enqueue_indirect_dma source(%arg13 : memref<512xf32, #tpu.memory_space<vmem>>) target(%dma_start3A_1005 : memref<10112xf32, #tpu.memory_space<vmem_shared>>) offsets(%dma_start3A_1003 : memref<512xi32, #tpu.memory_space<vmem>>) semaphore(%arg18 : memref<!tpu.dma_semaphore, #tpu.memory_space<semaphore_mem>>) {add = true}
    %dma_wait3A_1006 = arith.constant 1 : i32
    %dma_wait3A_1007 = arith.constant 1 : i32
    %dma_wait3A_1008 = arith.constant 0 : i32
    %dma_wait3A_1009 = arith.constant 0 : i32
    %dma_wait3A_1010 = tpu.memref_slice %arg12[%dma_wait3A_1006, %dma_wait3A_1008, %dma_wait3A_1009] : memref<8x512x16xf32, #tpu.memory_space<vmem>> -> memref<1x512x16xf32, #tpu.memory_space<vmem>>
    %dma_wait3A_1011 = tpu.memref_squeeze %dma_wait3A_1010 : memref<1x512x16xf32, #tpu.memory_space<vmem>> -> memref<512x16xf32, #tpu.memory_space<vmem>>
    %dma_wait3A_1012 = arith.constant 0 : i32
    %dma_wait3A_1013 = tpu.memref_slice %arg11[%dma_wait3A_1012] : memref<10240xi32, #tpu.memory_space<vmem>> -> memref<512xi32, #tpu.memory_space<vmem>>
    %dma_wait3A_1014 = arith.constant 0 : i32
    %dma_wait3A_1015 = arith.constant 0 : i32
    %dma_wait3A_1016 = tpu.memref_slice %arg14[%dma_wait3A_1014, %dma_wait3A_1015] : memref<10112x16xf32, #tpu.memory_space<vmem_shared>> -> memref<10112x16xf32, #tpu.memory_space<vmem_shared>>
    %dma_wait3A_1017 = tpu.memref_slice %arg17[%dma_wait3A_1007] : memref<8x!tpu.dma_semaphore, #tpu.memory_space<semaphore_mem>> -> memref<1x!tpu.dma_semaphore, #tpu.memory_space<semaphore_mem>>
    %dma_wait3A_1018 = tpu.memref_squeeze %dma_wait3A_1017 : memref<1x!tpu.dma_semaphore, #tpu.memory_space<semaphore_mem>> -> memref<!tpu.dma_semaphore, #tpu.memory_space<semaphore_mem>>
    tpu.wait_indirect_dma semaphore(%dma_wait3A_1018 : memref<!tpu.dma_semaphore, #tpu.memory_space<semaphore_mem>>) src(%dma_wait3A_1011 : memref<512x16xf32, #tpu.memory_space<vmem>>) dst(%dma_wait3A_1016 : memref<10112x16xf32, #tpu.memory_space<vmem_shared>>)
    %dma_start3A_1019 = arith.constant 1 : i32
    %dma_start3A_1020 = arith.constant 1 : i32
    %dma_start3A_1021 = arith.constant 0 : i32
    %dma_start3A_1022 = arith.constant 0 : i32
    %dma_start3A_1023 = tpu.memref_slice %arg12[%dma_start3A_1019, %dma_start3A_1021, %dma_start3A_1022] : memref<8x512x16xf32, #tpu.memory_space<vmem>> -> memref<1x512x16xf32, #tpu.memory_space<vmem>>
    %dma_start3A_1024 = tpu.memref_squeeze %dma_start3A_1023 : memref<1x512x16xf32, #tpu.memory_space<vmem>> -> memref<512x16xf32, #tpu.memory_space<vmem>>
    %dma_start3A_1025 = arith.constant 8704 : i32
    %dma_start3A_1026 = tpu.memref_slice %arg10[%dma_start3A_1025] : memref<10240xi32, #tpu.memory_space<vmem>> -> memref<512xi32, #tpu.memory_space<vmem>>
    %dma_start3A_1027 = arith.constant 0 : i32
    %dma_start3A_1028 = arith.constant 0 : i32
    %dma_start3A_1029 = tpu.memref_slice %arg2[%dma_start3A_1027, %dma_start3A_1028] : memref<10000x16xf32, #tpu.memory_space<hbm>> -> memref<10000x16xf32, #tpu.memory_space<hbm>>
    %dma_start3A_1030 = tpu.memref_slice %arg16[%dma_start3A_1020] : memref<8x!tpu.dma_semaphore, #tpu.memory_space<semaphore_mem>> -> memref<1x!tpu.dma_semaphore, #tpu.memory_space<semaphore_mem>>
    %dma_start3A_1031 = tpu.memref_squeeze %dma_start3A_1030 : memref<1x!tpu.dma_semaphore, #tpu.memory_space<semaphore_mem>> -> memref<!tpu.dma_semaphore, #tpu.memory_space<semaphore_mem>>
    tpu.enqueue_indirect_dma source(%dma_start3A_1029 : memref<10000x16xf32, #tpu.memory_space<hbm>>) target(%dma_start3A_1024 : memref<512x16xf32, #tpu.memory_space<vmem>>) offsets(%dma_start3A_1026 : memref<512xi32, #tpu.memory_space<vmem>>) semaphore(%dma_start3A_1031 : memref<!tpu.dma_semaphore, #tpu.memory_space<semaphore_mem>>)
    %dma_wait3A_1032 = arith.constant 7 : i32
    %dma_wait3A_1033 = arith.constant 7 : i32
    %dma_wait3A_1034 = arith.constant 0 : i32
    %dma_wait3A_1035 = arith.constant 0 : i32
    %dma_wait3A_1036 = tpu.memref_slice %arg12[%dma_wait3A_1032, %dma_wait3A_1034, %dma_wait3A_1035] : memref<8x512x16xf32, #tpu.memory_space<vmem>> -> memref<1x512x16xf32, #tpu.memory_space<vmem>>
    %dma_wait3A_1037 = tpu.memref_squeeze %dma_wait3A_1036 : memref<1x512x16xf32, #tpu.memory_space<vmem>> -> memref<512x16xf32, #tpu.memory_space<vmem>>
    %dma_wait3A_1038 = arith.constant 0 : i32
    %dma_wait3A_1039 = tpu.memref_slice %arg10[%dma_wait3A_1038] : memref<10240xi32, #tpu.memory_space<vmem>> -> memref<512xi32, #tpu.memory_space<vmem>>
    %dma_wait3A_1040 = arith.constant 0 : i32
    %dma_wait3A_1041 = arith.constant 0 : i32
    %dma_wait3A_1042 = tpu.memref_slice %arg2[%dma_wait3A_1040, %dma_wait3A_1041] : memref<10000x16xf32, #tpu.memory_space<hbm>> -> memref<10000x16xf32, #tpu.memory_space<hbm>>
    %dma_wait3A_1043 = tpu.memref_slice %arg16[%dma_wait3A_1033] : memref<8x!tpu.dma_semaphore, #tpu.memory_space<semaphore_mem>> -> memref<1x!tpu.dma_semaphore, #tpu.memory_space<semaphore_mem>>
    %dma_wait3A_1044 = tpu.memref_squeeze %dma_wait3A_1043 : memref<1x!tpu.dma_semaphore, #tpu.memory_space<semaphore_mem>> -> memref<!tpu.dma_semaphore, #tpu.memory_space<semaphore_mem>>
    tpu.wait_indirect_dma semaphore(%dma_wait3A_1044 : memref<!tpu.dma_semaphore, #tpu.memory_space<semaphore_mem>>) src(%dma_wait3A_1042 : memref<10000x16xf32, #tpu.memory_space<hbm>>) dst(%dma_wait3A_1037 : memref<512x16xf32, #tpu.memory_space<vmem>>)
    %dma_start3A_1045 = arith.constant 7 : i32
    %dma_start3A_1046 = arith.constant 7 : i32
    %dma_start3A_1047 = arith.constant 0 : i32
    %dma_start3A_1048 = arith.constant 0 : i32
    %dma_start3A_1049 = tpu.memref_slice %arg12[%dma_start3A_1045, %dma_start3A_1047, %dma_start3A_1048] : memref<8x512x16xf32, #tpu.memory_space<vmem>> -> memref<1x512x16xf32, #tpu.memory_space<vmem>>
    %dma_start3A_1050 = tpu.memref_squeeze %dma_start3A_1049 : memref<1x512x16xf32, #tpu.memory_space<vmem>> -> memref<512x16xf32, #tpu.memory_space<vmem>>
    %dma_start3A_1051 = arith.constant 7680 : i32
    %dma_start3A_1052 = tpu.memref_slice %arg11[%dma_start3A_1051] : memref<10240xi32, #tpu.memory_space<vmem>> -> memref<512xi32, #tpu.memory_space<vmem>>
    %dma_start3A_1053 = arith.constant 0 : i32
    %dma_start3A_1054 = arith.constant 0 : i32
    %dma_start3A_1055 = tpu.memref_slice %arg14[%dma_start3A_1053, %dma_start3A_1054] : memref<10112x16xf32, #tpu.memory_space<vmem_shared>> -> memref<10112x16xf32, #tpu.memory_space<vmem_shared>>
    %dma_start3A_1056 = tpu.memref_slice %arg17[%dma_start3A_1046] : memref<8x!tpu.dma_semaphore, #tpu.memory_space<semaphore_mem>> -> memref<1x!tpu.dma_semaphore, #tpu.memory_space<semaphore_mem>>
    %dma_start3A_1057 = tpu.memref_squeeze %dma_start3A_1056 : memref<1x!tpu.dma_semaphore, #tpu.memory_space<semaphore_mem>> -> memref<!tpu.dma_semaphore, #tpu.memory_space<semaphore_mem>>
    tpu.enqueue_indirect_dma source(%dma_start3A_1050 : memref<512x16xf32, #tpu.memory_space<vmem>>) target(%dma_start3A_1055 : memref<10112x16xf32, #tpu.memory_space<vmem_shared>>) offsets(%dma_start3A_1052 : memref<512xi32, #tpu.memory_space<vmem>>) semaphore(%dma_start3A_1057 : memref<!tpu.dma_semaphore, #tpu.memory_space<semaphore_mem>>) {add = true}
    %dma_start3A_1058 = arith.constant 7680 : i32
    %dma_start3A_1059 = tpu.memref_slice %arg11[%dma_start3A_1058] : memref<10240xi32, #tpu.memory_space<vmem>> -> memref<512xi32, #tpu.memory_space<vmem>>
    %dma_start3A_1060 = arith.constant 0 : i32
    %dma_start3A_1061 = tpu.memref_slice %arg15[%dma_start3A_1060] : memref<10112xf32, #tpu.memory_space<vmem_shared>> -> memref<10112xf32, #tpu.memory_space<vmem_shared>>
    tpu.enqueue_indirect_dma source(%arg13 : memref<512xf32, #tpu.memory_space<vmem>>) target(%dma_start3A_1061 : memref<10112xf32, #tpu.memory_space<vmem_shared>>) offsets(%dma_start3A_1059 : memref<512xi32, #tpu.memory_space<vmem>>) semaphore(%arg18 : memref<!tpu.dma_semaphore, #tpu.memory_space<semaphore_mem>>) {add = true}
    %dma_wait3A_1062 = arith.constant 2 : i32
    %dma_wait3A_1063 = arith.constant 2 : i32
    %dma_wait3A_1064 = arith.constant 0 : i32
    %dma_wait3A_1065 = arith.constant 0 : i32
    %dma_wait3A_1066 = tpu.memref_slice %arg12[%dma_wait3A_1062, %dma_wait3A_1064, %dma_wait3A_1065] : memref<8x512x16xf32, #tpu.memory_space<vmem>> -> memref<1x512x16xf32, #tpu.memory_space<vmem>>
    %dma_wait3A_1067 = tpu.memref_squeeze %dma_wait3A_1066 : memref<1x512x16xf32, #tpu.memory_space<vmem>> -> memref<512x16xf32, #tpu.memory_space<vmem>>
    %dma_wait3A_1068 = arith.constant 0 : i32
    %dma_wait3A_1069 = tpu.memref_slice %arg11[%dma_wait3A_1068] : memref<10240xi32, #tpu.memory_space<vmem>> -> memref<512xi32, #tpu.memory_space<vmem>>
    %dma_wait3A_1070 = arith.constant 0 : i32
    %dma_wait3A_1071 = arith.constant 0 : i32
    %dma_wait3A_1072 = tpu.memref_slice %arg14[%dma_wait3A_1070, %dma_wait3A_1071] : memref<10112x16xf32, #tpu.memory_space<vmem_shared>> -> memref<10112x16xf32, #tpu.memory_space<vmem_shared>>
    %dma_wait3A_1073 = tpu.memref_slice %arg17[%dma_wait3A_1063] : memref<8x!tpu.dma_semaphore, #tpu.memory_space<semaphore_mem>> -> memref<1x!tpu.dma_semaphore, #tpu.memory_space<semaphore_mem>>
    %dma_wait3A_1074 = tpu.memref_squeeze %dma_wait3A_1073 : memref<1x!tpu.dma_semaphore, #tpu.memory_space<semaphore_mem>> -> memref<!tpu.dma_semaphore, #tpu.memory_space<semaphore_mem>>
    tpu.wait_indirect_dma semaphore(%dma_wait3A_1074 : memref<!tpu.dma_semaphore, #tpu.memory_space<semaphore_mem>>) src(%dma_wait3A_1067 : memref<512x16xf32, #tpu.memory_space<vmem>>) dst(%dma_wait3A_1072 : memref<10112x16xf32, #tpu.memory_space<vmem_shared>>)
    %dma_start3A_1075 = arith.constant 2 : i32
    %dma_start3A_1076 = arith.constant 2 : i32
    %dma_start3A_1077 = arith.constant 0 : i32
    %dma_start3A_1078 = arith.constant 0 : i32
    %dma_start3A_1079 = tpu.memref_slice %arg12[%dma_start3A_1075, %dma_start3A_1077, %dma_start3A_1078] : memref<8x512x16xf32, #tpu.memory_space<vmem>> -> memref<1x512x16xf32, #tpu.memory_space<vmem>>
    %dma_start3A_1080 = tpu.memref_squeeze %dma_start3A_1079 : memref<1x512x16xf32, #tpu.memory_space<vmem>> -> memref<512x16xf32, #tpu.memory_space<vmem>>
    %dma_start3A_1081 = arith.constant 9216 : i32
    %dma_start3A_1082 = tpu.memref_slice %arg10[%dma_start3A_1081] : memref<10240xi32, #tpu.memory_space<vmem>> -> memref<512xi32, #tpu.memory_space<vmem>>
    %dma_start3A_1083 = arith.constant 0 : i32
    %dma_start3A_1084 = arith.constant 0 : i32
    %dma_start3A_1085 = tpu.memref_slice %arg2[%dma_start3A_1083, %dma_start3A_1084] : memref<10000x16xf32, #tpu.memory_space<hbm>> -> memref<10000x16xf32, #tpu.memory_space<hbm>>
    %dma_start3A_1086 = tpu.memref_slice %arg16[%dma_start3A_1076] : memref<8x!tpu.dma_semaphore, #tpu.memory_space<semaphore_mem>> -> memref<1x!tpu.dma_semaphore, #tpu.memory_space<semaphore_mem>>
    %dma_start3A_1087 = tpu.memref_squeeze %dma_start3A_1086 : memref<1x!tpu.dma_semaphore, #tpu.memory_space<semaphore_mem>> -> memref<!tpu.dma_semaphore, #tpu.memory_space<semaphore_mem>>
    tpu.enqueue_indirect_dma source(%dma_start3A_1085 : memref<10000x16xf32, #tpu.memory_space<hbm>>) target(%dma_start3A_1080 : memref<512x16xf32, #tpu.memory_space<vmem>>) offsets(%dma_start3A_1082 : memref<512xi32, #tpu.memory_space<vmem>>) semaphore(%dma_start3A_1087 : memref<!tpu.dma_semaphore, #tpu.memory_space<semaphore_mem>>)
    %dma_wait3A_1088 = arith.constant 0 : i32
    %dma_wait3A_1089 = arith.constant 0 : i32
    %dma_wait3A_1090 = arith.constant 0 : i32
    %dma_wait3A_1091 = arith.constant 0 : i32
    %dma_wait3A_1092 = tpu.memref_slice %arg12[%dma_wait3A_1088, %dma_wait3A_1090, %dma_wait3A_1091] : memref<8x512x16xf32, #tpu.memory_space<vmem>> -> memref<1x512x16xf32, #tpu.memory_space<vmem>>
    %dma_wait3A_1093 = tpu.memref_squeeze %dma_wait3A_1092 : memref<1x512x16xf32, #tpu.memory_space<vmem>> -> memref<512x16xf32, #tpu.memory_space<vmem>>
    %dma_wait3A_1094 = arith.constant 0 : i32
    %dma_wait3A_1095 = tpu.memref_slice %arg10[%dma_wait3A_1094] : memref<10240xi32, #tpu.memory_space<vmem>> -> memref<512xi32, #tpu.memory_space<vmem>>
    %dma_wait3A_1096 = arith.constant 0 : i32
    %dma_wait3A_1097 = arith.constant 0 : i32
    %dma_wait3A_1098 = tpu.memref_slice %arg2[%dma_wait3A_1096, %dma_wait3A_1097] : memref<10000x16xf32, #tpu.memory_space<hbm>> -> memref<10000x16xf32, #tpu.memory_space<hbm>>
    %dma_wait3A_1099 = tpu.memref_slice %arg16[%dma_wait3A_1089] : memref<8x!tpu.dma_semaphore, #tpu.memory_space<semaphore_mem>> -> memref<1x!tpu.dma_semaphore, #tpu.memory_space<semaphore_mem>>
    %dma_wait3A_1100 = tpu.memref_squeeze %dma_wait3A_1099 : memref<1x!tpu.dma_semaphore, #tpu.memory_space<semaphore_mem>> -> memref<!tpu.dma_semaphore, #tpu.memory_space<semaphore_mem>>
    tpu.wait_indirect_dma semaphore(%dma_wait3A_1100 : memref<!tpu.dma_semaphore, #tpu.memory_space<semaphore_mem>>) src(%dma_wait3A_1098 : memref<10000x16xf32, #tpu.memory_space<hbm>>) dst(%dma_wait3A_1093 : memref<512x16xf32, #tpu.memory_space<vmem>>)
    %dma_start3A_1101 = arith.constant 0 : i32
    %dma_start3A_1102 = arith.constant 0 : i32
    %dma_start3A_1103 = arith.constant 0 : i32
    %dma_start3A_1104 = arith.constant 0 : i32
    %dma_start3A_1105 = tpu.memref_slice %arg12[%dma_start3A_1101, %dma_start3A_1103, %dma_start3A_1104] : memref<8x512x16xf32, #tpu.memory_space<vmem>> -> memref<1x512x16xf32, #tpu.memory_space<vmem>>
    %dma_start3A_1106 = tpu.memref_squeeze %dma_start3A_1105 : memref<1x512x16xf32, #tpu.memory_space<vmem>> -> memref<512x16xf32, #tpu.memory_space<vmem>>
    %dma_start3A_1107 = arith.constant 8192 : i32
    %dma_start3A_1108 = tpu.memref_slice %arg11[%dma_start3A_1107] : memref<10240xi32, #tpu.memory_space<vmem>> -> memref<512xi32, #tpu.memory_space<vmem>>
    %dma_start3A_1109 = arith.constant 0 : i32
    %dma_start3A_1110 = arith.constant 0 : i32
    %dma_start3A_1111 = tpu.memref_slice %arg14[%dma_start3A_1109, %dma_start3A_1110] : memref<10112x16xf32, #tpu.memory_space<vmem_shared>> -> memref<10112x16xf32, #tpu.memory_space<vmem_shared>>
    %dma_start3A_1112 = tpu.memref_slice %arg17[%dma_start3A_1102] : memref<8x!tpu.dma_semaphore, #tpu.memory_space<semaphore_mem>> -> memref<1x!tpu.dma_semaphore, #tpu.memory_space<semaphore_mem>>
    %dma_start3A_1113 = tpu.memref_squeeze %dma_start3A_1112 : memref<1x!tpu.dma_semaphore, #tpu.memory_space<semaphore_mem>> -> memref<!tpu.dma_semaphore, #tpu.memory_space<semaphore_mem>>
    tpu.enqueue_indirect_dma source(%dma_start3A_1106 : memref<512x16xf32, #tpu.memory_space<vmem>>) target(%dma_start3A_1111 : memref<10112x16xf32, #tpu.memory_space<vmem_shared>>) offsets(%dma_start3A_1108 : memref<512xi32, #tpu.memory_space<vmem>>) semaphore(%dma_start3A_1113 : memref<!tpu.dma_semaphore, #tpu.memory_space<semaphore_mem>>) {add = true}
    %dma_start3A_1114 = arith.constant 8192 : i32
    %dma_start3A_1115 = tpu.memref_slice %arg11[%dma_start3A_1114] : memref<10240xi32, #tpu.memory_space<vmem>> -> memref<512xi32, #tpu.memory_space<vmem>>
    %dma_start3A_1116 = arith.constant 0 : i32
    %dma_start3A_1117 = tpu.memref_slice %arg15[%dma_start3A_1116] : memref<10112xf32, #tpu.memory_space<vmem_shared>> -> memref<10112xf32, #tpu.memory_space<vmem_shared>>
    tpu.enqueue_indirect_dma source(%arg13 : memref<512xf32, #tpu.memory_space<vmem>>) target(%dma_start3A_1117 : memref<10112xf32, #tpu.memory_space<vmem_shared>>) offsets(%dma_start3A_1115 : memref<512xi32, #tpu.memory_space<vmem>>) semaphore(%arg18 : memref<!tpu.dma_semaphore, #tpu.memory_space<semaphore_mem>>) {add = true}
    %dma_wait3A_1118 = arith.constant 3 : i32
    %dma_wait3A_1119 = arith.constant 3 : i32
    %dma_wait3A_1120 = arith.constant 0 : i32
    %dma_wait3A_1121 = arith.constant 0 : i32
    %dma_wait3A_1122 = tpu.memref_slice %arg12[%dma_wait3A_1118, %dma_wait3A_1120, %dma_wait3A_1121] : memref<8x512x16xf32, #tpu.memory_space<vmem>> -> memref<1x512x16xf32, #tpu.memory_space<vmem>>
    %dma_wait3A_1123 = tpu.memref_squeeze %dma_wait3A_1122 : memref<1x512x16xf32, #tpu.memory_space<vmem>> -> memref<512x16xf32, #tpu.memory_space<vmem>>
    %dma_wait3A_1124 = arith.constant 0 : i32
    %dma_wait3A_1125 = tpu.memref_slice %arg11[%dma_wait3A_1124] : memref<10240xi32, #tpu.memory_space<vmem>> -> memref<512xi32, #tpu.memory_space<vmem>>
    %dma_wait3A_1126 = arith.constant 0 : i32
    %dma_wait3A_1127 = arith.constant 0 : i32
    %dma_wait3A_1128 = tpu.memref_slice %arg14[%dma_wait3A_1126, %dma_wait3A_1127] : memref<10112x16xf32, #tpu.memory_space<vmem_shared>> -> memref<10112x16xf32, #tpu.memory_space<vmem_shared>>
    %dma_wait3A_1129 = tpu.memref_slice %arg17[%dma_wait3A_1119] : memref<8x!tpu.dma_semaphore, #tpu.memory_space<semaphore_mem>> -> memref<1x!tpu.dma_semaphore, #tpu.memory_space<semaphore_mem>>
    %dma_wait3A_1130 = tpu.memref_squeeze %dma_wait3A_1129 : memref<1x!tpu.dma_semaphore, #tpu.memory_space<semaphore_mem>> -> memref<!tpu.dma_semaphore, #tpu.memory_space<semaphore_mem>>
    tpu.wait_indirect_dma semaphore(%dma_wait3A_1130 : memref<!tpu.dma_semaphore, #tpu.memory_space<semaphore_mem>>) src(%dma_wait3A_1123 : memref<512x16xf32, #tpu.memory_space<vmem>>) dst(%dma_wait3A_1128 : memref<10112x16xf32, #tpu.memory_space<vmem_shared>>)
    %dma_start3A_1131 = arith.constant 3 : i32
    %dma_start3A_1132 = arith.constant 3 : i32
    %dma_start3A_1133 = arith.constant 0 : i32
    %dma_start3A_1134 = arith.constant 0 : i32
    %dma_start3A_1135 = tpu.memref_slice %arg12[%dma_start3A_1131, %dma_start3A_1133, %dma_start3A_1134] : memref<8x512x16xf32, #tpu.memory_space<vmem>> -> memref<1x512x16xf32, #tpu.memory_space<vmem>>
    %dma_start3A_1136 = tpu.memref_squeeze %dma_start3A_1135 : memref<1x512x16xf32, #tpu.memory_space<vmem>> -> memref<512x16xf32, #tpu.memory_space<vmem>>
    %dma_start3A_1137 = arith.constant 9728 : i32
    %dma_start3A_1138 = tpu.memref_slice %arg10[%dma_start3A_1137] : memref<10240xi32, #tpu.memory_space<vmem>> -> memref<512xi32, #tpu.memory_space<vmem>>
    %dma_start3A_1139 = arith.constant 0 : i32
    %dma_start3A_1140 = arith.constant 0 : i32
    %dma_start3A_1141 = tpu.memref_slice %arg2[%dma_start3A_1139, %dma_start3A_1140] : memref<10000x16xf32, #tpu.memory_space<hbm>> -> memref<10000x16xf32, #tpu.memory_space<hbm>>
    %dma_start3A_1142 = tpu.memref_slice %arg16[%dma_start3A_1132] : memref<8x!tpu.dma_semaphore, #tpu.memory_space<semaphore_mem>> -> memref<1x!tpu.dma_semaphore, #tpu.memory_space<semaphore_mem>>
    %dma_start3A_1143 = tpu.memref_squeeze %dma_start3A_1142 : memref<1x!tpu.dma_semaphore, #tpu.memory_space<semaphore_mem>> -> memref<!tpu.dma_semaphore, #tpu.memory_space<semaphore_mem>>
    tpu.enqueue_indirect_dma source(%dma_start3A_1141 : memref<10000x16xf32, #tpu.memory_space<hbm>>) target(%dma_start3A_1136 : memref<512x16xf32, #tpu.memory_space<vmem>>) offsets(%dma_start3A_1138 : memref<512xi32, #tpu.memory_space<vmem>>) semaphore(%dma_start3A_1143 : memref<!tpu.dma_semaphore, #tpu.memory_space<semaphore_mem>>)
    %dma_wait3A_1144 = arith.constant 1 : i32
    %dma_wait3A_1145 = arith.constant 1 : i32
    %dma_wait3A_1146 = arith.constant 0 : i32
    %dma_wait3A_1147 = arith.constant 0 : i32
    %dma_wait3A_1148 = tpu.memref_slice %arg12[%dma_wait3A_1144, %dma_wait3A_1146, %dma_wait3A_1147] : memref<8x512x16xf32, #tpu.memory_space<vmem>> -> memref<1x512x16xf32, #tpu.memory_space<vmem>>
    %dma_wait3A_1149 = tpu.memref_squeeze %dma_wait3A_1148 : memref<1x512x16xf32, #tpu.memory_space<vmem>> -> memref<512x16xf32, #tpu.memory_space<vmem>>
    %dma_wait3A_1150 = arith.constant 0 : i32
    %dma_wait3A_1151 = tpu.memref_slice %arg10[%dma_wait3A_1150] : memref<10240xi32, #tpu.memory_space<vmem>> -> memref<512xi32, #tpu.memory_space<vmem>>
    %dma_wait3A_1152 = arith.constant 0 : i32
    %dma_wait3A_1153 = arith.constant 0 : i32
    %dma_wait3A_1154 = tpu.memref_slice %arg2[%dma_wait3A_1152, %dma_wait3A_1153] : memref<10000x16xf32, #tpu.memory_space<hbm>> -> memref<10000x16xf32, #tpu.memory_space<hbm>>
    %dma_wait3A_1155 = tpu.memref_slice %arg16[%dma_wait3A_1145] : memref<8x!tpu.dma_semaphore, #tpu.memory_space<semaphore_mem>> -> memref<1x!tpu.dma_semaphore, #tpu.memory_space<semaphore_mem>>
    %dma_wait3A_1156 = tpu.memref_squeeze %dma_wait3A_1155 : memref<1x!tpu.dma_semaphore, #tpu.memory_space<semaphore_mem>> -> memref<!tpu.dma_semaphore, #tpu.memory_space<semaphore_mem>>
    tpu.wait_indirect_dma semaphore(%dma_wait3A_1156 : memref<!tpu.dma_semaphore, #tpu.memory_space<semaphore_mem>>) src(%dma_wait3A_1154 : memref<10000x16xf32, #tpu.memory_space<hbm>>) dst(%dma_wait3A_1149 : memref<512x16xf32, #tpu.memory_space<vmem>>)
    %dma_start3A_1157 = arith.constant 1 : i32
    %dma_start3A_1158 = arith.constant 1 : i32
    %dma_start3A_1159 = arith.constant 0 : i32
    %dma_start3A_1160 = arith.constant 0 : i32
    %dma_start3A_1161 = tpu.memref_slice %arg12[%dma_start3A_1157, %dma_start3A_1159, %dma_start3A_1160] : memref<8x512x16xf32, #tpu.memory_space<vmem>> -> memref<1x512x16xf32, #tpu.memory_space<vmem>>
    %dma_start3A_1162 = tpu.memref_squeeze %dma_start3A_1161 : memref<1x512x16xf32, #tpu.memory_space<vmem>> -> memref<512x16xf32, #tpu.memory_space<vmem>>
    %dma_start3A_1163 = arith.constant 8704 : i32
    %dma_start3A_1164 = tpu.memref_slice %arg11[%dma_start3A_1163] : memref<10240xi32, #tpu.memory_space<vmem>> -> memref<512xi32, #tpu.memory_space<vmem>>
    %dma_start3A_1165 = arith.constant 0 : i32
    %dma_start3A_1166 = arith.constant 0 : i32
    %dma_start3A_1167 = tpu.memref_slice %arg14[%dma_start3A_1165, %dma_start3A_1166] : memref<10112x16xf32, #tpu.memory_space<vmem_shared>> -> memref<10112x16xf32, #tpu.memory_space<vmem_shared>>
    %dma_start3A_1168 = tpu.memref_slice %arg17[%dma_start3A_1158] : memref<8x!tpu.dma_semaphore, #tpu.memory_space<semaphore_mem>> -> memref<1x!tpu.dma_semaphore, #tpu.memory_space<semaphore_mem>>
    %dma_start3A_1169 = tpu.memref_squeeze %dma_start3A_1168 : memref<1x!tpu.dma_semaphore, #tpu.memory_space<semaphore_mem>> -> memref<!tpu.dma_semaphore, #tpu.memory_space<semaphore_mem>>
    tpu.enqueue_indirect_dma source(%dma_start3A_1162 : memref<512x16xf32, #tpu.memory_space<vmem>>) target(%dma_start3A_1167 : memref<10112x16xf32, #tpu.memory_space<vmem_shared>>) offsets(%dma_start3A_1164 : memref<512xi32, #tpu.memory_space<vmem>>) semaphore(%dma_start3A_1169 : memref<!tpu.dma_semaphore, #tpu.memory_space<semaphore_mem>>) {add = true}
    %dma_start3A_1170 = arith.constant 8704 : i32
    %dma_start3A_1171 = tpu.memref_slice %arg11[%dma_start3A_1170] : memref<10240xi32, #tpu.memory_space<vmem>> -> memref<512xi32, #tpu.memory_space<vmem>>
    %dma_start3A_1172 = arith.constant 0 : i32
    %dma_start3A_1173 = tpu.memref_slice %arg15[%dma_start3A_1172] : memref<10112xf32, #tpu.memory_space<vmem_shared>> -> memref<10112xf32, #tpu.memory_space<vmem_shared>>
    tpu.enqueue_indirect_dma source(%arg13 : memref<512xf32, #tpu.memory_space<vmem>>) target(%dma_start3A_1173 : memref<10112xf32, #tpu.memory_space<vmem_shared>>) offsets(%dma_start3A_1171 : memref<512xi32, #tpu.memory_space<vmem>>) semaphore(%arg18 : memref<!tpu.dma_semaphore, #tpu.memory_space<semaphore_mem>>) {add = true}
    %dma_wait3A_1174 = arith.constant 2 : i32
    %dma_wait3A_1175 = arith.constant 2 : i32
    %dma_wait3A_1176 = arith.constant 0 : i32
    %dma_wait3A_1177 = arith.constant 0 : i32
    %dma_wait3A_1178 = tpu.memref_slice %arg12[%dma_wait3A_1174, %dma_wait3A_1176, %dma_wait3A_1177] : memref<8x512x16xf32, #tpu.memory_space<vmem>> -> memref<1x512x16xf32, #tpu.memory_space<vmem>>
    %dma_wait3A_1179 = tpu.memref_squeeze %dma_wait3A_1178 : memref<1x512x16xf32, #tpu.memory_space<vmem>> -> memref<512x16xf32, #tpu.memory_space<vmem>>
    %dma_wait3A_1180 = arith.constant 0 : i32
    %dma_wait3A_1181 = tpu.memref_slice %arg10[%dma_wait3A_1180] : memref<10240xi32, #tpu.memory_space<vmem>> -> memref<512xi32, #tpu.memory_space<vmem>>
    %dma_wait3A_1182 = arith.constant 0 : i32
    %dma_wait3A_1183 = arith.constant 0 : i32
    %dma_wait3A_1184 = tpu.memref_slice %arg2[%dma_wait3A_1182, %dma_wait3A_1183] : memref<10000x16xf32, #tpu.memory_space<hbm>> -> memref<10000x16xf32, #tpu.memory_space<hbm>>
    %dma_wait3A_1185 = tpu.memref_slice %arg16[%dma_wait3A_1175] : memref<8x!tpu.dma_semaphore, #tpu.memory_space<semaphore_mem>> -> memref<1x!tpu.dma_semaphore, #tpu.memory_space<semaphore_mem>>
    %dma_wait3A_1186 = tpu.memref_squeeze %dma_wait3A_1185 : memref<1x!tpu.dma_semaphore, #tpu.memory_space<semaphore_mem>> -> memref<!tpu.dma_semaphore, #tpu.memory_space<semaphore_mem>>
    tpu.wait_indirect_dma semaphore(%dma_wait3A_1186 : memref<!tpu.dma_semaphore, #tpu.memory_space<semaphore_mem>>) src(%dma_wait3A_1184 : memref<10000x16xf32, #tpu.memory_space<hbm>>) dst(%dma_wait3A_1179 : memref<512x16xf32, #tpu.memory_space<vmem>>)
    %dma_start3A_1187 = arith.constant 2 : i32
    %dma_start3A_1188 = arith.constant 2 : i32
    %dma_start3A_1189 = arith.constant 0 : i32
    %dma_start3A_1190 = arith.constant 0 : i32
    %dma_start3A_1191 = tpu.memref_slice %arg12[%dma_start3A_1187, %dma_start3A_1189, %dma_start3A_1190] : memref<8x512x16xf32, #tpu.memory_space<vmem>> -> memref<1x512x16xf32, #tpu.memory_space<vmem>>
    %dma_start3A_1192 = tpu.memref_squeeze %dma_start3A_1191 : memref<1x512x16xf32, #tpu.memory_space<vmem>> -> memref<512x16xf32, #tpu.memory_space<vmem>>
    %dma_start3A_1193 = arith.constant 9216 : i32
    %dma_start3A_1194 = tpu.memref_slice %arg11[%dma_start3A_1193] : memref<10240xi32, #tpu.memory_space<vmem>> -> memref<512xi32, #tpu.memory_space<vmem>>
    %dma_start3A_1195 = arith.constant 0 : i32
    %dma_start3A_1196 = arith.constant 0 : i32
    %dma_start3A_1197 = tpu.memref_slice %arg14[%dma_start3A_1195, %dma_start3A_1196] : memref<10112x16xf32, #tpu.memory_space<vmem_shared>> -> memref<10112x16xf32, #tpu.memory_space<vmem_shared>>
    %dma_start3A_1198 = tpu.memref_slice %arg17[%dma_start3A_1188] : memref<8x!tpu.dma_semaphore, #tpu.memory_space<semaphore_mem>> -> memref<1x!tpu.dma_semaphore, #tpu.memory_space<semaphore_mem>>
    %dma_start3A_1199 = tpu.memref_squeeze %dma_start3A_1198 : memref<1x!tpu.dma_semaphore, #tpu.memory_space<semaphore_mem>> -> memref<!tpu.dma_semaphore, #tpu.memory_space<semaphore_mem>>
    tpu.enqueue_indirect_dma source(%dma_start3A_1192 : memref<512x16xf32, #tpu.memory_space<vmem>>) target(%dma_start3A_1197 : memref<10112x16xf32, #tpu.memory_space<vmem_shared>>) offsets(%dma_start3A_1194 : memref<512xi32, #tpu.memory_space<vmem>>) semaphore(%dma_start3A_1199 : memref<!tpu.dma_semaphore, #tpu.memory_space<semaphore_mem>>) {add = true}
    %dma_start3A_1200 = arith.constant 9216 : i32
    %dma_start3A_1201 = tpu.memref_slice %arg11[%dma_start3A_1200] : memref<10240xi32, #tpu.memory_space<vmem>> -> memref<512xi32, #tpu.memory_space<vmem>>
    %dma_start3A_1202 = arith.constant 0 : i32
    %dma_start3A_1203 = tpu.memref_slice %arg15[%dma_start3A_1202] : memref<10112xf32, #tpu.memory_space<vmem_shared>> -> memref<10112xf32, #tpu.memory_space<vmem_shared>>
    tpu.enqueue_indirect_dma source(%arg13 : memref<512xf32, #tpu.memory_space<vmem>>) target(%dma_start3A_1203 : memref<10112xf32, #tpu.memory_space<vmem_shared>>) offsets(%dma_start3A_1201 : memref<512xi32, #tpu.memory_space<vmem>>) semaphore(%arg18 : memref<!tpu.dma_semaphore, #tpu.memory_space<semaphore_mem>>) {add = true}
    %dma_wait3A_1204 = arith.constant 3 : i32
    %dma_wait3A_1205 = arith.constant 3 : i32
    %dma_wait3A_1206 = arith.constant 0 : i32
    %dma_wait3A_1207 = arith.constant 0 : i32
    %dma_wait3A_1208 = tpu.memref_slice %arg12[%dma_wait3A_1204, %dma_wait3A_1206, %dma_wait3A_1207] : memref<8x512x16xf32, #tpu.memory_space<vmem>> -> memref<1x512x16xf32, #tpu.memory_space<vmem>>
    %dma_wait3A_1209 = tpu.memref_squeeze %dma_wait3A_1208 : memref<1x512x16xf32, #tpu.memory_space<vmem>> -> memref<512x16xf32, #tpu.memory_space<vmem>>
    %dma_wait3A_1210 = arith.constant 0 : i32
    %dma_wait3A_1211 = tpu.memref_slice %arg10[%dma_wait3A_1210] : memref<10240xi32, #tpu.memory_space<vmem>> -> memref<512xi32, #tpu.memory_space<vmem>>
    %dma_wait3A_1212 = arith.constant 0 : i32
    %dma_wait3A_1213 = arith.constant 0 : i32
    %dma_wait3A_1214 = tpu.memref_slice %arg2[%dma_wait3A_1212, %dma_wait3A_1213] : memref<10000x16xf32, #tpu.memory_space<hbm>> -> memref<10000x16xf32, #tpu.memory_space<hbm>>
    %dma_wait3A_1215 = tpu.memref_slice %arg16[%dma_wait3A_1205] : memref<8x!tpu.dma_semaphore, #tpu.memory_space<semaphore_mem>> -> memref<1x!tpu.dma_semaphore, #tpu.memory_space<semaphore_mem>>
    %dma_wait3A_1216 = tpu.memref_squeeze %dma_wait3A_1215 : memref<1x!tpu.dma_semaphore, #tpu.memory_space<semaphore_mem>> -> memref<!tpu.dma_semaphore, #tpu.memory_space<semaphore_mem>>
    tpu.wait_indirect_dma semaphore(%dma_wait3A_1216 : memref<!tpu.dma_semaphore, #tpu.memory_space<semaphore_mem>>) src(%dma_wait3A_1214 : memref<10000x16xf32, #tpu.memory_space<hbm>>) dst(%dma_wait3A_1209 : memref<512x16xf32, #tpu.memory_space<vmem>>)
    %dma_start3A_1217 = arith.constant 3 : i32
    %dma_start3A_1218 = arith.constant 3 : i32
    %dma_start3A_1219 = arith.constant 0 : i32
    %dma_start3A_1220 = arith.constant 0 : i32
    %dma_start3A_1221 = tpu.memref_slice %arg12[%dma_start3A_1217, %dma_start3A_1219, %dma_start3A_1220] : memref<8x512x16xf32, #tpu.memory_space<vmem>> -> memref<1x512x16xf32, #tpu.memory_space<vmem>>
    %dma_start3A_1222 = tpu.memref_squeeze %dma_start3A_1221 : memref<1x512x16xf32, #tpu.memory_space<vmem>> -> memref<512x16xf32, #tpu.memory_space<vmem>>
    %dma_start3A_1223 = arith.constant 9728 : i32
    %dma_start3A_1224 = tpu.memref_slice %arg11[%dma_start3A_1223] : memref<10240xi32, #tpu.memory_space<vmem>> -> memref<512xi32, #tpu.memory_space<vmem>>
    %dma_start3A_1225 = arith.constant 0 : i32
    %dma_start3A_1226 = arith.constant 0 : i32
    %dma_start3A_1227 = tpu.memref_slice %arg14[%dma_start3A_1225, %dma_start3A_1226] : memref<10112x16xf32, #tpu.memory_space<vmem_shared>> -> memref<10112x16xf32, #tpu.memory_space<vmem_shared>>
    %dma_start3A_1228 = tpu.memref_slice %arg17[%dma_start3A_1218] : memref<8x!tpu.dma_semaphore, #tpu.memory_space<semaphore_mem>> -> memref<1x!tpu.dma_semaphore, #tpu.memory_space<semaphore_mem>>
    %dma_start3A_1229 = tpu.memref_squeeze %dma_start3A_1228 : memref<1x!tpu.dma_semaphore, #tpu.memory_space<semaphore_mem>> -> memref<!tpu.dma_semaphore, #tpu.memory_space<semaphore_mem>>
    tpu.enqueue_indirect_dma source(%dma_start3A_1222 : memref<512x16xf32, #tpu.memory_space<vmem>>) target(%dma_start3A_1227 : memref<10112x16xf32, #tpu.memory_space<vmem_shared>>) offsets(%dma_start3A_1224 : memref<512xi32, #tpu.memory_space<vmem>>) semaphore(%dma_start3A_1229 : memref<!tpu.dma_semaphore, #tpu.memory_space<semaphore_mem>>) {add = true}
    %dma_start3A_1230 = arith.constant 9728 : i32
    %dma_start3A_1231 = tpu.memref_slice %arg11[%dma_start3A_1230] : memref<10240xi32, #tpu.memory_space<vmem>> -> memref<512xi32, #tpu.memory_space<vmem>>
    %dma_start3A_1232 = arith.constant 0 : i32
    %dma_start3A_1233 = tpu.memref_slice %arg15[%dma_start3A_1232] : memref<10112xf32, #tpu.memory_space<vmem_shared>> -> memref<10112xf32, #tpu.memory_space<vmem_shared>>
    tpu.enqueue_indirect_dma source(%arg13 : memref<512xf32, #tpu.memory_space<vmem>>) target(%dma_start3A_1233 : memref<10112xf32, #tpu.memory_space<vmem_shared>>) offsets(%dma_start3A_1231 : memref<512xi32, #tpu.memory_space<vmem>>) semaphore(%arg18 : memref<!tpu.dma_semaphore, #tpu.memory_space<semaphore_mem>>) {add = true}
    %dma_wait3A_1234 = arith.constant 4 : i32
    %dma_wait3A_1235 = arith.constant 4 : i32
    %dma_wait3A_1236 = arith.constant 0 : i32
    %dma_wait3A_1237 = arith.constant 0 : i32
    %dma_wait3A_1238 = tpu.memref_slice %arg12[%dma_wait3A_1234, %dma_wait3A_1236, %dma_wait3A_1237] : memref<8x512x16xf32, #tpu.memory_space<vmem>> -> memref<1x512x16xf32, #tpu.memory_space<vmem>>
    %dma_wait3A_1239 = tpu.memref_squeeze %dma_wait3A_1238 : memref<1x512x16xf32, #tpu.memory_space<vmem>> -> memref<512x16xf32, #tpu.memory_space<vmem>>
    %dma_wait3A_1240 = arith.constant 0 : i32
    %dma_wait3A_1241 = tpu.memref_slice %arg11[%dma_wait3A_1240] : memref<10240xi32, #tpu.memory_space<vmem>> -> memref<512xi32, #tpu.memory_space<vmem>>
    %dma_wait3A_1242 = arith.constant 0 : i32
    %dma_wait3A_1243 = arith.constant 0 : i32
    %dma_wait3A_1244 = tpu.memref_slice %arg14[%dma_wait3A_1242, %dma_wait3A_1243] : memref<10112x16xf32, #tpu.memory_space<vmem_shared>> -> memref<10112x16xf32, #tpu.memory_space<vmem_shared>>
    %dma_wait3A_1245 = tpu.memref_slice %arg17[%dma_wait3A_1235] : memref<8x!tpu.dma_semaphore, #tpu.memory_space<semaphore_mem>> -> memref<1x!tpu.dma_semaphore, #tpu.memory_space<semaphore_mem>>
    %dma_wait3A_1246 = tpu.memref_squeeze %dma_wait3A_1245 : memref<1x!tpu.dma_semaphore, #tpu.memory_space<semaphore_mem>> -> memref<!tpu.dma_semaphore, #tpu.memory_space<semaphore_mem>>
    tpu.wait_indirect_dma semaphore(%dma_wait3A_1246 : memref<!tpu.dma_semaphore, #tpu.memory_space<semaphore_mem>>) src(%dma_wait3A_1239 : memref<512x16xf32, #tpu.memory_space<vmem>>) dst(%dma_wait3A_1244 : memref<10112x16xf32, #tpu.memory_space<vmem_shared>>)
    %dma_wait3A_1247 = arith.constant 5 : i32
    %dma_wait3A_1248 = arith.constant 5 : i32
    %dma_wait3A_1249 = arith.constant 0 : i32
    %dma_wait3A_1250 = arith.constant 0 : i32
    %dma_wait3A_1251 = tpu.memref_slice %arg12[%dma_wait3A_1247, %dma_wait3A_1249, %dma_wait3A_1250] : memref<8x512x16xf32, #tpu.memory_space<vmem>> -> memref<1x512x16xf32, #tpu.memory_space<vmem>>
    %dma_wait3A_1252 = tpu.memref_squeeze %dma_wait3A_1251 : memref<1x512x16xf32, #tpu.memory_space<vmem>> -> memref<512x16xf32, #tpu.memory_space<vmem>>
    %dma_wait3A_1253 = arith.constant 0 : i32
    %dma_wait3A_1254 = tpu.memref_slice %arg11[%dma_wait3A_1253] : memref<10240xi32, #tpu.memory_space<vmem>> -> memref<512xi32, #tpu.memory_space<vmem>>
    %dma_wait3A_1255 = arith.constant 0 : i32
    %dma_wait3A_1256 = arith.constant 0 : i32
    %dma_wait3A_1257 = tpu.memref_slice %arg14[%dma_wait3A_1255, %dma_wait3A_1256] : memref<10112x16xf32, #tpu.memory_space<vmem_shared>> -> memref<10112x16xf32, #tpu.memory_space<vmem_shared>>
    %dma_wait3A_1258 = tpu.memref_slice %arg17[%dma_wait3A_1248] : memref<8x!tpu.dma_semaphore, #tpu.memory_space<semaphore_mem>> -> memref<1x!tpu.dma_semaphore, #tpu.memory_space<semaphore_mem>>
    %dma_wait3A_1259 = tpu.memref_squeeze %dma_wait3A_1258 : memref<1x!tpu.dma_semaphore, #tpu.memory_space<semaphore_mem>> -> memref<!tpu.dma_semaphore, #tpu.memory_space<semaphore_mem>>
    tpu.wait_indirect_dma semaphore(%dma_wait3A_1259 : memref<!tpu.dma_semaphore, #tpu.memory_space<semaphore_mem>>) src(%dma_wait3A_1252 : memref<512x16xf32, #tpu.memory_space<vmem>>) dst(%dma_wait3A_1257 : memref<10112x16xf32, #tpu.memory_space<vmem_shared>>)
    %dma_wait3A_1260 = arith.constant 6 : i32
    %dma_wait3A_1261 = arith.constant 6 : i32
    %dma_wait3A_1262 = arith.constant 0 : i32
    %dma_wait3A_1263 = arith.constant 0 : i32
    %dma_wait3A_1264 = tpu.memref_slice %arg12[%dma_wait3A_1260, %dma_wait3A_1262, %dma_wait3A_1263] : memref<8x512x16xf32, #tpu.memory_space<vmem>> -> memref<1x512x16xf32, #tpu.memory_space<vmem>>
    %dma_wait3A_1265 = tpu.memref_squeeze %dma_wait3A_1264 : memref<1x512x16xf32, #tpu.memory_space<vmem>> -> memref<512x16xf32, #tpu.memory_space<vmem>>
    %dma_wait3A_1266 = arith.constant 0 : i32
    %dma_wait3A_1267 = tpu.memref_slice %arg11[%dma_wait3A_1266] : memref<10240xi32, #tpu.memory_space<vmem>> -> memref<512xi32, #tpu.memory_space<vmem>>
    %dma_wait3A_1268 = arith.constant 0 : i32
    %dma_wait3A_1269 = arith.constant 0 : i32
    %dma_wait3A_1270 = tpu.memref_slice %arg14[%dma_wait3A_1268, %dma_wait3A_1269] : memref<10112x16xf32, #tpu.memory_space<vmem_shared>> -> memref<10112x16xf32, #tpu.memory_space<vmem_shared>>
    %dma_wait3A_1271 = tpu.memref_slice %arg17[%dma_wait3A_1261] : memref<8x!tpu.dma_semaphore, #tpu.memory_space<semaphore_mem>> -> memref<1x!tpu.dma_semaphore, #tpu.memory_space<semaphore_mem>>
    %dma_wait3A_1272 = tpu.memref_squeeze %dma_wait3A_1271 : memref<1x!tpu.dma_semaphore, #tpu.memory_space<semaphore_mem>> -> memref<!tpu.dma_semaphore, #tpu.memory_space<semaphore_mem>>
    tpu.wait_indirect_dma semaphore(%dma_wait3A_1272 : memref<!tpu.dma_semaphore, #tpu.memory_space<semaphore_mem>>) src(%dma_wait3A_1265 : memref<512x16xf32, #tpu.memory_space<vmem>>) dst(%dma_wait3A_1270 : memref<10112x16xf32, #tpu.memory_space<vmem_shared>>)
    %dma_wait3A_1273 = arith.constant 7 : i32
    %dma_wait3A_1274 = arith.constant 7 : i32
    %dma_wait3A_1275 = arith.constant 0 : i32
    %dma_wait3A_1276 = arith.constant 0 : i32
    %dma_wait3A_1277 = tpu.memref_slice %arg12[%dma_wait3A_1273, %dma_wait3A_1275, %dma_wait3A_1276] : memref<8x512x16xf32, #tpu.memory_space<vmem>> -> memref<1x512x16xf32, #tpu.memory_space<vmem>>
    %dma_wait3A_1278 = tpu.memref_squeeze %dma_wait3A_1277 : memref<1x512x16xf32, #tpu.memory_space<vmem>> -> memref<512x16xf32, #tpu.memory_space<vmem>>
    %dma_wait3A_1279 = arith.constant 0 : i32
    %dma_wait3A_1280 = tpu.memref_slice %arg11[%dma_wait3A_1279] : memref<10240xi32, #tpu.memory_space<vmem>> -> memref<512xi32, #tpu.memory_space<vmem>>
    %dma_wait3A_1281 = arith.constant 0 : i32
    %dma_wait3A_1282 = arith.constant 0 : i32
    %dma_wait3A_1283 = tpu.memref_slice %arg14[%dma_wait3A_1281, %dma_wait3A_1282] : memref<10112x16xf32, #tpu.memory_space<vmem_shared>> -> memref<10112x16xf32, #tpu.memory_space<vmem_shared>>
    %dma_wait3A_1284 = tpu.memref_slice %arg17[%dma_wait3A_1274] : memref<8x!tpu.dma_semaphore, #tpu.memory_space<semaphore_mem>> -> memref<1x!tpu.dma_semaphore, #tpu.memory_space<semaphore_mem>>
    %dma_wait3A_1285 = tpu.memref_squeeze %dma_wait3A_1284 : memref<1x!tpu.dma_semaphore, #tpu.memory_space<semaphore_mem>> -> memref<!tpu.dma_semaphore, #tpu.memory_space<semaphore_mem>>
    tpu.wait_indirect_dma semaphore(%dma_wait3A_1285 : memref<!tpu.dma_semaphore, #tpu.memory_space<semaphore_mem>>) src(%dma_wait3A_1278 : memref<512x16xf32, #tpu.memory_space<vmem>>) dst(%dma_wait3A_1283 : memref<10112x16xf32, #tpu.memory_space<vmem_shared>>)
    %dma_wait3A_1286 = arith.constant 0 : i32
    %dma_wait3A_1287 = arith.constant 0 : i32
    %dma_wait3A_1288 = arith.constant 0 : i32
    %dma_wait3A_1289 = arith.constant 0 : i32
    %dma_wait3A_1290 = tpu.memref_slice %arg12[%dma_wait3A_1286, %dma_wait3A_1288, %dma_wait3A_1289] : memref<8x512x16xf32, #tpu.memory_space<vmem>> -> memref<1x512x16xf32, #tpu.memory_space<vmem>>
    %dma_wait3A_1291 = tpu.memref_squeeze %dma_wait3A_1290 : memref<1x512x16xf32, #tpu.memory_space<vmem>> -> memref<512x16xf32, #tpu.memory_space<vmem>>
    %dma_wait3A_1292 = arith.constant 0 : i32
    %dma_wait3A_1293 = tpu.memref_slice %arg11[%dma_wait3A_1292] : memref<10240xi32, #tpu.memory_space<vmem>> -> memref<512xi32, #tpu.memory_space<vmem>>
    %dma_wait3A_1294 = arith.constant 0 : i32
    %dma_wait3A_1295 = arith.constant 0 : i32
    %dma_wait3A_1296 = tpu.memref_slice %arg14[%dma_wait3A_1294, %dma_wait3A_1295] : memref<10112x16xf32, #tpu.memory_space<vmem_shared>> -> memref<10112x16xf32, #tpu.memory_space<vmem_shared>>
    %dma_wait3A_1297 = tpu.memref_slice %arg17[%dma_wait3A_1287] : memref<8x!tpu.dma_semaphore, #tpu.memory_space<semaphore_mem>> -> memref<1x!tpu.dma_semaphore, #tpu.memory_space<semaphore_mem>>
    %dma_wait3A_1298 = tpu.memref_squeeze %dma_wait3A_1297 : memref<1x!tpu.dma_semaphore, #tpu.memory_space<semaphore_mem>> -> memref<!tpu.dma_semaphore, #tpu.memory_space<semaphore_mem>>
    tpu.wait_indirect_dma semaphore(%dma_wait3A_1298 : memref<!tpu.dma_semaphore, #tpu.memory_space<semaphore_mem>>) src(%dma_wait3A_1291 : memref<512x16xf32, #tpu.memory_space<vmem>>) dst(%dma_wait3A_1296 : memref<10112x16xf32, #tpu.memory_space<vmem_shared>>)
    %dma_wait3A_1299 = arith.constant 1 : i32
    %dma_wait3A_1300 = arith.constant 1 : i32
    %dma_wait3A_1301 = arith.constant 0 : i32
    %dma_wait3A_1302 = arith.constant 0 : i32
    %dma_wait3A_1303 = tpu.memref_slice %arg12[%dma_wait3A_1299, %dma_wait3A_1301, %dma_wait3A_1302] : memref<8x512x16xf32, #tpu.memory_space<vmem>> -> memref<1x512x16xf32, #tpu.memory_space<vmem>>
    %dma_wait3A_1304 = tpu.memref_squeeze %dma_wait3A_1303 : memref<1x512x16xf32, #tpu.memory_space<vmem>> -> memref<512x16xf32, #tpu.memory_space<vmem>>
    %dma_wait3A_1305 = arith.constant 0 : i32
    %dma_wait3A_1306 = tpu.memref_slice %arg11[%dma_wait3A_1305] : memref<10240xi32, #tpu.memory_space<vmem>> -> memref<512xi32, #tpu.memory_space<vmem>>
    %dma_wait3A_1307 = arith.constant 0 : i32
    %dma_wait3A_1308 = arith.constant 0 : i32
    %dma_wait3A_1309 = tpu.memref_slice %arg14[%dma_wait3A_1307, %dma_wait3A_1308] : memref<10112x16xf32, #tpu.memory_space<vmem_shared>> -> memref<10112x16xf32, #tpu.memory_space<vmem_shared>>
    %dma_wait3A_1310 = tpu.memref_slice %arg17[%dma_wait3A_1300] : memref<8x!tpu.dma_semaphore, #tpu.memory_space<semaphore_mem>> -> memref<1x!tpu.dma_semaphore, #tpu.memory_space<semaphore_mem>>
    %dma_wait3A_1311 = tpu.memref_squeeze %dma_wait3A_1310 : memref<1x!tpu.dma_semaphore, #tpu.memory_space<semaphore_mem>> -> memref<!tpu.dma_semaphore, #tpu.memory_space<semaphore_mem>>
    tpu.wait_indirect_dma semaphore(%dma_wait3A_1311 : memref<!tpu.dma_semaphore, #tpu.memory_space<semaphore_mem>>) src(%dma_wait3A_1304 : memref<512x16xf32, #tpu.memory_space<vmem>>) dst(%dma_wait3A_1309 : memref<10112x16xf32, #tpu.memory_space<vmem_shared>>)
    %dma_wait3A_1312 = arith.constant 2 : i32
    %dma_wait3A_1313 = arith.constant 2 : i32
    %dma_wait3A_1314 = arith.constant 0 : i32
    %dma_wait3A_1315 = arith.constant 0 : i32
    %dma_wait3A_1316 = tpu.memref_slice %arg12[%dma_wait3A_1312, %dma_wait3A_1314, %dma_wait3A_1315] : memref<8x512x16xf32, #tpu.memory_space<vmem>> -> memref<1x512x16xf32, #tpu.memory_space<vmem>>
    %dma_wait3A_1317 = tpu.memref_squeeze %dma_wait3A_1316 : memref<1x512x16xf32, #tpu.memory_space<vmem>> -> memref<512x16xf32, #tpu.memory_space<vmem>>
    %dma_wait3A_1318 = arith.constant 0 : i32
    %dma_wait3A_1319 = tpu.memref_slice %arg11[%dma_wait3A_1318] : memref<10240xi32, #tpu.memory_space<vmem>> -> memref<512xi32, #tpu.memory_space<vmem>>
    %dma_wait3A_1320 = arith.constant 0 : i32
    %dma_wait3A_1321 = arith.constant 0 : i32
    %dma_wait3A_1322 = tpu.memref_slice %arg14[%dma_wait3A_1320, %dma_wait3A_1321] : memref<10112x16xf32, #tpu.memory_space<vmem_shared>> -> memref<10112x16xf32, #tpu.memory_space<vmem_shared>>
    %dma_wait3A_1323 = tpu.memref_slice %arg17[%dma_wait3A_1313] : memref<8x!tpu.dma_semaphore, #tpu.memory_space<semaphore_mem>> -> memref<1x!tpu.dma_semaphore, #tpu.memory_space<semaphore_mem>>
    %dma_wait3A_1324 = tpu.memref_squeeze %dma_wait3A_1323 : memref<1x!tpu.dma_semaphore, #tpu.memory_space<semaphore_mem>> -> memref<!tpu.dma_semaphore, #tpu.memory_space<semaphore_mem>>
    tpu.wait_indirect_dma semaphore(%dma_wait3A_1324 : memref<!tpu.dma_semaphore, #tpu.memory_space<semaphore_mem>>) src(%dma_wait3A_1317 : memref<512x16xf32, #tpu.memory_space<vmem>>) dst(%dma_wait3A_1322 : memref<10112x16xf32, #tpu.memory_space<vmem_shared>>)
    %dma_wait3A_1325 = arith.constant 3 : i32
    %dma_wait3A_1326 = arith.constant 3 : i32
    %dma_wait3A_1327 = arith.constant 0 : i32
    %dma_wait3A_1328 = arith.constant 0 : i32
    %dma_wait3A_1329 = tpu.memref_slice %arg12[%dma_wait3A_1325, %dma_wait3A_1327, %dma_wait3A_1328] : memref<8x512x16xf32, #tpu.memory_space<vmem>> -> memref<1x512x16xf32, #tpu.memory_space<vmem>>
    %dma_wait3A_1330 = tpu.memref_squeeze %dma_wait3A_1329 : memref<1x512x16xf32, #tpu.memory_space<vmem>> -> memref<512x16xf32, #tpu.memory_space<vmem>>
    %dma_wait3A_1331 = arith.constant 0 : i32
    %dma_wait3A_1332 = tpu.memref_slice %arg11[%dma_wait3A_1331] : memref<10240xi32, #tpu.memory_space<vmem>> -> memref<512xi32, #tpu.memory_space<vmem>>
    %dma_wait3A_1333 = arith.constant 0 : i32
    %dma_wait3A_1334 = arith.constant 0 : i32
    %dma_wait3A_1335 = tpu.memref_slice %arg14[%dma_wait3A_1333, %dma_wait3A_1334] : memref<10112x16xf32, #tpu.memory_space<vmem_shared>> -> memref<10112x16xf32, #tpu.memory_space<vmem_shared>>
    %dma_wait3A_1336 = tpu.memref_slice %arg17[%dma_wait3A_1326] : memref<8x!tpu.dma_semaphore, #tpu.memory_space<semaphore_mem>> -> memref<1x!tpu.dma_semaphore, #tpu.memory_space<semaphore_mem>>
    %dma_wait3A_1337 = tpu.memref_squeeze %dma_wait3A_1336 : memref<1x!tpu.dma_semaphore, #tpu.memory_space<semaphore_mem>> -> memref<!tpu.dma_semaphore, #tpu.memory_space<semaphore_mem>>
    tpu.wait_indirect_dma semaphore(%dma_wait3A_1337 : memref<!tpu.dma_semaphore, #tpu.memory_space<semaphore_mem>>) src(%dma_wait3A_1330 : memref<512x16xf32, #tpu.memory_space<vmem>>) dst(%dma_wait3A_1335 : memref<10112x16xf32, #tpu.memory_space<vmem_shared>>)
    %dma_wait3A_1338 = arith.constant 0 : i32
    %dma_wait3A_1339 = tpu.memref_slice %arg11[%dma_wait3A_1338] : memref<10240xi32, #tpu.memory_space<vmem>> -> memref<512xi32, #tpu.memory_space<vmem>>
    %dma_wait3A_1340 = arith.constant 0 : i32
    %dma_wait3A_1341 = tpu.memref_slice %arg15[%dma_wait3A_1340] : memref<10112xf32, #tpu.memory_space<vmem_shared>> -> memref<10112xf32, #tpu.memory_space<vmem_shared>>
    tpu.wait_indirect_dma semaphore(%arg18 : memref<!tpu.dma_semaphore, #tpu.memory_space<semaphore_mem>>) src(%arg13 : memref<512xf32, #tpu.memory_space<vmem>>) dst(%dma_wait3A_1341 : memref<10112xf32, #tpu.memory_space<vmem_shared>>)
    %dma_wait3A_1342 = arith.constant 0 : i32
    %dma_wait3A_1343 = tpu.memref_slice %arg11[%dma_wait3A_1342] : memref<10240xi32, #tpu.memory_space<vmem>> -> memref<512xi32, #tpu.memory_space<vmem>>
    %dma_wait3A_1344 = arith.constant 0 : i32
    %dma_wait3A_1345 = tpu.memref_slice %arg15[%dma_wait3A_1344] : memref<10112xf32, #tpu.memory_space<vmem_shared>> -> memref<10112xf32, #tpu.memory_space<vmem_shared>>
    tpu.wait_indirect_dma semaphore(%arg18 : memref<!tpu.dma_semaphore, #tpu.memory_space<semaphore_mem>>) src(%arg13 : memref<512xf32, #tpu.memory_space<vmem>>) dst(%dma_wait3A_1345 : memref<10112xf32, #tpu.memory_space<vmem_shared>>)
    %dma_wait3A_1346 = arith.constant 0 : i32
    %dma_wait3A_1347 = tpu.memref_slice %arg11[%dma_wait3A_1346] : memref<10240xi32, #tpu.memory_space<vmem>> -> memref<512xi32, #tpu.memory_space<vmem>>
    %dma_wait3A_1348 = arith.constant 0 : i32
    %dma_wait3A_1349 = tpu.memref_slice %arg15[%dma_wait3A_1348] : memref<10112xf32, #tpu.memory_space<vmem_shared>> -> memref<10112xf32, #tpu.memory_space<vmem_shared>>
    tpu.wait_indirect_dma semaphore(%arg18 : memref<!tpu.dma_semaphore, #tpu.memory_space<semaphore_mem>>) src(%arg13 : memref<512xf32, #tpu.memory_space<vmem>>) dst(%dma_wait3A_1349 : memref<10112xf32, #tpu.memory_space<vmem_shared>>)
    %dma_wait3A_1350 = arith.constant 0 : i32
    %dma_wait3A_1351 = tpu.memref_slice %arg11[%dma_wait3A_1350] : memref<10240xi32, #tpu.memory_space<vmem>> -> memref<512xi32, #tpu.memory_space<vmem>>
    %dma_wait3A_1352 = arith.constant 0 : i32
    %dma_wait3A_1353 = tpu.memref_slice %arg15[%dma_wait3A_1352] : memref<10112xf32, #tpu.memory_space<vmem_shared>> -> memref<10112xf32, #tpu.memory_space<vmem_shared>>
    tpu.wait_indirect_dma semaphore(%arg18 : memref<!tpu.dma_semaphore, #tpu.memory_space<semaphore_mem>>) src(%arg13 : memref<512xf32, #tpu.memory_space<vmem>>) dst(%dma_wait3A_1353 : memref<10112xf32, #tpu.memory_space<vmem_shared>>)
    %dma_wait3A_1354 = arith.constant 0 : i32
    %dma_wait3A_1355 = tpu.memref_slice %arg11[%dma_wait3A_1354] : memref<10240xi32, #tpu.memory_space<vmem>> -> memref<512xi32, #tpu.memory_space<vmem>>
    %dma_wait3A_1356 = arith.constant 0 : i32
    %dma_wait3A_1357 = tpu.memref_slice %arg15[%dma_wait3A_1356] : memref<10112xf32, #tpu.memory_space<vmem_shared>> -> memref<10112xf32, #tpu.memory_space<vmem_shared>>
    tpu.wait_indirect_dma semaphore(%arg18 : memref<!tpu.dma_semaphore, #tpu.memory_space<semaphore_mem>>) src(%arg13 : memref<512xf32, #tpu.memory_space<vmem>>) dst(%dma_wait3A_1357 : memref<10112xf32, #tpu.memory_space<vmem_shared>>)
    %dma_wait3A_1358 = arith.constant 0 : i32
    %dma_wait3A_1359 = tpu.memref_slice %arg11[%dma_wait3A_1358] : memref<10240xi32, #tpu.memory_space<vmem>> -> memref<512xi32, #tpu.memory_space<vmem>>
    %dma_wait3A_1360 = arith.constant 0 : i32
    %dma_wait3A_1361 = tpu.memref_slice %arg15[%dma_wait3A_1360] : memref<10112xf32, #tpu.memory_space<vmem_shared>> -> memref<10112xf32, #tpu.memory_space<vmem_shared>>
    tpu.wait_indirect_dma semaphore(%arg18 : memref<!tpu.dma_semaphore, #tpu.memory_space<semaphore_mem>>) src(%arg13 : memref<512xf32, #tpu.memory_space<vmem>>) dst(%dma_wait3A_1361 : memref<10112xf32, #tpu.memory_space<vmem_shared>>)
    %dma_wait3A_1362 = arith.constant 0 : i32
    %dma_wait3A_1363 = tpu.memref_slice %arg11[%dma_wait3A_1362] : memref<10240xi32, #tpu.memory_space<vmem>> -> memref<512xi32, #tpu.memory_space<vmem>>
    %dma_wait3A_1364 = arith.constant 0 : i32
    %dma_wait3A_1365 = tpu.memref_slice %arg15[%dma_wait3A_1364] : memref<10112xf32, #tpu.memory_space<vmem_shared>> -> memref<10112xf32, #tpu.memory_space<vmem_shared>>
    tpu.wait_indirect_dma semaphore(%arg18 : memref<!tpu.dma_semaphore, #tpu.memory_space<semaphore_mem>>) src(%arg13 : memref<512xf32, #tpu.memory_space<vmem>>) dst(%dma_wait3A_1365 : memref<10112xf32, #tpu.memory_space<vmem_shared>>)
    %dma_wait3A_1366 = arith.constant 0 : i32
    %dma_wait3A_1367 = tpu.memref_slice %arg11[%dma_wait3A_1366] : memref<10240xi32, #tpu.memory_space<vmem>> -> memref<512xi32, #tpu.memory_space<vmem>>
    %dma_wait3A_1368 = arith.constant 0 : i32
    %dma_wait3A_1369 = tpu.memref_slice %arg15[%dma_wait3A_1368] : memref<10112xf32, #tpu.memory_space<vmem_shared>> -> memref<10112xf32, #tpu.memory_space<vmem_shared>>
    tpu.wait_indirect_dma semaphore(%arg18 : memref<!tpu.dma_semaphore, #tpu.memory_space<semaphore_mem>>) src(%arg13 : memref<512xf32, #tpu.memory_space<vmem>>) dst(%dma_wait3A_1369 : memref<10112xf32, #tpu.memory_space<vmem_shared>>)
    %dma_wait3A_1370 = arith.constant 0 : i32
    %dma_wait3A_1371 = tpu.memref_slice %arg11[%dma_wait3A_1370] : memref<10240xi32, #tpu.memory_space<vmem>> -> memref<512xi32, #tpu.memory_space<vmem>>
    %dma_wait3A_1372 = arith.constant 0 : i32
    %dma_wait3A_1373 = tpu.memref_slice %arg15[%dma_wait3A_1372] : memref<10112xf32, #tpu.memory_space<vmem_shared>> -> memref<10112xf32, #tpu.memory_space<vmem_shared>>
    tpu.wait_indirect_dma semaphore(%arg18 : memref<!tpu.dma_semaphore, #tpu.memory_space<semaphore_mem>>) src(%arg13 : memref<512xf32, #tpu.memory_space<vmem>>) dst(%dma_wait3A_1373 : memref<10112xf32, #tpu.memory_space<vmem_shared>>)
    %dma_wait3A_1374 = arith.constant 0 : i32
    %dma_wait3A_1375 = tpu.memref_slice %arg11[%dma_wait3A_1374] : memref<10240xi32, #tpu.memory_space<vmem>> -> memref<512xi32, #tpu.memory_space<vmem>>
    %dma_wait3A_1376 = arith.constant 0 : i32
    %dma_wait3A_1377 = tpu.memref_slice %arg15[%dma_wait3A_1376] : memref<10112xf32, #tpu.memory_space<vmem_shared>> -> memref<10112xf32, #tpu.memory_space<vmem_shared>>
    tpu.wait_indirect_dma semaphore(%arg18 : memref<!tpu.dma_semaphore, #tpu.memory_space<semaphore_mem>>) src(%arg13 : memref<512xf32, #tpu.memory_space<vmem>>) dst(%dma_wait3A_1377 : memref<10112xf32, #tpu.memory_space<vmem_shared>>)
    %dma_wait3A_1378 = arith.constant 0 : i32
    %dma_wait3A_1379 = tpu.memref_slice %arg11[%dma_wait3A_1378] : memref<10240xi32, #tpu.memory_space<vmem>> -> memref<512xi32, #tpu.memory_space<vmem>>
    %dma_wait3A_1380 = arith.constant 0 : i32
    %dma_wait3A_1381 = tpu.memref_slice %arg15[%dma_wait3A_1380] : memref<10112xf32, #tpu.memory_space<vmem_shared>> -> memref<10112xf32, #tpu.memory_space<vmem_shared>>
    tpu.wait_indirect_dma semaphore(%arg18 : memref<!tpu.dma_semaphore, #tpu.memory_space<semaphore_mem>>) src(%arg13 : memref<512xf32, #tpu.memory_space<vmem>>) dst(%dma_wait3A_1381 : memref<10112xf32, #tpu.memory_space<vmem_shared>>)
    %dma_wait3A_1382 = arith.constant 0 : i32
    %dma_wait3A_1383 = tpu.memref_slice %arg11[%dma_wait3A_1382] : memref<10240xi32, #tpu.memory_space<vmem>> -> memref<512xi32, #tpu.memory_space<vmem>>
    %dma_wait3A_1384 = arith.constant 0 : i32
    %dma_wait3A_1385 = tpu.memref_slice %arg15[%dma_wait3A_1384] : memref<10112xf32, #tpu.memory_space<vmem_shared>> -> memref<10112xf32, #tpu.memory_space<vmem_shared>>
    tpu.wait_indirect_dma semaphore(%arg18 : memref<!tpu.dma_semaphore, #tpu.memory_space<semaphore_mem>>) src(%arg13 : memref<512xf32, #tpu.memory_space<vmem>>) dst(%dma_wait3A_1385 : memref<10112xf32, #tpu.memory_space<vmem_shared>>)
    %dma_wait3A_1386 = arith.constant 0 : i32
    %dma_wait3A_1387 = tpu.memref_slice %arg11[%dma_wait3A_1386] : memref<10240xi32, #tpu.memory_space<vmem>> -> memref<512xi32, #tpu.memory_space<vmem>>
    %dma_wait3A_1388 = arith.constant 0 : i32
    %dma_wait3A_1389 = tpu.memref_slice %arg15[%dma_wait3A_1388] : memref<10112xf32, #tpu.memory_space<vmem_shared>> -> memref<10112xf32, #tpu.memory_space<vmem_shared>>
    tpu.wait_indirect_dma semaphore(%arg18 : memref<!tpu.dma_semaphore, #tpu.memory_space<semaphore_mem>>) src(%arg13 : memref<512xf32, #tpu.memory_space<vmem>>) dst(%dma_wait3A_1389 : memref<10112xf32, #tpu.memory_space<vmem_shared>>)
    %dma_wait3A_1390 = arith.constant 0 : i32
    %dma_wait3A_1391 = tpu.memref_slice %arg11[%dma_wait3A_1390] : memref<10240xi32, #tpu.memory_space<vmem>> -> memref<512xi32, #tpu.memory_space<vmem>>
    %dma_wait3A_1392 = arith.constant 0 : i32
    %dma_wait3A_1393 = tpu.memref_slice %arg15[%dma_wait3A_1392] : memref<10112xf32, #tpu.memory_space<vmem_shared>> -> memref<10112xf32, #tpu.memory_space<vmem_shared>>
    tpu.wait_indirect_dma semaphore(%arg18 : memref<!tpu.dma_semaphore, #tpu.memory_space<semaphore_mem>>) src(%arg13 : memref<512xf32, #tpu.memory_space<vmem>>) dst(%dma_wait3A_1393 : memref<10112xf32, #tpu.memory_space<vmem_shared>>)
    %dma_wait3A_1394 = arith.constant 0 : i32
    %dma_wait3A_1395 = tpu.memref_slice %arg11[%dma_wait3A_1394] : memref<10240xi32, #tpu.memory_space<vmem>> -> memref<512xi32, #tpu.memory_space<vmem>>
    %dma_wait3A_1396 = arith.constant 0 : i32
    %dma_wait3A_1397 = tpu.memref_slice %arg15[%dma_wait3A_1396] : memref<10112xf32, #tpu.memory_space<vmem_shared>> -> memref<10112xf32, #tpu.memory_space<vmem_shared>>
    tpu.wait_indirect_dma semaphore(%arg18 : memref<!tpu.dma_semaphore, #tpu.memory_space<semaphore_mem>>) src(%arg13 : memref<512xf32, #tpu.memory_space<vmem>>) dst(%dma_wait3A_1397 : memref<10112xf32, #tpu.memory_space<vmem_shared>>)
    %dma_wait3A_1398 = arith.constant 0 : i32
    %dma_wait3A_1399 = tpu.memref_slice %arg11[%dma_wait3A_1398] : memref<10240xi32, #tpu.memory_space<vmem>> -> memref<512xi32, #tpu.memory_space<vmem>>
    %dma_wait3A_1400 = arith.constant 0 : i32
    %dma_wait3A_1401 = tpu.memref_slice %arg15[%dma_wait3A_1400] : memref<10112xf32, #tpu.memory_space<vmem_shared>> -> memref<10112xf32, #tpu.memory_space<vmem_shared>>
    tpu.wait_indirect_dma semaphore(%arg18 : memref<!tpu.dma_semaphore, #tpu.memory_space<semaphore_mem>>) src(%arg13 : memref<512xf32, #tpu.memory_space<vmem>>) dst(%dma_wait3A_1401 : memref<10112xf32, #tpu.memory_space<vmem_shared>>)
    %dma_wait3A_1402 = arith.constant 0 : i32
    %dma_wait3A_1403 = tpu.memref_slice %arg11[%dma_wait3A_1402] : memref<10240xi32, #tpu.memory_space<vmem>> -> memref<512xi32, #tpu.memory_space<vmem>>
    %dma_wait3A_1404 = arith.constant 0 : i32
    %dma_wait3A_1405 = tpu.memref_slice %arg15[%dma_wait3A_1404] : memref<10112xf32, #tpu.memory_space<vmem_shared>> -> memref<10112xf32, #tpu.memory_space<vmem_shared>>
    tpu.wait_indirect_dma semaphore(%arg18 : memref<!tpu.dma_semaphore, #tpu.memory_space<semaphore_mem>>) src(%arg13 : memref<512xf32, #tpu.memory_space<vmem>>) dst(%dma_wait3A_1405 : memref<10112xf32, #tpu.memory_space<vmem_shared>>)
    %dma_wait3A_1406 = arith.constant 0 : i32
    %dma_wait3A_1407 = tpu.memref_slice %arg11[%dma_wait3A_1406] : memref<10240xi32, #tpu.memory_space<vmem>> -> memref<512xi32, #tpu.memory_space<vmem>>
    %dma_wait3A_1408 = arith.constant 0 : i32
    %dma_wait3A_1409 = tpu.memref_slice %arg15[%dma_wait3A_1408] : memref<10112xf32, #tpu.memory_space<vmem_shared>> -> memref<10112xf32, #tpu.memory_space<vmem_shared>>
    tpu.wait_indirect_dma semaphore(%arg18 : memref<!tpu.dma_semaphore, #tpu.memory_space<semaphore_mem>>) src(%arg13 : memref<512xf32, #tpu.memory_space<vmem>>) dst(%dma_wait3A_1409 : memref<10112xf32, #tpu.memory_space<vmem_shared>>)
    %dma_wait3A_1410 = arith.constant 0 : i32
    %dma_wait3A_1411 = tpu.memref_slice %arg11[%dma_wait3A_1410] : memref<10240xi32, #tpu.memory_space<vmem>> -> memref<512xi32, #tpu.memory_space<vmem>>
    %dma_wait3A_1412 = arith.constant 0 : i32
    %dma_wait3A_1413 = tpu.memref_slice %arg15[%dma_wait3A_1412] : memref<10112xf32, #tpu.memory_space<vmem_shared>> -> memref<10112xf32, #tpu.memory_space<vmem_shared>>
    tpu.wait_indirect_dma semaphore(%arg18 : memref<!tpu.dma_semaphore, #tpu.memory_space<semaphore_mem>>) src(%arg13 : memref<512xf32, #tpu.memory_space<vmem>>) dst(%dma_wait3A_1413 : memref<10112xf32, #tpu.memory_space<vmem_shared>>)
    %dma_wait3A_1414 = arith.constant 0 : i32
    %dma_wait3A_1415 = tpu.memref_slice %arg11[%dma_wait3A_1414] : memref<10240xi32, #tpu.memory_space<vmem>> -> memref<512xi32, #tpu.memory_space<vmem>>
    %dma_wait3A_1416 = arith.constant 0 : i32
    %dma_wait3A_1417 = tpu.memref_slice %arg15[%dma_wait3A_1416] : memref<10112xf32, #tpu.memory_space<vmem_shared>> -> memref<10112xf32, #tpu.memory_space<vmem_shared>>
    tpu.wait_indirect_dma semaphore(%arg18 : memref<!tpu.dma_semaphore, #tpu.memory_space<semaphore_mem>>) src(%arg13 : memref<512xf32, #tpu.memory_space<vmem>>) dst(%dma_wait3A_1417 : memref<10112xf32, #tpu.memory_space<vmem_shared>>)
    %barrier3A_1418 = arith.constant 0 : index
    tpu.barrier barrier_id(%barrier3A_1418)
    %mul3A_1419 = arith.constant 632 : i32
    %mul3A_1420 = arith.muli %arg1, %mul3A_1419 : i32
    %mul3A_1421 = arith.constant 632 : i32
    %mul3A_1422 = arith.muli %arg1, %mul3A_1421 : i32
    "tpu.region"() ({
      %run_scoped3A_1427 = tpu.sem_alloc : memref<!tpu.dma_semaphore, #tpu.memory_space<semaphore_mem>>
      %dma_start3A_1428 = arith.constant 0 : i32
      %dma_start3A_1429 = tpu.memref_slice %arg8[%arg0, %mul3A_1422, %dma_start3A_1428] : memref<2x10112x16xf32, #tpu.memory_space<hbm>> -> memref<1x632x16xf32, #tpu.memory_space<hbm>>
      %dma_start3A_1430 = tpu.memref_squeeze %dma_start3A_1429 : memref<1x632x16xf32, #tpu.memory_space<hbm>> -> memref<632x16xf32, #tpu.memory_space<hbm>>
      %dma_start3A_1431 = arith.constant 0 : i32
      %dma_start3A_1432 = tpu.memref_slice %arg14[%mul3A_1420, %dma_start3A_1431] : memref<10112x16xf32, #tpu.memory_space<vmem_shared>> -> memref<632x16xf32, #tpu.memory_space<vmem_shared>>
      tpu.enqueue_dma source(%dma_start3A_1432 : memref<632x16xf32, #tpu.memory_space<vmem_shared>>) target(%dma_start3A_1430 : memref<632x16xf32, #tpu.memory_space<hbm>>) target_semaphore(%run_scoped3A_1427 : memref<!tpu.dma_semaphore, #tpu.memory_space<semaphore_mem>>)
      %dma_wait3A_1433 = arith.constant 0 : i32
      %dma_wait3A_1434 = tpu.memref_slice %arg8[%arg0, %mul3A_1422, %dma_wait3A_1433] : memref<2x10112x16xf32, #tpu.memory_space<hbm>> -> memref<1x632x16xf32, #tpu.memory_space<hbm>>
      %dma_wait3A_1435 = tpu.memref_squeeze %dma_wait3A_1434 : memref<1x632x16xf32, #tpu.memory_space<hbm>> -> memref<632x16xf32, #tpu.memory_space<hbm>>
      %dma_wait3A_1436 = arith.constant 0 : i32
      %dma_wait3A_1437 = tpu.memref_slice %arg14[%mul3A_1420, %dma_wait3A_1436] : memref<10112x16xf32, #tpu.memory_space<vmem_shared>> -> memref<632x16xf32, #tpu.memory_space<vmem_shared>>
      tpu.wait_dma2 semaphore(%run_scoped3A_1427 : memref<!tpu.dma_semaphore, #tpu.memory_space<semaphore_mem>>) src(%dma_wait3A_1437 : memref<632x16xf32, #tpu.memory_space<vmem_shared>>) dst(%dma_wait3A_1435 : memref<632x16xf32, #tpu.memory_space<hbm>>)
      tpu.yield
    }) : () -> ()
    %mul3A_1423 = arith.constant 632 : i32
    %mul3A_1424 = arith.muli %arg1, %mul3A_1423 : i32
    %mul3A_1425 = arith.constant 632 : i32
    %mul3A_1426 = arith.muli %arg1, %mul3A_1425 : i32
    "tpu.region"() ({
      %run_scoped3A_1427 = tpu.sem_alloc : memref<!tpu.dma_semaphore, #tpu.memory_space<semaphore_mem>>
      %dma_start3A_1428 = tpu.memref_slice %arg9[%arg0, %mul3A_1426] : memref<2x10112xf32, #tpu.memory_space<hbm>> -> memref<1x632xf32, #tpu.memory_space<hbm>>
      %dma_start3A_1429 = tpu.memref_squeeze %dma_start3A_1428 : memref<1x632xf32, #tpu.memory_space<hbm>> -> memref<632xf32, #tpu.memory_space<hbm>>
      %dma_start3A_1430 = tpu.memref_slice %arg15[%mul3A_1424] : memref<10112xf32, #tpu.memory_space<vmem_shared>> -> memref<632xf32, #tpu.memory_space<vmem_shared>>
      tpu.enqueue_dma source(%dma_start3A_1430 : memref<632xf32, #tpu.memory_space<vmem_shared>>) target(%dma_start3A_1429 : memref<632xf32, #tpu.memory_space<hbm>>) target_semaphore(%run_scoped3A_1427 : memref<!tpu.dma_semaphore, #tpu.memory_space<semaphore_mem>>)
      %dma_wait3A_1431 = tpu.memref_slice %arg9[%arg0, %mul3A_1426] : memref<2x10112xf32, #tpu.memory_space<hbm>> -> memref<1x632xf32, #tpu.memory_space<hbm>>
      %dma_wait3A_1432 = tpu.memref_squeeze %dma_wait3A_1431 : memref<1x632xf32, #tpu.memory_space<hbm>> -> memref<632xf32, #tpu.memory_space<hbm>>
      %dma_wait3A_1433 = tpu.memref_slice %arg15[%mul3A_1424] : memref<10112xf32, #tpu.memory_space<vmem_shared>> -> memref<632xf32, #tpu.memory_space<vmem_shared>>
      tpu.wait_dma2 semaphore(%run_scoped3A_1427 : memref<!tpu.dma_semaphore, #tpu.memory_space<semaphore_mem>>) src(%dma_wait3A_1433 : memref<632xf32, #tpu.memory_space<vmem_shared>>) dst(%dma_wait3A_1432 : memref<632xf32, #tpu.memory_space<hbm>>)
      tpu.yield
    }) : () -> ()
    return
  }
}

module attributes {stable_mosaic.version = 14 : i64} {
  func.func @_xw_body(%arg0: memref<10000x128xf32, #tpu.memory_space<vmem>>, %arg1: memref<8x128x128xf32, #tpu.memory_space<vmem>>, %arg2: memref<1250x128xf32, #tpu.memory_space<vmem>>) attributes {dimension_semantics = [], scalar_prefetch = 0 : i64, scratch_operands = 0 : i64, tpu.core_type = #tpu.core_type<tc>} {
    %get3A = arith.constant 0 : index
    %get3A_0 = arith.constant 0 : index
    %get3A_1 = vector.load %arg0[%get3A, %get3A_0] : memref<10000x128xf32, #tpu.memory_space<vmem>>, vector<10000x128xf32>
    %reshape3A = vector.shape_cast %get3A_1 : vector<10000x128xf32> to vector<1250x8x128xf32>
    %slice3A = vector.extract_strided_slice %reshape3A {offsets = [0, 0, 0], sizes = [1250, 1, 128], strides = [1, 1, 1]} : vector<1250x8x128xf32> to vector<1250x1x128xf32>
    %squeeze3A = vector.shape_cast %slice3A : vector<1250x1x128xf32> to vector<1250x128xf32>
    %get3A_2 = arith.constant 0 : index
    %get3A_3 = arith.constant 0 : index
    %get3A_4 = arith.constant 0 : index
    %get3A_5 = vector.load %arg1[%get3A_2, %get3A_3, %get3A_4] : memref<8x128x128xf32, #tpu.memory_space<vmem>>, vector<1x128x128xf32>
    %get3A_6 = vector.shape_cast %get3A_5 : vector<1x128x128xf32> to vector<128x128xf32>
    %dot_general3A = arith.constant dense<0.000000e+00> : vector<1250x128xf32>
    %dot_general3A_7 = tpu.matmul %squeeze3A, %get3A_6, %dot_general3A {dimension_numbers = #tpu.dot_dimension_numbers<[1], [0], [0], [1], [0, 0, 1, 1], [], []>, transpose_lhs_hint = false} : vector<1250x128xf32>, vector<128x128xf32>, vector<1250x128xf32> -> vector<1250x128xf32>
    %slice3A_8 = vector.extract_strided_slice %reshape3A {offsets = [0, 1, 0], sizes = [1250, 1, 128], strides = [1, 1, 1]} : vector<1250x8x128xf32> to vector<1250x1x128xf32>
    %squeeze3A_9 = vector.shape_cast %slice3A_8 : vector<1250x1x128xf32> to vector<1250x128xf32>
    %get3A_10 = arith.constant 1 : index
    %get3A_11 = arith.constant 0 : index
    %get3A_12 = arith.constant 0 : index
    %get3A_13 = vector.load %arg1[%get3A_10, %get3A_11, %get3A_12] : memref<8x128x128xf32, #tpu.memory_space<vmem>>, vector<1x128x128xf32>
    %get3A_14 = vector.shape_cast %get3A_13 : vector<1x128x128xf32> to vector<128x128xf32>
    %dot_general3A_15 = arith.constant dense<0.000000e+00> : vector<1250x128xf32>
    %dot_general3A_16 = tpu.matmul %squeeze3A_9, %get3A_14, %dot_general3A_15 {dimension_numbers = #tpu.dot_dimension_numbers<[1], [0], [0], [1], [0, 0, 1, 1], [], []>, transpose_lhs_hint = false} : vector<1250x128xf32>, vector<128x128xf32>, vector<1250x128xf32> -> vector<1250x128xf32>
    %add3A = arith.addf %dot_general3A_7, %dot_general3A_16 : vector<1250x128xf32>
    %slice3A_17 = vector.extract_strided_slice %reshape3A {offsets = [0, 2, 0], sizes = [1250, 1, 128], strides = [1, 1, 1]} : vector<1250x8x128xf32> to vector<1250x1x128xf32>
    %squeeze3A_18 = vector.shape_cast %slice3A_17 : vector<1250x1x128xf32> to vector<1250x128xf32>
    %get3A_19 = arith.constant 2 : index
    %get3A_20 = arith.constant 0 : index
    %get3A_21 = arith.constant 0 : index
    %get3A_22 = vector.load %arg1[%get3A_19, %get3A_20, %get3A_21] : memref<8x128x128xf32, #tpu.memory_space<vmem>>, vector<1x128x128xf32>
    %get3A_23 = vector.shape_cast %get3A_22 : vector<1x128x128xf32> to vector<128x128xf32>
    %dot_general3A_24 = arith.constant dense<0.000000e+00> : vector<1250x128xf32>
    %dot_general3A_25 = tpu.matmul %squeeze3A_18, %get3A_23, %dot_general3A_24 {dimension_numbers = #tpu.dot_dimension_numbers<[1], [0], [0], [1], [0, 0, 1, 1], [], []>, transpose_lhs_hint = false} : vector<1250x128xf32>, vector<128x128xf32>, vector<1250x128xf32> -> vector<1250x128xf32>
    %add3A_26 = arith.addf %add3A, %dot_general3A_25 : vector<1250x128xf32>
    %slice3A_27 = vector.extract_strided_slice %reshape3A {offsets = [0, 3, 0], sizes = [1250, 1, 128], strides = [1, 1, 1]} : vector<1250x8x128xf32> to vector<1250x1x128xf32>
    %squeeze3A_28 = vector.shape_cast %slice3A_27 : vector<1250x1x128xf32> to vector<1250x128xf32>
    %get3A_29 = arith.constant 3 : index
    %get3A_30 = arith.constant 0 : index
    %get3A_31 = arith.constant 0 : index
    %get3A_32 = vector.load %arg1[%get3A_29, %get3A_30, %get3A_31] : memref<8x128x128xf32, #tpu.memory_space<vmem>>, vector<1x128x128xf32>
    %get3A_33 = vector.shape_cast %get3A_32 : vector<1x128x128xf32> to vector<128x128xf32>
    %dot_general3A_34 = arith.constant dense<0.000000e+00> : vector<1250x128xf32>
    %dot_general3A_35 = tpu.matmul %squeeze3A_28, %get3A_33, %dot_general3A_34 {dimension_numbers = #tpu.dot_dimension_numbers<[1], [0], [0], [1], [0, 0, 1, 1], [], []>, transpose_lhs_hint = false} : vector<1250x128xf32>, vector<128x128xf32>, vector<1250x128xf32> -> vector<1250x128xf32>
    %add3A_36 = arith.addf %add3A_26, %dot_general3A_35 : vector<1250x128xf32>
    %slice3A_37 = vector.extract_strided_slice %reshape3A {offsets = [0, 4, 0], sizes = [1250, 1, 128], strides = [1, 1, 1]} : vector<1250x8x128xf32> to vector<1250x1x128xf32>
    %squeeze3A_38 = vector.shape_cast %slice3A_37 : vector<1250x1x128xf32> to vector<1250x128xf32>
    %get3A_39 = arith.constant 4 : index
    %get3A_40 = arith.constant 0 : index
    %get3A_41 = arith.constant 0 : index
    %get3A_42 = vector.load %arg1[%get3A_39, %get3A_40, %get3A_41] : memref<8x128x128xf32, #tpu.memory_space<vmem>>, vector<1x128x128xf32>
    %get3A_43 = vector.shape_cast %get3A_42 : vector<1x128x128xf32> to vector<128x128xf32>
    %dot_general3A_44 = arith.constant dense<0.000000e+00> : vector<1250x128xf32>
    %dot_general3A_45 = tpu.matmul %squeeze3A_38, %get3A_43, %dot_general3A_44 {dimension_numbers = #tpu.dot_dimension_numbers<[1], [0], [0], [1], [0, 0, 1, 1], [], []>, transpose_lhs_hint = false} : vector<1250x128xf32>, vector<128x128xf32>, vector<1250x128xf32> -> vector<1250x128xf32>
    %add3A_46 = arith.addf %add3A_36, %dot_general3A_45 : vector<1250x128xf32>
    %slice3A_47 = vector.extract_strided_slice %reshape3A {offsets = [0, 5, 0], sizes = [1250, 1, 128], strides = [1, 1, 1]} : vector<1250x8x128xf32> to vector<1250x1x128xf32>
    %squeeze3A_48 = vector.shape_cast %slice3A_47 : vector<1250x1x128xf32> to vector<1250x128xf32>
    %get3A_49 = arith.constant 5 : index
    %get3A_50 = arith.constant 0 : index
    %get3A_51 = arith.constant 0 : index
    %get3A_52 = vector.load %arg1[%get3A_49, %get3A_50, %get3A_51] : memref<8x128x128xf32, #tpu.memory_space<vmem>>, vector<1x128x128xf32>
    %get3A_53 = vector.shape_cast %get3A_52 : vector<1x128x128xf32> to vector<128x128xf32>
    %dot_general3A_54 = arith.constant dense<0.000000e+00> : vector<1250x128xf32>
    %dot_general3A_55 = tpu.matmul %squeeze3A_48, %get3A_53, %dot_general3A_54 {dimension_numbers = #tpu.dot_dimension_numbers<[1], [0], [0], [1], [0, 0, 1, 1], [], []>, transpose_lhs_hint = false} : vector<1250x128xf32>, vector<128x128xf32>, vector<1250x128xf32> -> vector<1250x128xf32>
    %add3A_56 = arith.addf %add3A_46, %dot_general3A_55 : vector<1250x128xf32>
    %slice3A_57 = vector.extract_strided_slice %reshape3A {offsets = [0, 6, 0], sizes = [1250, 1, 128], strides = [1, 1, 1]} : vector<1250x8x128xf32> to vector<1250x1x128xf32>
    %squeeze3A_58 = vector.shape_cast %slice3A_57 : vector<1250x1x128xf32> to vector<1250x128xf32>
    %get3A_59 = arith.constant 6 : index
    %get3A_60 = arith.constant 0 : index
    %get3A_61 = arith.constant 0 : index
    %get3A_62 = vector.load %arg1[%get3A_59, %get3A_60, %get3A_61] : memref<8x128x128xf32, #tpu.memory_space<vmem>>, vector<1x128x128xf32>
    %get3A_63 = vector.shape_cast %get3A_62 : vector<1x128x128xf32> to vector<128x128xf32>
    %dot_general3A_64 = arith.constant dense<0.000000e+00> : vector<1250x128xf32>
    %dot_general3A_65 = tpu.matmul %squeeze3A_58, %get3A_63, %dot_general3A_64 {dimension_numbers = #tpu.dot_dimension_numbers<[1], [0], [0], [1], [0, 0, 1, 1], [], []>, transpose_lhs_hint = false} : vector<1250x128xf32>, vector<128x128xf32>, vector<1250x128xf32> -> vector<1250x128xf32>
    %add3A_66 = arith.addf %add3A_56, %dot_general3A_65 : vector<1250x128xf32>
    %slice3A_67 = vector.extract_strided_slice %reshape3A {offsets = [0, 7, 0], sizes = [1250, 1, 128], strides = [1, 1, 1]} : vector<1250x8x128xf32> to vector<1250x1x128xf32>
    %squeeze3A_68 = vector.shape_cast %slice3A_67 : vector<1250x1x128xf32> to vector<1250x128xf32>
    %get3A_69 = arith.constant 7 : index
    %get3A_70 = arith.constant 0 : index
    %get3A_71 = arith.constant 0 : index
    %get3A_72 = vector.load %arg1[%get3A_69, %get3A_70, %get3A_71] : memref<8x128x128xf32, #tpu.memory_space<vmem>>, vector<1x128x128xf32>
    %get3A_73 = vector.shape_cast %get3A_72 : vector<1x128x128xf32> to vector<128x128xf32>
    %dot_general3A_74 = arith.constant dense<0.000000e+00> : vector<1250x128xf32>
    %dot_general3A_75 = tpu.matmul %squeeze3A_68, %get3A_73, %dot_general3A_74 {dimension_numbers = #tpu.dot_dimension_numbers<[1], [0], [0], [1], [0, 0, 1, 1], [], []>, transpose_lhs_hint = false} : vector<1250x128xf32>, vector<128x128xf32>, vector<1250x128xf32> -> vector<1250x128xf32>
    %add3A_76 = arith.addf %add3A_66, %dot_general3A_75 : vector<1250x128xf32>
    %swap3A = arith.constant 0 : index
    %swap3A_77 = arith.constant 0 : index
    %swap3A_78 = vector.load %arg2[%swap3A, %swap3A_77] : memref<1250x128xf32, #tpu.memory_space<vmem>>, vector<1250x128xf32>
    tpu.vector_store %arg2[%swap3A, %swap3A_77], %add3A_76 {strides = array<i32>} : memref<1250x128xf32, #tpu.memory_space<vmem>>, vector<1250x128xf32>,
    return
  }
}

module attributes {stable_mosaic.version = 14 : i64} {
  func.func @_mlp_body(%arg0: memref<2x1264x128xf32, #tpu.memory_space<vmem>>, %arg1: memref<2x79x128xf32, #tpu.memory_space<vmem>>, %arg2: memref<16x128x128xf32, #tpu.memory_space<vmem>>, %arg3: memref<1x128xf32, #tpu.memory_space<vmem>>, %arg4: memref<128x64xf32, #tpu.memory_space<vmem>>, %arg5: memref<1x64xf32, #tpu.memory_space<vmem>>, %arg6: memref<64x8xf32, #tpu.memory_space<vmem>>, %arg7: memref<1x1xf32, #tpu.memory_space<vmem>>, %arg8: memref<1250x8xf32, #tpu.memory_space<vmem>>) attributes {dimension_semantics = [], scalar_prefetch = 0 : i64, scratch_operands = 0 : i64, tpu.core_type = #tpu.core_type<tc>} {
    %get3A = arith.constant 0 : index
    %get3A_0 = arith.constant 0 : index
    %get3A_1 = arith.constant 0 : index
    %get3A_2 = vector.load %arg0[%get3A, %get3A_0, %get3A_1] : memref<2x1264x128xf32, #tpu.memory_space<vmem>>, vector<1x1250x128xf32>
    %get3A_3 = vector.shape_cast %get3A_2 : vector<1x1250x128xf32> to vector<1250x128xf32>
    %get3A_4 = arith.constant 1 : index
    %get3A_5 = arith.constant 0 : index
    %get3A_6 = arith.constant 0 : index
    %get3A_7 = vector.load %arg0[%get3A_4, %get3A_5, %get3A_6] : memref<2x1264x128xf32, #tpu.memory_space<vmem>>, vector<1x1250x128xf32>
    %get3A_8 = vector.shape_cast %get3A_7 : vector<1x1250x128xf32> to vector<1250x128xf32>
    %add3A = arith.addf %get3A_3, %get3A_8 : vector<1250x128xf32>
    %get3A_9 = arith.constant 0 : index
    %get3A_10 = arith.constant 0 : index
    %get3A_11 = arith.constant 0 : index
    %get3A_12 = vector.load %arg1[%get3A_9, %get3A_10, %get3A_11] : memref<2x79x128xf32, #tpu.memory_space<vmem>>, vector<1x79x128xf32>
    %get3A_13 = vector.shape_cast %get3A_12 : vector<1x79x128xf32> to vector<79x128xf32>
    %get3A_14 = arith.constant 1 : index
    %get3A_15 = arith.constant 0 : index
    %get3A_16 = arith.constant 0 : index
    %get3A_17 = vector.load %arg1[%get3A_14, %get3A_15, %get3A_16] : memref<2x79x128xf32, #tpu.memory_space<vmem>>, vector<1x79x128xf32>
    %get3A_18 = vector.shape_cast %get3A_17 : vector<1x79x128xf32> to vector<79x128xf32>
    %add3A_19 = arith.addf %get3A_13, %get3A_18 : vector<79x128xf32>
    %get3A_20 = arith.constant 0 : index
    %get3A_21 = arith.constant 0 : index
    %get3A_22 = arith.constant 0 : index
    %get3A_23 = vector.load %arg2[%get3A_20, %get3A_21, %get3A_22] : memref<16x128x128xf32, #tpu.memory_space<vmem>>, vector<1x128x128xf32>
    %get3A_24 = vector.shape_cast %get3A_23 : vector<1x128x128xf32> to vector<128x128xf32>
    %dot_general3A = arith.constant dense<0.000000e+00> : vector<79x128xf32>
    %dot_general3A_25 = tpu.matmul %add3A_19, %get3A_24, %dot_general3A {dimension_numbers = #tpu.dot_dimension_numbers<[1], [0], [0], [1], [0, 0, 1, 1], [], []>, transpose_lhs_hint = false} : vector<79x128xf32>, vector<128x128xf32>, vector<79x128xf32> -> vector<79x128xf32>
    %get3A_26 = arith.constant 1 : index
    %get3A_27 = arith.constant 0 : index
    %get3A_28 = arith.constant 0 : index
    %get3A_29 = vector.load %arg2[%get3A_26, %get3A_27, %get3A_28] : memref<16x128x128xf32, #tpu.memory_space<vmem>>, vector<1x128x128xf32>
    %get3A_30 = vector.shape_cast %get3A_29 : vector<1x128x128xf32> to vector<128x128xf32>
    %dot_general3A_31 = arith.constant dense<0.000000e+00> : vector<79x128xf32>
    %dot_general3A_32 = tpu.matmul %add3A_19, %get3A_30, %dot_general3A_31 {dimension_numbers = #tpu.dot_dimension_numbers<[1], [0], [0], [1], [0, 0, 1, 1], [], []>, transpose_lhs_hint = false} : vector<79x128xf32>, vector<128x128xf32>, vector<79x128xf32> -> vector<79x128xf32>
    %get3A_33 = arith.constant 2 : index
    %get3A_34 = arith.constant 0 : index
    %get3A_35 = arith.constant 0 : index
    %get3A_36 = vector.load %arg2[%get3A_33, %get3A_34, %get3A_35] : memref<16x128x128xf32, #tpu.memory_space<vmem>>, vector<1x128x128xf32>
    %get3A_37 = vector.shape_cast %get3A_36 : vector<1x128x128xf32> to vector<128x128xf32>
    %dot_general3A_38 = arith.constant dense<0.000000e+00> : vector<79x128xf32>
    %dot_general3A_39 = tpu.matmul %add3A_19, %get3A_37, %dot_general3A_38 {dimension_numbers = #tpu.dot_dimension_numbers<[1], [0], [0], [1], [0, 0, 1, 1], [], []>, transpose_lhs_hint = false} : vector<79x128xf32>, vector<128x128xf32>, vector<79x128xf32> -> vector<79x128xf32>
    %get3A_40 = arith.constant 3 : index
    %get3A_41 = arith.constant 0 : index
    %get3A_42 = arith.constant 0 : index
    %get3A_43 = vector.load %arg2[%get3A_40, %get3A_41, %get3A_42] : memref<16x128x128xf32, #tpu.memory_space<vmem>>, vector<1x128x128xf32>
    %get3A_44 = vector.shape_cast %get3A_43 : vector<1x128x128xf32> to vector<128x128xf32>
    %dot_general3A_45 = arith.constant dense<0.000000e+00> : vector<79x128xf32>
    %dot_general3A_46 = tpu.matmul %add3A_19, %get3A_44, %dot_general3A_45 {dimension_numbers = #tpu.dot_dimension_numbers<[1], [0], [0], [1], [0, 0, 1, 1], [], []>, transpose_lhs_hint = false} : vector<79x128xf32>, vector<128x128xf32>, vector<79x128xf32> -> vector<79x128xf32>
    %get3A_47 = arith.constant 4 : index
    %get3A_48 = arith.constant 0 : index
    %get3A_49 = arith.constant 0 : index
    %get3A_50 = vector.load %arg2[%get3A_47, %get3A_48, %get3A_49] : memref<16x128x128xf32, #tpu.memory_space<vmem>>, vector<1x128x128xf32>
    %get3A_51 = vector.shape_cast %get3A_50 : vector<1x128x128xf32> to vector<128x128xf32>
    %dot_general3A_52 = arith.constant dense<0.000000e+00> : vector<79x128xf32>
    %dot_general3A_53 = tpu.matmul %add3A_19, %get3A_51, %dot_general3A_52 {dimension_numbers = #tpu.dot_dimension_numbers<[1], [0], [0], [1], [0, 0, 1, 1], [], []>, transpose_lhs_hint = false} : vector<79x128xf32>, vector<128x128xf32>, vector<79x128xf32> -> vector<79x128xf32>
    %get3A_54 = arith.constant 5 : index
    %get3A_55 = arith.constant 0 : index
    %get3A_56 = arith.constant 0 : index
    %get3A_57 = vector.load %arg2[%get3A_54, %get3A_55, %get3A_56] : memref<16x128x128xf32, #tpu.memory_space<vmem>>, vector<1x128x128xf32>
    %get3A_58 = vector.shape_cast %get3A_57 : vector<1x128x128xf32> to vector<128x128xf32>
    %dot_general3A_59 = arith.constant dense<0.000000e+00> : vector<79x128xf32>
    %dot_general3A_60 = tpu.matmul %add3A_19, %get3A_58, %dot_general3A_59 {dimension_numbers = #tpu.dot_dimension_numbers<[1], [0], [0], [1], [0, 0, 1, 1], [], []>, transpose_lhs_hint = false} : vector<79x128xf32>, vector<128x128xf32>, vector<79x128xf32> -> vector<79x128xf32>
    %get3A_61 = arith.constant 6 : index
    %get3A_62 = arith.constant 0 : index
    %get3A_63 = arith.constant 0 : index
    %get3A_64 = vector.load %arg2[%get3A_61, %get3A_62, %get3A_63] : memref<16x128x128xf32, #tpu.memory_space<vmem>>, vector<1x128x128xf32>
    %get3A_65 = vector.shape_cast %get3A_64 : vector<1x128x128xf32> to vector<128x128xf32>
    %dot_general3A_66 = arith.constant dense<0.000000e+00> : vector<79x128xf32>
    %dot_general3A_67 = tpu.matmul %add3A_19, %get3A_65, %dot_general3A_66 {dimension_numbers = #tpu.dot_dimension_numbers<[1], [0], [0], [1], [0, 0, 1, 1], [], []>, transpose_lhs_hint = false} : vector<79x128xf32>, vector<128x128xf32>, vector<79x128xf32> -> vector<79x128xf32>
    %get3A_68 = arith.constant 7 : index
    %get3A_69 = arith.constant 0 : index
    %get3A_70 = arith.constant 0 : index
    %get3A_71 = vector.load %arg2[%get3A_68, %get3A_69, %get3A_70] : memref<16x128x128xf32, #tpu.memory_space<vmem>>, vector<1x128x128xf32>
    %get3A_72 = vector.shape_cast %get3A_71 : vector<1x128x128xf32> to vector<128x128xf32>
    %dot_general3A_73 = arith.constant dense<0.000000e+00> : vector<79x128xf32>
    %dot_general3A_74 = tpu.matmul %add3A_19, %get3A_72, %dot_general3A_73 {dimension_numbers = #tpu.dot_dimension_numbers<[1], [0], [0], [1], [0, 0, 1, 1], [], []>, transpose_lhs_hint = false} : vector<79x128xf32>, vector<128x128xf32>, vector<79x128xf32> -> vector<79x128xf32>
    %get3A_75 = arith.constant 8 : index
    %get3A_76 = arith.constant 0 : index
    %get3A_77 = arith.constant 0 : index
    %get3A_78 = vector.load %arg2[%get3A_75, %get3A_76, %get3A_77] : memref<16x128x128xf32, #tpu.memory_space<vmem>>, vector<1x128x128xf32>
    %get3A_79 = vector.shape_cast %get3A_78 : vector<1x128x128xf32> to vector<128x128xf32>
    %dot_general3A_80 = arith.constant dense<0.000000e+00> : vector<79x128xf32>
    %dot_general3A_81 = tpu.matmul %add3A_19, %get3A_79, %dot_general3A_80 {dimension_numbers = #tpu.dot_dimension_numbers<[1], [0], [0], [1], [0, 0, 1, 1], [], []>, transpose_lhs_hint = false} : vector<79x128xf32>, vector<128x128xf32>, vector<79x128xf32> -> vector<79x128xf32>
    %get3A_82 = arith.constant 9 : index
    %get3A_83 = arith.constant 0 : index
    %get3A_84 = arith.constant 0 : index
    %get3A_85 = vector.load %arg2[%get3A_82, %get3A_83, %get3A_84] : memref<16x128x128xf32, #tpu.memory_space<vmem>>, vector<1x128x128xf32>
    %get3A_86 = vector.shape_cast %get3A_85 : vector<1x128x128xf32> to vector<128x128xf32>
    %dot_general3A_87 = arith.constant dense<0.000000e+00> : vector<79x128xf32>
    %dot_general3A_88 = tpu.matmul %add3A_19, %get3A_86, %dot_general3A_87 {dimension_numbers = #tpu.dot_dimension_numbers<[1], [0], [0], [1], [0, 0, 1, 1], [], []>, transpose_lhs_hint = false} : vector<79x128xf32>, vector<128x128xf32>, vector<79x128xf32> -> vector<79x128xf32>
    %get3A_89 = arith.constant 10 : index
    %get3A_90 = arith.constant 0 : index
    %get3A_91 = arith.constant 0 : index
    %get3A_92 = vector.load %arg2[%get3A_89, %get3A_90, %get3A_91] : memref<16x128x128xf32, #tpu.memory_space<vmem>>, vector<1x128x128xf32>
    %get3A_93 = vector.shape_cast %get3A_92 : vector<1x128x128xf32> to vector<128x128xf32>
    %dot_general3A_94 = arith.constant dense<0.000000e+00> : vector<79x128xf32>
    %dot_general3A_95 = tpu.matmul %add3A_19, %get3A_93, %dot_general3A_94 {dimension_numbers = #tpu.dot_dimension_numbers<[1], [0], [0], [1], [0, 0, 1, 1], [], []>, transpose_lhs_hint = false} : vector<79x128xf32>, vector<128x128xf32>, vector<79x128xf32> -> vector<79x128xf32>
    %get3A_96 = arith.constant 11 : index
    %get3A_97 = arith.constant 0 : index
    %get3A_98 = arith.constant 0 : index
    %get3A_99 = vector.load %arg2[%get3A_96, %get3A_97, %get3A_98] : memref<16x128x128xf32, #tpu.memory_space<vmem>>, vector<1x128x128xf32>
    %get3A_100 = vector.shape_cast %get3A_99 : vector<1x128x128xf32> to vector<128x128xf32>
    %dot_general3A_101 = arith.constant dense<0.000000e+00> : vector<79x128xf32>
    %dot_general3A_102 = tpu.matmul %add3A_19, %get3A_100, %dot_general3A_101 {dimension_numbers = #tpu.dot_dimension_numbers<[1], [0], [0], [1], [0, 0, 1, 1], [], []>, transpose_lhs_hint = false} : vector<79x128xf32>, vector<128x128xf32>, vector<79x128xf32> -> vector<79x128xf32>
    %get3A_103 = arith.constant 12 : index
    %get3A_104 = arith.constant 0 : index
    %get3A_105 = arith.constant 0 : index
    %get3A_106 = vector.load %arg2[%get3A_103, %get3A_104, %get3A_105] : memref<16x128x128xf32, #tpu.memory_space<vmem>>, vector<1x128x128xf32>
    %get3A_107 = vector.shape_cast %get3A_106 : vector<1x128x128xf32> to vector<128x128xf32>
    %dot_general3A_108 = arith.constant dense<0.000000e+00> : vector<79x128xf32>
    %dot_general3A_109 = tpu.matmul %add3A_19, %get3A_107, %dot_general3A_108 {dimension_numbers = #tpu.dot_dimension_numbers<[1], [0], [0], [1], [0, 0, 1, 1], [], []>, transpose_lhs_hint = false} : vector<79x128xf32>, vector<128x128xf32>, vector<79x128xf32> -> vector<79x128xf32>
    %get3A_110 = arith.constant 13 : index
    %get3A_111 = arith.constant 0 : index
    %get3A_112 = arith.constant 0 : index
    %get3A_113 = vector.load %arg2[%get3A_110, %get3A_111, %get3A_112] : memref<16x128x128xf32, #tpu.memory_space<vmem>>, vector<1x128x128xf32>
    %get3A_114 = vector.shape_cast %get3A_113 : vector<1x128x128xf32> to vector<128x128xf32>
    %dot_general3A_115 = arith.constant dense<0.000000e+00> : vector<79x128xf32>
    %dot_general3A_116 = tpu.matmul %add3A_19, %get3A_114, %dot_general3A_115 {dimension_numbers = #tpu.dot_dimension_numbers<[1], [0], [0], [1], [0, 0, 1, 1], [], []>, transpose_lhs_hint = false} : vector<79x128xf32>, vector<128x128xf32>, vector<79x128xf32> -> vector<79x128xf32>
    %get3A_117 = arith.constant 14 : index
    %get3A_118 = arith.constant 0 : index
    %get3A_119 = arith.constant 0 : index
    %get3A_120 = vector.load %arg2[%get3A_117, %get3A_118, %get3A_119] : memref<16x128x128xf32, #tpu.memory_space<vmem>>, vector<1x128x128xf32>
    %get3A_121 = vector.shape_cast %get3A_120 : vector<1x128x128xf32> to vector<128x128xf32>
    %dot_general3A_122 = arith.constant dense<0.000000e+00> : vector<79x128xf32>
    %dot_general3A_123 = tpu.matmul %add3A_19, %get3A_121, %dot_general3A_122 {dimension_numbers = #tpu.dot_dimension_numbers<[1], [0], [0], [1], [0, 0, 1, 1], [], []>, transpose_lhs_hint = false} : vector<79x128xf32>, vector<128x128xf32>, vector<79x128xf32> -> vector<79x128xf32>
    %get3A_124 = arith.constant 15 : index
    %get3A_125 = arith.constant 0 : index
    %get3A_126 = arith.constant 0 : index
    %get3A_127 = vector.load %arg2[%get3A_124, %get3A_125, %get3A_126] : memref<16x128x128xf32, #tpu.memory_space<vmem>>, vector<1x128x128xf32>
    %get3A_128 = vector.shape_cast %get3A_127 : vector<1x128x128xf32> to vector<128x128xf32>
    %dot_general3A_129 = arith.constant dense<0.000000e+00> : vector<79x128xf32>
    %dot_general3A_130 = tpu.matmul %add3A_19, %get3A_128, %dot_general3A_129 {dimension_numbers = #tpu.dot_dimension_numbers<[1], [0], [0], [1], [0, 0, 1, 1], [], []>, transpose_lhs_hint = false} : vector<79x128xf32>, vector<128x128xf32>, vector<79x128xf32> -> vector<79x128xf32>
    %stack3A = vector.shape_cast %dot_general3A_25 : vector<79x128xf32> to vector<79x1x128xf32>
    %stack3A_131 = vector.shape_cast %dot_general3A_32 : vector<79x128xf32> to vector<79x1x128xf32>
    %stack3A_132 = vector.shape_cast %dot_general3A_39 : vector<79x128xf32> to vector<79x1x128xf32>
    %stack3A_133 = vector.shape_cast %dot_general3A_46 : vector<79x128xf32> to vector<79x1x128xf32>
    %stack3A_134 = vector.shape_cast %dot_general3A_53 : vector<79x128xf32> to vector<79x1x128xf32>
    %stack3A_135 = vector.shape_cast %dot_general3A_60 : vector<79x128xf32> to vector<79x1x128xf32>
    %stack3A_136 = vector.shape_cast %dot_general3A_67 : vector<79x128xf32> to vector<79x1x128xf32>
    %stack3A_137 = vector.shape_cast %dot_general3A_74 : vector<79x128xf32> to vector<79x1x128xf32>
    %stack3A_138 = vector.shape_cast %dot_general3A_81 : vector<79x128xf32> to vector<79x1x128xf32>
    %stack3A_139 = vector.shape_cast %dot_general3A_88 : vector<79x128xf32> to vector<79x1x128xf32>
    %stack3A_140 = vector.shape_cast %dot_general3A_95 : vector<79x128xf32> to vector<79x1x128xf32>
    %stack3A_141 = vector.shape_cast %dot_general3A_102 : vector<79x128xf32> to vector<79x1x128xf32>
    %stack3A_142 = vector.shape_cast %dot_general3A_109 : vector<79x128xf32> to vector<79x1x128xf32>
    %stack3A_143 = vector.shape_cast %dot_general3A_116 : vector<79x128xf32> to vector<79x1x128xf32>
    %stack3A_144 = vector.shape_cast %dot_general3A_123 : vector<79x128xf32> to vector<79x1x128xf32>
    %stack3A_145 = vector.shape_cast %dot_general3A_130 : vector<79x128xf32> to vector<79x1x128xf32>
    %stack3A_146 = tpu.concatenate %stack3A, %stack3A_131, %stack3A_132, %stack3A_133, %stack3A_134, %stack3A_135, %stack3A_136, %stack3A_137, %stack3A_138, %stack3A_139, %stack3A_140, %stack3A_141, %stack3A_142, %stack3A_143, %stack3A_144, %stack3A_145 in 1 : vector<79x1x128xf32>, vector<79x1x128xf32>, vector<79x1x128xf32>, vector<79x1x128xf32>, vector<79x1x128xf32>, vector<79x1x128xf32>, vector<79x1x128xf32>, vector<79x1x128xf32>, vector<79x1x128xf32>, vector<79x1x128xf32>, vector<79x1x128xf32>, vector<79x1x128xf32>, vector<79x1x128xf32>, vector<79x1x128xf32>, vector<79x1x128xf32>, vector<79x1x128xf32> -> vector<79x16x128xf32>
    %reshape3A = vector.shape_cast %stack3A_146 : vector<79x16x128xf32> to vector<1264x128xf32>
    %slice3A = vector.extract_strided_slice %reshape3A {offsets = [0, 0], sizes = [1250, 128], strides = [1, 1]} : vector<1264x128xf32> to vector<1250x128xf32>
    %add3A_147 = arith.constant 1.000000e+00 : f32
    %add3A_148 = vector.broadcast %add3A_147 : f32 to vector<1250x128xf32>
    %add3A_149 = arith.addf %slice3A, %add3A_148 : vector<1250x128xf32>
    %div3A = arith.divf %add3A, %add3A_149 : vector<1250x128xf32>
    %get3A_150 = arith.constant 0 : index
    %get3A_151 = arith.constant 0 : index
    %get3A_152 = vector.load %arg3[%get3A_150, %get3A_151] : memref<1x128xf32, #tpu.memory_space<vmem>>, vector<1x128xf32>
    %add3A_153 = vector.broadcast %get3A_152 : vector<1x128xf32> to vector<1250x128xf32>
    %add3A_154 = arith.addf %div3A, %add3A_153 : vector<1250x128xf32>
    %max3A = arith.constant 0.000000e+00 : f32
    %max3A_155 = vector.broadcast %max3A : f32 to vector<1250x128xf32>
    %max3A_156 = arith.maximumf %add3A_154, %max3A_155 : vector<1250x128xf32>
    %get3A_157 = arith.constant 0 : index
    %get3A_158 = arith.constant 0 : index
    %get3A_159 = vector.load %arg4[%get3A_157, %get3A_158] : memref<128x64xf32, #tpu.memory_space<vmem>>, vector<128x64xf32>
    %dot_general3A_160 = arith.constant dense<0.000000e+00> : vector<1250x64xf32>
    %dot_general3A_161 = tpu.matmul %max3A_156, %get3A_159, %dot_general3A_160 {dimension_numbers = #tpu.dot_dimension_numbers<[1], [0], [0], [1], [0, 0, 1, 1], [], []>, transpose_lhs_hint = false} : vector<1250x128xf32>, vector<128x64xf32>, vector<1250x64xf32> -> vector<1250x64xf32>
    %get3A_162 = arith.constant 0 : index
    %get3A_163 = arith.constant 0 : index
    %get3A_164 = vector.load %arg5[%get3A_162, %get3A_163] : memref<1x64xf32, #tpu.memory_space<vmem>>, vector<1x64xf32>
    %add3A_165 = vector.broadcast %get3A_164 : vector<1x64xf32> to vector<1250x64xf32>
    %add3A_166 = arith.addf %dot_general3A_161, %add3A_165 : vector<1250x64xf32>
    %max3A_167 = arith.constant 0.000000e+00 : f32
    %max3A_168 = vector.broadcast %max3A_167 : f32 to vector<1250x64xf32>
    %max3A_169 = arith.maximumf %add3A_166, %max3A_168 : vector<1250x64xf32>
    %get3A_170 = arith.constant 0 : index
    %get3A_171 = arith.constant 0 : index
    %get3A_172 = vector.load %arg6[%get3A_170, %get3A_171] : memref<64x8xf32, #tpu.memory_space<vmem>>, vector<64x8xf32>
    %dot_general3A_173 = arith.constant dense<0.000000e+00> : vector<1250x8xf32>
    %dot_general3A_174 = tpu.matmul %max3A_169, %get3A_172, %dot_general3A_173 {dimension_numbers = #tpu.dot_dimension_numbers<[1], [0], [0], [1], [0, 0, 1, 1], [], []>, transpose_lhs_hint = false} : vector<1250x64xf32>, vector<64x8xf32>, vector<1250x8xf32> -> vector<1250x8xf32>
    %get3A_175 = arith.constant 0 : index
    %get3A_176 = arith.constant 0 : index
    %get3A_177 = vector.load %arg7[%get3A_175, %get3A_176] : memref<1x1xf32, #tpu.memory_space<vmem>>, vector<1x1xf32>
    %add3A_178 = vector.broadcast %get3A_177 : vector<1x1xf32> to vector<1250x8xf32>
    %add3A_179 = arith.addf %dot_general3A_174, %add3A_178 : vector<1250x8xf32>
    %logistic3A = arith.negf %add3A_179 : vector<1250x8xf32>
    %logistic3A_180 = math.exp %logistic3A : vector<1250x8xf32>
    %logistic3A_181 = arith.constant 1.000000e+00 : f32
    %logistic3A_182 = vector.broadcast %logistic3A_181 : f32 to vector<1250x8xf32>
    %logistic3A_183 = arith.addf %logistic3A_182, %logistic3A_180 : vector<1250x8xf32>
    %logistic3A_184 = arith.divf %logistic3A_182, %logistic3A_183 : vector<1250x8xf32>
    %swap3A = arith.constant 0 : index
    %swap3A_185 = arith.constant 0 : index
    %swap3A_186 = vector.load %arg8[%swap3A, %swap3A_185] : memref<1250x8xf32, #tpu.memory_space<vmem>>, vector<1250x8xf32>
    tpu.vector_store %arg8[%swap3A, %swap3A_185], %logistic3A_184 {strides = array<i32>} : memref<1250x8xf32, #tpu.memory_space<vmem>>, vector<1250x8xf32>,
    return
  }
}

</mosaic_0001>

<sc_bundles>
// kernel: kernel.5.cloned.1.call-start
scs
__scs_entry_jumppad:
0x0: {  	(pc) =	sbr.rel $0x88, $3  }
0x1: {  	(tag) =	ssettag $0x0;
	lr =	simm.s32 $0x1  }
0x2: {  	[smem:$0x3F99] =	sst lr;
	_ =	strace $0xD0000000  }
0x3: {  	_ = 	snop  }
0x4: {  	_ = 	snop  }
0x5: {  	_ = 	snop  }
0x6: {  	_ = 	snop  }
0x7: {  	_ = 	snop  }
__scs_overlays_trampoline_lowered:
0x8: {  	[smem:$0x3FA8] =	sst s0  }
0x9: {  	[smem:$0x3FA9] =	sst s1  }
0xa: {  	[smem:$0x3FAA] =	sst s2  }
0xb: {  	[smem:$0x3FAB] =	sst s3  }
0xc: {  	[smem:$0x3FAC] =	sst s4  }
0xd: {  	[smem:$0x3FAD] =	sst s5  }
0xe: {  	[smem:$0x3FAE] =	sst s6  }
0xf: {  	[smem:$0x3FAF] =	sst s7  }
0x10: {  	[smem:$0x3FB0] =	sst s8  }
0x11: {  	[smem:$0x3FB1] =	sst s9;
	s0 =	simm.s32 @!p0 $0x0  }
0x12: {  	s1 =	sld [smem:$0x3F97];
	s0 =	simm.s32 @p0 $0x1  }
0x13: {  	[smem:$0x3FB2] =	sst s0;
	s0 =	simm.s32 @!p1 $0x0  }
0x14: {  	s2 =	sld [smem:$0x3F96];
	s0 =	simm.s32 @p1 $0x1  }
0x15: {  	[smem:$0x3FB3] =	sst s0;
	s0 =	simm.s32 @!p2 $0x0  }
0x16: {  	s3 =	sld [smem:$0x3FDB];
	s0 =	simm.s32 @p2 $0x1  }
0x17: {  	s4 =	simm.s32 $0x1BF5;
	[smem:$0x3FB5] =	sst s0  }
0x18: {  	s0 =	sld [smem:$0x3F98];
	_ =	swait.ge [sflag:s4], $0x0  }
0x19: {  	s7 =	sld [smem:$0x3F99]  }
0x1a: {  	s8 =	sadd.s32 $0xFFFFE003, lr  }
0x1b: {  	s9 =	sadd.s32 $0xFFFFFEF7, lr;
	s5 =	simm.s32 $0xFFFFFFFF;
	p2 =	slt.u32 s8, $0xFFFFF086  }
0x1c: {  	p1 =	slt.u32 s9, $0xF7A;
	s5 =	simm.s32 @!p2 $0x0  }
0x1d: {  	s5 =	simm.s32 @p1 $0x1;
	p0 =	seq.s32 s7, s2  }
0x1e: {  	s7 =	smul.u32 @!p0 $0xF7A, s2;
	p2 =	seq.s32 @!p0 s5, $0x0  }
0x1f: {  	s9 =	smul.u32 $0xF7A, s1;
	s8 =	simm.s32 @!p0 $0x1BF5;
	p2 =	por !p2, p0  }
0x20: {  	[sflag:s8] =	ssyncset.s32 @!p0 $0xFFFFF086;
	s6 =	sadd.s32 @!p0 s3, s7;
	s7 =	simm.s32 @!p0 $0x108  }
0x21: {  	s3 =	sadd.s32 s3, s9;
	s6 =	sadd.s32 @!p0 $0x88, s6;
	s7 =	simm.s32 @p2 $0x1082  }
0x22: {  	[simem:s7], [sflag:s8] =	dma.local @!p0 [hbm:s6], $0xF7A  }
0x23: {  	s9 =	sor.u32 $0xD0000000, s2;
	s6 =	simm.s32 $0x108;
	_ =	swait.ge @!p0 [sflag:s8], $0x0  }
0x24: {  	s3 =	sadd.s32 $0x88, s3;
	s6 =	simm.s32 @!p1 $0x1082;
	[sflag:s4] =	ssyncset.s32 $0xFFFFF086  }
0x25: {  	[simem:s6], [sflag:s4] =	dma.local [hbm:s3], $0xF7A  }
0x26: {  	[smem:$0x3F99] =	sst s1;
	(tag) =	ssettag s2;
	_ =	strace s9  }
0x27: {  	s1 =	sld [smem:$0x3FA9]  }
0x28: {  	s2 =	sld [smem:$0x3FAA]  }
0x29: {  	s4 =	sld [smem:$0x3FAC]  }
0x2a: {  	p0 =	seq.s32 s5, $0x0;
	s5 =	sld [smem:$0x3FAD]  }
0x2b: {  	s6 =	sld [smem:$0x3FAE]  }
0x2c: {  	s7 =	sld [smem:$0x3FAF]  }
0x2d: {  	s3 =	simm.s32 $0x108;
	s8 =	sld [smem:$0x3FB0]  }
0x2e: {  	s3 =	simm.s32 @!p0 $0x1082;
	s9 =	sld [smem:$0x3FB1]  }
0x2f: {  	lr =	sadd.s32 s0, s3;
	s0 =	sld [smem:$0x3FA8]  }
0x30: {  	s3 =	sld [smem:$0x3FAB]  }
0x31: {  	[smem:$0x3FB4] =	sst s10  }
0x32: {  	s10 =	sld [smem:$0x3FB2];
	_ =	sdelay $0x3  }
0x33: {  	p0 =	seq.s32 s10, $0x1;
	s10 =	sld [smem:$0x3FB4];
	_ =	sdelay $0x3  }
0x34: {  	[smem:$0x3FB4] =	sst s10  }
0x35: {  	s10 =	sld [smem:$0x3FB3];
	_ =	sdelay $0x3  }
0x36: {  	p1 =	seq.s32 s10, $0x1;
	s10 =	sld [smem:$0x3FB4];
	_ =	sdelay $0x3  }
0x37: {  	[smem:$0x3FB4] =	sst s10  }
0x38: {  	s10 =	sld [smem:$0x3FB5]  }
0x39: {  	_ = 	snop;
	(pc) =	sbr.ind lr, $3  }
0x3a: {  	_ = 	snop  }
0x3b: {  	_ = 	snop  }
0x3c: {  	p2 =	seq.s32 s10, $0x1;
	s10 =	sld [smem:$0x3FB4]  }
0x3d: {  	_ =	shalt  }
0x3e: {  	_ =	shalt  }
0x3f: {  	_ =	shalt  }
0x40: {  	_ =	shalt  }
0x41: {  	_ =	shalt  }
0x42: {  	_ =	shalt  }
0x43: {  	_ =	shalt  }
0x44: {  	_ =	shalt  }
0x45: {  	_ =	shalt  }
0x46: {  	_ =	shalt  }
0x47: {  	_ =	shalt  }
0x48: {  	_ =	shalt  }
0x49: {  	_ =	shalt  }
0x4a: {  	_ =	shalt  }
0x4b: {  	_ =	shalt  }
0x4c: {  	_ =	shalt  }
0x4d: {  	_ =	shalt  }
0x4e: {  	_ =	shalt  }
0x4f: {  	_ =	shalt  }
0x50: {  	_ =	shalt  }
0x51: {  	_ =	shalt  }
0x52: {  	_ =	shalt  }
0x53: {  	_ =	shalt  }
0x54: {  	_ =	shalt  }
0x55: {  	_ =	shalt  }
0x56: {  	_ =	shalt  }
0x57: {  	_ =	shalt  }
0x58: {  	_ =	shalt  }
0x59: {  	_ =	shalt  }
0x5a: {  	_ =	shalt  }
0x5b: {  	_ =	shalt  }
0x5c: {  	_ =	shalt  }
0x5d: {  	_ =	shalt  }
0x5e: {  	_ =	shalt  }
0x5f: {  	_ =	shalt  }
0x60: {  	_ =	shalt  }
0x61: {  	_ =	shalt  }
0x62: {  	_ =	shalt  }
0x63: {  	_ =	shalt  }
0x64: {  	_ =	shalt  }
0x65: {  	_ =	shalt  }
0x66: {  	_ =	shalt  }
0x67: {  	_ =	shalt  }
0x68: {  	_ =	shalt  }
0x69: {  	_ =	shalt  }
0x6a: {  	_ =	shalt  }
0x6b: {  	_ =	shalt  }
0x6c: {  	_ =	shalt  }
0x6d: {  	_ =	shalt  }
0x6e: {  	_ =	shalt  }
0x6f: {  	_ =	shalt  }
0x70: {  	_ =	shalt  }
0x71: {  	_ =	shalt  }
0x72: {  	_ =	shalt  }
0x73: {  	_ =	shalt  }
0x74: {  	_ =	shalt  }
0x75: {  	_ =	shalt  }
0x76: {  	_ =	shalt  }
0x77: {  	_ =	shalt  }
0x78: {  	_ =	shalt  }
0x79: {  	_ =	shalt  }
0x7a: {  	_ =	shalt  }
0x7b: {  	_ =	shalt  }
0x7c: {  	_ =	shalt  }
0x7d: {  	_ =	shalt  }
0x7e: {  	_ =	shalt  }
0x7f: {  	_ =	shalt  }
0x80: {  	_ =	shalt  }
0x81: {  	_ =	shalt  }
0x82: {  	_ =	shalt  }
0x83: {  	_ =	shalt  }
0x84: {  	_ =	shalt  }
0x85: {  	_ =	shalt  }
0x86: {  	_ =	shalt  }
0x87: {  	_ =	shalt  }
.Lfunc_end0:
.L_simem_size_0:
called_computation_lowered:
.L_overlay_start_0:
0x88: {  	s2 =	sld [smem:$0x3FD9]  }
0x89: {  	s3 =	sld [smem:$0x3FFE];
	_ =	sdelay $0x1  }
0x8a: {  	s1 =	srdreg.scid  }
0x8b: {  	s0 =	sand.u32 $0x1, s1  }
0x8c: {  	s17 =	sshll.u32 s0, $0xA;
	s2 =	sadd.s32 s3, s2  }
0x8d: {  	s2 =	sadd.s32 s2, s17  }
0x8e: {  	[smem:$0x3FC0] =	sst s2  }
0x8f: {  	_ = 	snop  }
0x90: {  	s2 =	sld [smem:$0x3FD0];
	(tm) =	ssettm $0x1  }
0x91: {  	s18 =	sld [smem:$0x3FFB];
	_ =	sdelay $0x3  }
0x92: {  	_ =	strace s18  }
0x93: {  	s3 =	sld [smem:$0x3FFC];
	_ =	sdelay $0x3  }
0x94: {  	_ =	strace s3  }
0x95: {  	s3 =	sld [smem:$0x3FFD];
	_ =	sdelay $0x3  }
0x96: {  	_ =	strace s3  }
0x97: {  	_ =	strace $0x8FFFFFFF  }
0x98: {  	s19 =	sld [smem:$0x3FDB];
	_ =	sdelay $0x1  }
0x99: {  	s4 =	simm.s32 $_scs_section_size  }
0x9a: {  	s5 =	simm.s32 $_size__tile_overlayer_lowered;
	s6 =	simm.s32 $_tile_overlayer_lowered  }
0x9b: {  	s22 =	simm.s32 $0x1BFF;
	s21 =	sshll.u32 s6, $0x1;
	s3 =	sadd.s32 s4, s19  }
0x9c: {  	s7 =	simm.s32 $0x0;
	s20 =	sshll.u32 s5, $0x1;
	s5 =	sadd.s32 s21, s3  }
0x9d: {  	[timem:s7], [sflag:s22] =	dma.local [hbm:s5], s20  }
0x9e: {  	_ =	swait.ge [sflag:s22], s20  }
0x9f: {  	s4 =	ssub.s32 $0x0, s20;
	[sflag:s22] =	ssyncset.done $0x0  }
0xa0: {  	[sflag:s22] =	ssyncadd.s32 s4;
	_ =	sdelay $0x1  }
0xa1: {  	s23 =	simm.s32 $0x1B8B  }
0xa2: {  	_ =	swait.ge [sflag:s23], $0x1  }
0xa3: {  	[sflag:s23] =	ssyncset.done $0x0  }
0xa4: {  	s25 =	simm.s32 $0x1B8E;
	s24 =	sld [smem:$0x3FFE];
	[sflag:s23] =	ssyncadd.s32 $0xFFFFFFFF  }
0xa5: {  	s26 =	simm.s32 $execute0_lowered;
	[smem:$0x3FD2] =	sst s25  }
0xa6: {  	s5 =	sshll.u32 s26, $0x1;
	_ =	strace $0x80000046;
	[dreg:$0x1] =	wrdreg $0xFFFFFFFF  }
0xa7: {  	s28 =	simm.s32 $_size_execute0_lowered;
	s3 =	sadd.s32 s3, s5;
	[dreg:$0x0] =	wrdreg $0x0  }
0xa8: {  	s5 =	sshll.u32 s28, $0x1;
	[dreg:$0x2] =	wrdreg s3  }
0xa9: {  	[dreg:$0x3] =	wrdreg s5  }
0xaa: {  	[dreg:$0x4] =	wrdreg $0xC0  }
0xab: {  	_ =	task [dreg:s7], $0x5FFFF  }
0xac: {  	[dreg:$0x1] =	wrdreg $0xFFFFFFFF  }
0xad: {  	[dreg:$0x0] =	wrdreg $0x60  }
0xae: {  	[dreg:$0x2] =	wrdreg s24  }
0xaf: {  	[dreg:$0x3] =	wrdreg s2  }
0xb0: {  	[dreg:$0x4] =	wrdreg $0x152000  }
0xb1: {  	[dreg:$0x5] =	wrdreg $0x179800  }
0xb2: {  	[dreg:$0x6] =	wrdreg $0x9  }
0xb3: {  	_ =	task.clear_ibuf [dreg:s7], $0x7FFFF;
	_ =	strace $0x90000046  }
0xb4: {  	s29 =	simm.s32 $0x9;
	_ =	strace $0x80000048  }
0xb5: {  	_ =	swait.ge [sflag:s29], $0x1  }
0xb6: {  	[sflag:s29] =	ssyncadd.s32 $0xFFFFFFFF  }
0xb7: {  	_ =	strace $0x90000048  }
0xb8: {  	_ =	sfence  }
0xb9: {  	s30 =	sld [smem:$0x0];
	_ =	sdelay $0x2  }
0xba: {  	s31 =	sshll.u32 s1, $0xD;
	s1 =	sshrl.u32 s1, $0x2  }
0xbb: {  	s3 =	sand.u32 $0x4000, s31;
	s1 =	sadd.s32 s1, s30  }
0xbc: {  	s0 =	sor.u32 s3, s0;
	s1 =	sshll.u32 s1, $0x11  }
0xbd: {  	s0 =	sor.u32 s1, s0  }
0xbe: {  	s0 =	sadd.s32 $0x8F2B, s0  }
0xbf: {  	[sflag:s0] =	ssyncadd.remote.s32 $0x1  }
0xc0: {  	_ =	sfence.sel $0xFFFF  }
0xc1: {  	[dreg:$0x0] =	wrdreg $0xFFFFFFFF;
	(pc) =	sbr.abs _section_cstart, $3  }
0xc2: {  	[dreg:$0x1] =	wrdreg $0xFFFFFFFF  }
0xc3: {  	_ =	task.clear_ibuf [dreg:s7], $0x2FFFF;
	_ =	strace $0x9FFFFFFF  }
0xc4: {  	(tm) =	ssettm $0x7FFFFFFF  }
0xc5: {  	_ =	shalt  }
tec
execute0_lowered:
.L_overlay_start_1:
0x0: {  	(tag) =	ssettag $0x1  }
0x1: {  	s6 =	rddreg [dreg:$0x0]  }
0x2: {  	s7 =	rddreg [dreg:$0x1]  }
0x3: {  	s0 =	srdreg.scid;
	s2 =	rddreg [dreg:$0x2]  }
0x4: {  	s16 =	stileid.u32;
	s3 =	rddreg [dreg:$0x3];
	s5 =	simm.s32 $0x0  }
0x5: {  	s17 =	simm.s32 $0xE00;
	s18 =	simm.s32 $0x1000;
	s19 =	simm.s32 $0x1200  }
0x6: {  	s29 =	simm.s32 $0x15000;
	s0 =	sand.u32 $0x1, s0;
	[smem:$0x7FF] =	sst s5  }
0x7: {  	s20 =	smul.u32 $0x2780, s16;
	s5 =	sadd.s32 $0x14800, s6;
	s15 =	sadd.s32 $0x19800, s6  }
0x8: {  	s21 =	smul.u32 $0x278, s16;
	_ =	strace $0x80000047;
	[smem:$0x7F5] =	sst s15  }
0x9: {  	p0 =	sne.s32 s16, $0xF;
	p2 =	seq.s32 s16, $0xF;
	[dreg:$0x19] =	wrdreg s17  }
0xa: {  	s1 =	sshll.u32 s0, $0x4;
	s9 =	smul.u32 $0x27800, s0;
	[dreg:$0x1a] =	wrdreg s18  }
0xb: {  	s13 =	smul.u32 $0x2780, s0;
	p1 =	seq.s32 s0, $0x0;
	[dreg:$0x1b] =	wrdreg s19  }
0xc: {  	s19 =	simm.s32 $0x1;
	s1 =	sor.u32 s16, s1;
	s12 =	sshrl.u32 s21, $0x3  }
0xd: {  	p0 =	por !p1, !p0;
	s14 =	sshrl.u32 s20, $0x3;
	s4 =	smul.u32 $0x2710, s1  }
0xe: {  	p1 =	por !p1, !p2;
	s8 =	smul.u32 $0x1E, s1;
	s9 =	sadd.s32 s20, s9  }
0xf: {  	s12 =	sadd.s32 s12, s6;
	s13 =	sadd.s32 s21, s13;
	p0 =	por !p0, !p0  }
0x10: {  	s15 =	sadd.s32 s15, s14;
	s22 =	sadd.s32 s5, s14;
	p2 =	por !p1, !p1  }
0x11: {  	s1 =	sadd.s32 s20, s2;
	s14 =	simm.s32 $0xA00;
	[dreg:$0x5] =	wrdreg s15  }
0x12: {  	s20 =	simm.s32 $0x1400;
	s9 =	sshrl.u32 s9, $0x3;
	[dreg:$0x7] =	wrdreg s22  }
0x13: {  	s13 =	sshrl.u32 s13, $0x3;
	s23 =	sadd.s32 $0x1E800, s12;
	[smem:$0x7F6] =	sst s1  }
0x14: {  	s12 =	sadd.s32 $0x25080, s2;
	p1 =	por p2, p0;
	[dreg:$0x17] =	wrdreg s14  }
0x15: {  	[dreg:$0x1c] =	wrdreg s20;
	s22 =	simm.s32 $0x1800;
	s14 =	simm.s32 $0xE  }
0x16: {  	s10 =	sshrl.u32 s4, $0x3;
	s11 =	sadd.s32 s8, s6;
	[dreg:$0x8] =	wrdreg s23  }
0x17: {  	s9 =	sadd.s32 s9, s6;
	s26 =	sadd.s32 s7, s8;
	[dreg:$0x1e] =	wrdreg s22  }
0x18: {  	s13 =	sadd.s32 s13, s6;
	s8 =	simm.s32 $0x2710;
	[dreg:$0xb] =	wrdreg s26  }
0x19: {  	s4 =	sadd.s32 s21, s3;
	s21 =	simm.s32 $0x1600;
	[dreg:$0x12] =	wrdreg s8  }
0x1a: {  	p1 =	seq.s32 @!p1 s0, $0x0;
	s23 =	simm.s32 $0x1A00;
	[dreg:$0x1d] =	wrdreg s21  }
0x1b: {  	s10 =	sadd.s32 s10, s6;
	s6 =	sadd.s32 $0x19210, s6;
	[dreg:$0x1f] =	wrdreg s23  }
0x1c: {  	s0 =	ssub.s32 $0x2, s0;
	s28 =	sadd.s32 $0xA00, s11;
	[dreg:$0x6] =	wrdreg s6  }
0x1d: {  	s22 =	simm.s32 $0x2;
	s30 =	sadd.s32 $0x1F800, s9;
	[dreg:$0xc] =	wrdreg s28  }
0x1e: {  	p1 =	por @!p0 p1, p2;
	s31 =	sadd.s32 $0x1EE00, s13;
	[dreg:$0xd] =	wrdreg s30  }
0x1f: {  	p2 =	por !p2, p0;
	s11 =	simm.s32 $0x400;
	[dreg:$0xe] =	wrdreg s31  }
0x20: {  	s9 =	sshrl.u32 s0, $0x1;
	s13 =	simm.s32 $0x800;
	[dreg:$0x14] =	wrdreg s11  }
0x21: {  	s15 =	sshrl.u32 s4, $0x3;
	s26 =	simm.s32 $0x2000;
	[dreg:$0x16] =	wrdreg s13  }
0x22: {  	s21 =	simm.s32 $0x7;
	s23 =	simm.s32 $0xA;
	[smem:$0x7F7] =	sst s15  }
0x23: {  	s8 =	simm.s32 $0xC;
	s24 =	sadd.s32 $0xE00, s10;
	[smem:$0x7FA] =	sst s26  }
0x24: {  	s25 =	sadd.s32 $0xAA40, s10;
	p1 =	por p1, p0;
	[dreg:$0x9] =	wrdreg s24  }
0x25: {  	s10 =	simm.s32 $0x4F10;
	s0 =	ssub.s32 s0, s9;
	[dreg:$0xa] =	wrdreg s25  }
0x26: {  	s28 =	simm.s32 $0x2200;
	s30 =	simm.s32 $0x2400;
	[dreg:$0x13] =	wrdreg s10  }
0x27: {  	s31 =	simm.s32 $0x2600;
	s11 =	simm.s32 $0x5;
	[smem:$0x7FB] =	sst s28  }
0x28: {  	s26 =	simm.s32 $0x9;
	s15 =	simm.s32 $0xD;
	[smem:$0x7FC] =	sst s30  }
0x29: {  	s7 =	sshll.u32 @!p1 s16, $0x6;
	s16 =	simm.s32 $0xC00;
	[smem:$0x7FD] =	sst s31  }
0x2a: {  	s10 =	simm.s32 $0x12;
	s24 =	simm.s32 $0x1C00;
	[dreg:$0x18] =	wrdreg s16  }
0x2b: {  	s25 =	simm.s32 $0x1E00;
	s6 =	sor.u32 @!p1 $0x1C12, s7;
	[smem:$0x7F8] =	sst s24  }
0x2c: {  	s7 =	sadd.s32 $0x27100, s2;
	s2 =	smax.u32 s0, $0x1;
	[smem:$0x7F9] =	sst s25  }
0x2d: {  	s24 =	simm.s32 $0x11;
	[dreg:$0xf] =	wrdreg s6;
	s6 =	sshrl.u32 @!p2 s12, $0x3  }
0x2e: {  	s25 =	simm.s32 $0x3;
	s12 =	simm.s32 $0x600;
	[dreg:$0x10] =	wrdreg s6  }
0x2f: {  	s16 =	simm.s32 $0x8;
	s6 =	sshrl.u32 @!p2 s7, $0x3;
	[dreg:$0x15] =	wrdreg s12  }
0x30: {  	v0 =	vimm.f32 $1.000000000e+00;
	s12 =	simm.s32 $0x200;
	[dreg:$0x11] =	wrdreg s6;
	s6 =	simm.s32 $0xB  }
.LBB2_1:
0x31: {  	s0 =	sld [smem:$0x7F6]  }
0x32: {  	[smem:$0x7F3] =	sst s2  }
0x33: {  	s28 =	rddreg [dreg:$0x5]  }
0x34: {  	s31 =	rddreg [dreg:$0xf];
	s7 =	sshrl.u32 @!p1 s0, $0x3  }
0x35: {  	[spmem:s7], [sflag:s31] =	dma.local @!p1 [hbm:s28], $0x4F0  }
0x36: {  	s7 =	simm.s32 @!p1 $0x12  }
0x37: {  	_ =	swait.ge @!p1 [sflag:s7], $0x4F0  }
0x38: {  	s28 =	rddreg [dreg:$0x6];
	[sflag:s7] =	ssyncset.done @!p1 $0x0  }
0x39: {  	s31 =	rddreg [dreg:$0x10];
	[sflag:s7] =	ssyncadd.s32 @!p1 $0xFFFFFB10;
	s7 =	simm.s32 @!p2 $0x1FD2  }
0x3a: {  	[spmem:s31], [sflag:s7] =	dma.local @!p2 [hbm:s28], $0x410  }
0x3b: {  	s28 =	simm.s32 @!p2 $0x12  }
0x3c: {  	_ =	swait.ge @!p2 [sflag:s28], $0x410  }
0x3d: {  	s13 =	sld [smem:$0x7F5]  }
0x3e: {  	[sflag:s28] =	ssyncset.done @!p2 $0x0  }
0x3f: {  	s31 =	rddreg [dreg:$0x11];
	[sflag:s28] =	ssyncadd.s32 @!p2 $0xFFFFFBF0  }
0x40: {  	[spmem:s31], [sflag:s7] =	dma.local @!p2 [hbm:s13], $0xE0  }
0x41: {  	s13 =	stileid.u32;
	_ =	swait.ge @!p2 [sflag:s28], $0xE0  }
0x42: {  	s31 =	sshll.u32 @p0 s13, $0x6;
	s7 =	rddreg [dreg:$0x7];
	[sflag:s28] =	ssyncset.done @!p2 $0x0  }
0x43: {  	[sflag:s28] =	ssyncadd.s32 @!p2 $0xFFFFFF20;
	s28 =	sor.u32 @p0 $0x1C12, s31;
	s31 =	sshrl.u32 @p0 s0, $0x3  }
0x44: {  	[spmem:s31], [sflag:s28] =	dma.local @p0 [hbm:s7], $0x4F0  }
0x45: {  	s7 =	simm.s32 @p0 $0x12  }
0x46: {  	_ =	swait.ge @p0 [sflag:s7], $0x4F0  }
0x47: {  	s18 =	sshll.u32 s13, $0x6;
	s1 =	sld [smem:$0x7F7]  }
0x48: {  	s20 =	sor.u32 $0x1C12, s18;
	s17 =	rddreg [dreg:$0x8];
	[sflag:s7] =	ssyncset.done @p0 $0x0  }
0x49: {  	[smem:$0x7F4] =	sst s20;
	[sflag:s7] =	ssyncadd.s32 @p0 $0xFFFFFB10  }
0x4a: {  	[spmem:s1], [sflag:s20] =	dma.local [hbm:s17], $0x4F  }
0x4b: {  	_ =	swait.ge [sflag:s10], $0x4F  }
0x4c: {  	[sflag:s10] =	ssyncset.done $0x0  }
0x4d: {  	[sflag:s10] =	ssyncadd.s32 $0xFFFFFFB1  }
0x4e: {  	[tilespmem:$0x15000] =	vst v0  }
0x4f: {  	[tilespmem:$0x15010] =	vst v0  }
0x50: {  	[tilespmem:$0x15020] =	vst v0  }
0x51: {  	[tilespmem:$0x15030] =	vst v0  }
0x52: {  	[tilespmem:$0x15040] =	vst v0  }
0x53: {  	[tilespmem:$0x15050] =	vst v0  }
0x54: {  	[tilespmem:$0x15060] =	vst v0  }
0x55: {  	[tilespmem:$0x15070] =	vst v0  }
0x56: {  	[tilespmem:$0x15080] =	vst v0  }
0x57: {  	[tilespmem:$0x15090] =	vst v0  }
0x58: {  	[tilespmem:$0x150A0] =	vst v0  }
0x59: {  	[tilespmem:$0x150B0] =	vst v0  }
0x5a: {  	[tilespmem:$0x150C0] =	vst v0  }
0x5b: {  	[tilespmem:$0x150D0] =	vst v0  }
0x5c: {  	[tilespmem:$0x150E0] =	vst v0  }
0x5d: {  	[tilespmem:$0x150F0] =	vst v0  }
0x5e: {  	[tilespmem:$0x15100] =	vst v0  }
0x5f: {  	[tilespmem:$0x15110] =	vst v0  }
0x60: {  	[tilespmem:$0x15120] =	vst v0  }
0x61: {  	[tilespmem:$0x15130] =	vst v0  }
0x62: {  	[tilespmem:$0x15140] =	vst v0  }
0x63: {  	[tilespmem:$0x15150] =	vst v0  }
0x64: {  	[tilespmem:$0x15160] =	vst v0  }
0x65: {  	[tilespmem:$0x15170] =	vst v0  }
0x66: {  	[tilespmem:$0x15180] =	vst v0  }
0x67: {  	[tilespmem:$0x15190] =	vst v0  }
0x68: {  	[tilespmem:$0x151A0] =	vst v0  }
0x69: {  	[tilespmem:$0x151B0] =	vst v0  }
0x6a: {  	[tilespmem:$0x151C0] =	vst v0  }
0x6b: {  	[tilespmem:$0x151D0] =	vst v0  }
0x6c: {  	[tilespmem:$0x151E0] =	vst v0  }
0x6d: {  	[tilespmem:$0x151F0] =	vst v0  }
0x6e: {  	[bflag:$0x0] =	sbarrier.arrive $0xFFFF  }
0x6f: {  	s30 =	simm.s32 $0x0;
	s28 =	rddreg [dreg:$0x9]  }
0x70: {  	[tilespmem:s30], [sflag:$0x12] =	stream.linear.gather [hbm4b:s28+s30], $0x2710, $0x38;
	[tilespmem:$0x17BF8] =	vst v63  }
0x71: {  	_ =	swait.ge [sflag:s10], $0x2710  }
0x72: {  	[sflag:s10] =	ssyncset.done $0x0  }
0x73: {  	s18 =	simm.s32 $0x2800;
	s31 =	rddreg [dreg:$0xa];
	[sflag:s10] =	ssyncadd.s32 $0xFFFFD8F0  }
0x74: {  	[tilespmem:s18], [sflag:$0x12] =	stream.linear.gather [hbm4b:s31+s30], $0x2710, $0x38;
	[tilespmem:$0x17BF8] =	vst v63  }
0x75: {  	_ =	swait.ge [sflag:s10], $0x2710  }
0x76: {  	s0 =	rddreg [dreg:$0xb];
	[sflag:s10] =	ssyncset.done $0x0  }
0x77: {  	s1 =	rddreg [dreg:$0x12];
	[sflag:s10] =	ssyncadd.s32 $0xFFFFD8F0  }
0x78: {  	[tilespmem:s1], [sflag:$0x12] =	stream.linear.gather [hbm4b:s0+s30], $0xF0, $0x38;
	[tilespmem:$0x17BF8] =	vst v63  }
0x79: {  	_ =	swait.ge [sflag:s10], $0xF0  }
0x7a: {  	s2 =	rddreg [dreg:$0xc];
	[sflag:s10] =	ssyncset.done $0x0  }
0x7b: {  	s3 =	rddreg [dreg:$0x13];
	[sflag:s10] =	ssyncadd.s32 $0xFFFFFF10  }
0x7c: {  	[tilespmem:s3], [sflag:$0x12] =	stream.linear.gather [hbm4b:s2+s30], $0xF0, $0x38;
	[tilespmem:$0x17BF8] =	vst v63  }
0x7d: {  	_ =	swait.ge [sflag:s10], $0xF0  }
0x7e: {  	[sflag:s10] =	ssyncset.done $0x0  }
0x7f: {  	s31 =	simm.s32 $0x5000;
	[sflag:s10] =	ssyncadd.s32 $0xFFFFFF10  }
0x80: {  	[tilespmem:s31], [sflag:$0x1] =	stream.indirect.gather [hbm4b:s5+s12], $0x10, s30, s12, $0xb8;
	[tilespmem:$0x17BF8] =	vst v63  }
0x81: {  	s13 =	simm.s32 $0x7000  }
0x82: {  	[tilespmem:s13], [sflag:$0x2] =	stream.indirect.gather [hbm4b:s5+s12], $0x10, s12, s12, $0xb8;
	[tilespmem:$0x17BF8] =	vst v63  }
0x83: {  	s28 =	simm.s32 $0x9000;
	s4 =	rddreg [dreg:$0x14]  }
0x84: {  	[tilespmem:s28], [sflag:$0x3] =	stream.indirect.gather [hbm4b:s5+s12], $0x10, s4, s12, $0xb8;
	[tilespmem:$0x17BF8] =	vst v63  }
0x85: {  	_ =	swait.ge [sflag:s19], $0x2000  }
0x86: {  	[sflag:s19] =	ssyncset.done $0x0  }
0x87: {  	[sflag:s19] =	ssyncadd.s32 $0xFFFFE000  }
0x88: {  	s3 =	rddreg [dreg:$0x2]  }
0x89: {  	[spmem:s3] =	stream.indirect.scatter.add.f32 [tilespmem:s31], [sflag:$0x9], $0x10, s18, s12, $0xb8;
	[tilespmem:$0x17BF8] =	vst v63  }
0x8a: {  	s17 =	rddreg [dreg:$0x3]  }
0x8b: {  	[spmem:s17] =	stream.indirect.scatter.add.f32 [tilespmem:s29], [sflag:$0x11], $0x1, s18, s12, $0xb8;
	[tilespmem:$0x17BF8] =	vst v63  }
0x8c: {  	s9 =	rddreg [dreg:$0x15];
	s18 =	simm.s32 $0xB000  }
0x8d: {  	[tilespmem:s18], [sflag:$0x4] =	stream.indirect.gather [hbm4b:s5+s12], $0x10, s9, s12, $0xb8;
	[tilespmem:$0x17BF8] =	vst v63  }
0x8e: {  	_ =	swait.ge [sflag:s22], $0x2000  }
0x8f: {  	[sflag:s22] =	ssyncset.done $0x0  }
0x90: {  	s20 =	simm.s32 $0x2A00;
	[sflag:s22] =	ssyncadd.s32 $0xFFFFE000  }
0x91: {  	[spmem:s3] =	stream.indirect.scatter.add.f32 [tilespmem:s13], [sflag:$0xA], $0x10, s20, s12, $0xb8;
	[tilespmem:$0x17BF8] =	vst v63  }
0x92: {  	_ = 	snop  }
0x93: {  	[spmem:s17] =	stream.indirect.scatter.add.f32 [tilespmem:s29], [sflag:$0x11], $0x1, s20, s12, $0xb8;
	[tilespmem:$0x17BF8] =	vst v63  }
0x94: {  	s1 =	simm.s32 $0xD000;
	s30 =	rddreg [dreg:$0x16]  }
0x95: {  	[tilespmem:s1], [sflag:$0x5] =	stream.indirect.gather [hbm4b:s5+s12], $0x10, s30, s12, $0xb8;
	[tilespmem:$0x17BF8] =	vst v63  }
0x96: {  	_ =	swait.ge [sflag:s25], $0x2000  }
0x97: {  	[sflag:s25] =	ssyncset.done $0x0  }
0x98: {  	s20 =	simm.s32 $0x2C00;
	[sflag:s25] =	ssyncadd.s32 $0xFFFFE000  }
0x99: {  	[spmem:s3] =	stream.indirect.scatter.add.f32 [tilespmem:s28], [sflag:$0xB], $0x10, s20, s12, $0xb8;
	[tilespmem:$0x17BF8] =	vst v63  }
0x9a: {  	_ = 	snop  }
0x9b: {  	[spmem:s17] =	stream.indirect.scatter.add.f32 [tilespmem:s29], [sflag:$0x11], $0x1, s20, s12, $0xb8;
	[tilespmem:$0x17BF8] =	vst v63  }
0x9c: {  	s0 =	rddreg [dreg:$0x17];
	s20 =	simm.s32 $0xF000  }
0x9d: {  	[tilespmem:s20], [sflag:$0x6] =	stream.indirect.gather [hbm4b:s5+s12], $0x10, s0, s12, $0xb8;
	[tilespmem:$0x17BF8] =	vst v63  }
0x9e: {  	s0 =	simm.s32 $0x4  }
0x9f: {  	_ =	swait.ge [sflag:s0], $0x2000  }
0xa0: {  	[sflag:s0] =	ssyncset.done $0x0  }
0xa1: {  	s30 =	simm.s32 $0x2E00;
	[sflag:s0] =	ssyncadd.s32 $0xFFFFE000  }
0xa2: {  	[spmem:s3] =	stream.indirect.scatter.add.f32 [tilespmem:s18], [sflag:$0xC], $0x10, s30, s12, $0xb8;
	[tilespmem:$0x17BF8] =	vst v63  }
0xa3: {  	_ = 	snop  }
0xa4: {  	[spmem:s17] =	stream.indirect.scatter.add.f32 [tilespmem:s29], [sflag:$0x11], $0x1, s30, s12, $0xb8;
	[tilespmem:$0x17BF8] =	vst v63  }
0xa5: {  	s2 =	rddreg [dreg:$0x18];
	s30 =	simm.s32 $0x11000  }
0xa6: {  	[tilespmem:s30], [sflag:$0x7] =	stream.indirect.gather [hbm4b:s5+s12], $0x10, s2, s12, $0xb8;
	[tilespmem:$0x17BF8] =	vst v63  }
0xa7: {  	_ =	swait.ge [sflag:s11], $0x2000  }
0xa8: {  	[sflag:s11] =	ssyncset.done $0x0  }
0xa9: {  	s9 =	simm.s32 $0x3000;
	[sflag:s11] =	ssyncadd.s32 $0xFFFFE000  }
0xaa: {  	[spmem:s3] =	stream.indirect.scatter.add.f32 [tilespmem:s1], [sflag:$0xD], $0x10, s9, s12, $0xb8;
	[tilespmem:$0x17BF8] =	vst v63  }
0xab: {  	_ = 	snop  }
0xac: {  	[spmem:s17] =	stream.indirect.scatter.add.f32 [tilespmem:s29], [sflag:$0x11], $0x1, s9, s12, $0xb8;
	[tilespmem:$0x17BF8] =	vst v63  }
0xad: {  	s4 =	rddreg [dreg:$0x19];
	s9 =	simm.s32 $0x13000  }
0xae: {  	[tilespmem:s9], [sflag:$0x8] =	stream.indirect.gather [hbm4b:s5+s12], $0x10, s4, s12, $0xb8;
	[tilespmem:$0x17BF8] =	vst v63  }
0xaf: {  	s4 =	simm.s32 $0x6  }
0xb0: {  	_ =	swait.ge [sflag:s4], $0x2000  }
0xb1: {  	[sflag:s4] =	ssyncset.done $0x0  }
0xb2: {  	s2 =	simm.s32 $0x3200;
	[sflag:s4] =	ssyncadd.s32 $0xFFFFE000  }
0xb3: {  	[spmem:s3] =	stream.indirect.scatter.add.f32 [tilespmem:s20], [sflag:$0xE], $0x10, s2, s12, $0xb8;
	[tilespmem:$0x17BF8] =	vst v63  }
0xb4: {  	_ = 	snop  }
0xb5: {  	[spmem:s17] =	stream.indirect.scatter.add.f32 [tilespmem:s29], [sflag:$0x11], $0x1, s2, s12, $0xb8;
	[tilespmem:$0x17BF8] =	vst v63  }
0xb6: {  	_ =	swait.ge [sflag:s26], $0x2000  }
0xb7: {  	[sflag:s26] =	ssyncset.done $0x0  }
0xb8: {  	s2 =	rddreg [dreg:$0x1a];
	[sflag:s26] =	ssyncadd.s32 $0xFFFFE000  }
0xb9: {  	[tilespmem:s31], [sflag:$0x1] =	stream.indirect.gather [hbm4b:s5+s12], $0x10, s2, s12, $0xb8;
	[tilespmem:$0x17BF8] =	vst v63  }
0xba: {  	_ =	swait.ge [sflag:s21], $0x2000  }
0xbb: {  	[sflag:s21] =	ssyncset.done $0x0  }
0xbc: {  	s2 =	simm.s32 $0x3400;
	[sflag:s21] =	ssyncadd.s32 $0xFFFFE000  }
0xbd: {  	[spmem:s3] =	stream.indirect.scatter.add.f32 [tilespmem:s30], [sflag:$0xF], $0x10, s2, s12, $0xb8;
	[tilespmem:$0x17BF8] =	vst v63  }
0xbe: {  	_ = 	snop  }
0xbf: {  	[spmem:s17] =	stream.indirect.scatter.add.f32 [tilespmem:s29], [sflag:$0x11], $0x1, s2, s12, $0xb8;
	[tilespmem:$0x17BF8] =	vst v63  }
0xc0: {  	_ =	swait.ge [sflag:s23], $0x2000  }
0xc1: {  	[sflag:s23] =	ssyncset.done $0x0  }
0xc2: {  	s2 =	rddreg [dreg:$0x1b];
	[sflag:s23] =	ssyncadd.s32 $0xFFFFE000  }
0xc3: {  	[tilespmem:s13], [sflag:$0x2] =	stream.indirect.gather [hbm4b:s5+s12], $0x10, s2, s12, $0xb8;
	[tilespmem:$0x17BF8] =	vst v63  }
0xc4: {  	_ =	swait.ge [sflag:s16], $0x2000  }
0xc5: {  	[sflag:s16] =	ssyncset.done $0x0  }
0xc6: {  	s2 =	simm.s32 $0x3600;
	[sflag:s16] =	ssyncadd.s32 $0xFFFFE000  }
0xc7: {  	[spmem:s3] =	stream.indirect.scatter.add.f32 [tilespmem:s9], [sflag:$0x10], $0x10, s2, s12, $0xb8;
	[tilespmem:$0x17BF8] =	vst v63  }
0xc8: {  	_ = 	snop  }
0xc9: {  	[spmem:s17] =	stream.indirect.scatter.add.f32 [tilespmem:s29], [sflag:$0x11], $0x1, s2, s12, $0xb8;
	[tilespmem:$0x17BF8] =	vst v63  }
0xca: {  	_ =	swait.ge [sflag:s6], $0x2000  }
0xcb: {  	[sflag:s6] =	ssyncset.done $0x0  }
0xcc: {  	s2 =	rddreg [dreg:$0x1c];
	[sflag:s6] =	ssyncadd.s32 $0xFFFFE000  }
0xcd: {  	[tilespmem:s28], [sflag:$0x3] =	stream.indirect.gather [hbm4b:s5+s12], $0x10, s2, s12, $0xb8;
	[tilespmem:$0x17BF8] =	vst v63  }
0xce: {  	_ =	swait.ge [sflag:s19], $0x2000  }
0xcf: {  	[sflag:s19] =	ssyncset.done $0x0  }
0xd0: {  	s2 =	simm.s32 $0x3800;
	[sflag:s19] =	ssyncadd.s32 $0xFFFFE000  }
0xd1: {  	[spmem:s3] =	stream.indirect.scatter.add.f32 [tilespmem:s31], [sflag:$0x9], $0x10, s2, s12, $0xb8;
	[tilespmem:$0x17BF8] =	vst v63  }
0xd2: {  	_ = 	snop  }
0xd3: {  	[spmem:s17] =	stream.indirect.scatter.add.f32 [tilespmem:s29], [sflag:$0x11], $0x1, s2, s12, $0xb8;
	[tilespmem:$0x17BF8] =	vst v63  }
0xd4: {  	_ =	swait.ge [sflag:s8], $0x2000  }
0xd5: {  	[sflag:s8] =	ssyncset.done $0x0  }
0xd6: {  	s2 =	rddreg [dreg:$0x1d];
	[sflag:s8] =	ssyncadd.s32 $0xFFFFE000  }
0xd7: {  	[tilespmem:s18], [sflag:$0x4] =	stream.indirect.gather [hbm4b:s5+s12], $0x10, s2, s12, $0xb8;
	[tilespmem:$0x17BF8] =	vst v63  }
0xd8: {  	_ =	swait.ge [sflag:s22], $0x2000  }
0xd9: {  	[sflag:s22] =	ssyncset.done $0x0  }
0xda: {  	s2 =	simm.s32 $0x3A00;
	[sflag:s22] =	ssyncadd.s32 $0xFFFFE000  }
0xdb: {  	[spmem:s3] =	stream.indirect.scatter.add.f32 [tilespmem:s13], [sflag:$0xA], $0x10, s2, s12, $0xb8;
	[tilespmem:$0x17BF8] =	vst v63  }
0xdc: {  	_ = 	snop  }
0xdd: {  	[spmem:s17] =	stream.indirect.scatter.add.f32 [tilespmem:s29], [sflag:$0x11], $0x1, s2, s12, $0xb8;
	[tilespmem:$0x17BF8] =	vst v63  }
0xde: {  	_ =	swait.ge [sflag:s15], $0x2000  }
0xdf: {  	[sflag:s15] =	ssyncset.done $0x0  }
0xe0: {  	s2 =	rddreg [dreg:$0x1e];
	[sflag:s15] =	ssyncadd.s32 $0xFFFFE000  }
0xe1: {  	[tilespmem:s1], [sflag:$0x5] =	stream.indirect.gather [hbm4b:s5+s12], $0x10, s2, s12, $0xb8;
	[tilespmem:$0x17BF8] =	vst v63  }
0xe2: {  	_ =	swait.ge [sflag:s25], $0x2000  }
0xe3: {  	[sflag:s25] =	ssyncset.done $0x0  }
0xe4: {  	s2 =	simm.s32 $0x3C00;
	[sflag:s25] =	ssyncadd.s32 $0xFFFFE000  }
0xe5: {  	[spmem:s3] =	stream.indirect.scatter.add.f32 [tilespmem:s28], [sflag:$0xB], $0x10, s2, s12, $0xb8;
	[tilespmem:$0x17BF8] =	vst v63  }
0xe6: {  	_ = 	snop  }
0xe7: {  	[spmem:s17] =	stream.indirect.scatter.add.f32 [tilespmem:s29], [sflag:$0x11], $0x1, s2, s12, $0xb8;
	[tilespmem:$0x17BF8] =	vst v63  }
0xe8: {  	_ =	swait.ge [sflag:s14], $0x2000  }
0xe9: {  	[sflag:s14] =	ssyncset.done $0x0  }
0xea: {  	s2 =	rddreg [dreg:$0x1f];
	[sflag:s14] =	ssyncadd.s32 $0xFFFFE000  }
0xeb: {  	[tilespmem:s20], [sflag:$0x6] =	stream.indirect.gather [hbm4b:s5+s12], $0x10, s2, s12, $0xb8;
	[tilespmem:$0x17BF8] =	vst v63  }
0xec: {  	_ =	swait.ge [sflag:s0], $0x2000  }
0xed: {  	[sflag:s0] =	ssyncset.done $0x0  }
0xee: {  	s2 =	simm.s32 $0x3E00;
	[sflag:s0] =	ssyncadd.s32 $0xFFFFE000  }
0xef: {  	[spmem:s3] =	stream.indirect.scatter.add.f32 [tilespmem:s18], [sflag:$0xC], $0x10, s2, s12, $0xb8;
	[tilespmem:$0x17BF8] =	vst v63  }
0xf0: {  	_ = 	snop  }
0xf1: {  	[spmem:s17] =	stream.indirect.scatter.add.f32 [tilespmem:s29], [sflag:$0x11], $0x1, s2, s12, $0xb8;
	[tilespmem:$0x17BF8] =	vst v63  }
0xf2: {  	s2 =	simm.s32 $0xF  }
0xf3: {  	_ =	swait.ge [sflag:s2], $0x2000  }
0xf4: {  	s7 =	sld [smem:$0x7F8]  }
0xf5: {  	[sflag:s2] =	ssyncset.done $0x0  }
0xf6: {  	[sflag:s2] =	ssyncadd.s32 $0xFFFFE000  }
0xf7: {  	[tilespmem:s30], [sflag:$0x7] =	stream.indirect.gather [hbm4b:s5+s12], $0x10, s7, s12, $0xb8;
	[tilespmem:$0x17BF8] =	vst v63  }
0xf8: {  	_ =	swait.ge [sflag:s11], $0x2000  }
0xf9: {  	[sflag:s11] =	ssyncset.done $0x0  }
0xfa: {  	s7 =	simm.s32 $0x4000;
	[sflag:s11] =	ssyncadd.s32 $0xFFFFE000  }
0xfb: {  	[spmem:s3] =	stream.indirect.scatter.add.f32 [tilespmem:s1], [sflag:$0xD], $0x10, s7, s12, $0xb8;
	[tilespmem:$0x17BF8] =	vst v63  }
0xfc: {  	s1 =	simm.s32 $0x10  }
0xfd: {  	[spmem:s17] =	stream.indirect.scatter.add.f32 [tilespmem:s29], [sflag:$0x11], $0x1, s7, s12, $0xb8;
	[tilespmem:$0x17BF8] =	vst v63  }
0xfe: {  	_ =	swait.ge [sflag:s1], $0x2000  }
0xff: {  	s7 =	sld [smem:$0x7F9]  }
0x100: {  	[sflag:s1] =	ssyncset.done $0x0  }
0x101: {  	[sflag:s1] =	ssyncadd.s32 $0xFFFFE000  }
0x102: {  	[tilespmem:s9], [sflag:$0x8] =	stream.indirect.gather [hbm4b:s5+s12], $0x10, s7, s12, $0xb8;
	[tilespmem:$0x17BF8] =	vst v63  }
0x103: {  	_ =	swait.ge [sflag:s4], $0x2000  }
0x104: {  	[sflag:s4] =	ssyncset.done $0x0  }
0x105: {  	s7 =	simm.s32 $0x4200;
	[sflag:s4] =	ssyncadd.s32 $0xFFFFE000  }
0x106: {  	[spmem:s3] =	stream.indirect.scatter.add.f32 [tilespmem:s20], [sflag:$0xE], $0x10, s7, s12, $0xb8;
	[tilespmem:$0x17BF8] =	vst v63  }
0x107: {  	_ = 	snop  }
0x108: {  	[spmem:s17] =	stream.indirect.scatter.add.f32 [tilespmem:s29], [sflag:$0x11], $0x1, s7, s12, $0xb8;
	[tilespmem:$0x17BF8] =	vst v63  }
0x109: {  	_ =	swait.ge [sflag:s26], $0x2000  }
0x10a: {  	s4 =	sld [smem:$0x7FA]  }
0x10b: {  	[sflag:s26] =	ssyncset.done $0x0  }
0x10c: {  	[sflag:s26] =	ssyncadd.s32 $0xFFFFE000  }
0x10d: {  	[tilespmem:s31], [sflag:$0x1] =	stream.indirect.gather [hbm4b:s5+s12], $0x10, s4, s12, $0xb8;
	[tilespmem:$0x17BF8] =	vst v63  }
0x10e: {  	_ =	swait.ge [sflag:s21], $0x2000  }
0x10f: {  	[sflag:s21] =	ssyncset.done $0x0  }
0x110: {  	s20 =	simm.s32 $0x4400;
	[sflag:s21] =	ssyncadd.s32 $0xFFFFE000  }
0x111: {  	[spmem:s3] =	stream.indirect.scatter.add.f32 [tilespmem:s30], [sflag:$0xF], $0x10, s20, s12, $0xb8;
	[tilespmem:$0x17BF8] =	vst v63  }
0x112: {  	_ = 	snop  }
0x113: {  	[spmem:s17] =	stream.indirect.scatter.add.f32 [tilespmem:s29], [sflag:$0x11], $0x1, s20, s12, $0xb8;
	[tilespmem:$0x17BF8] =	vst v63  }
0x114: {  	_ =	swait.ge [sflag:s23], $0x2000  }
0x115: {  	s4 =	sld [smem:$0x7FB]  }
0x116: {  	[sflag:s23] =	ssyncset.done $0x0  }
0x117: {  	[sflag:s23] =	ssyncadd.s32 $0xFFFFE000  }
0x118: {  	[tilespmem:s13], [sflag:$0x2] =	stream.indirect.gather [hbm4b:s5+s12], $0x10, s4, s12, $0xb8;
	[tilespmem:$0x17BF8] =	vst v63  }
0x119: {  	_ =	swait.ge [sflag:s16], $0x2000  }
0x11a: {  	[sflag:s16] =	ssyncset.done $0x0  }
0x11b: {  	s7 =	simm.s32 $0x4600;
	[sflag:s16] =	ssyncadd.s32 $0xFFFFE000  }
0x11c: {  	[spmem:s3] =	stream.indirect.scatter.add.f32 [tilespmem:s9], [sflag:$0x10], $0x10, s7, s12, $0xb8;
	[tilespmem:$0x17BF8] =	vst v63  }
0x11d: {  	_ = 	snop  }
0x11e: {  	[spmem:s17] =	stream.indirect.scatter.add.f32 [tilespmem:s29], [sflag:$0x11], $0x1, s7, s12, $0xb8;
	[tilespmem:$0x17BF8] =	vst v63  }
0x11f: {  	_ =	swait.ge [sflag:s6], $0x2000  }
0x120: {  	s9 =	sld [smem:$0x7FC]  }
0x121: {  	[sflag:s6] =	ssyncset.done $0x0  }
0x122: {  	[sflag:s6] =	ssyncadd.s32 $0xFFFFE000  }
0x123: {  	[tilespmem:s28], [sflag:$0x3] =	stream.indirect.gather [hbm4b:s5+s12], $0x10, s9, s12, $0xb8;
	[tilespmem:$0x17BF8] =	vst v63  }
0x124: {  	_ =	swait.ge [sflag:s19], $0x2000  }
0x125: {  	[sflag:s19] =	ssyncset.done $0x0  }
0x126: {  	s20 =	simm.s32 $0x4800;
	[sflag:s19] =	ssyncadd.s32 $0xFFFFE000  }
0x127: {  	[spmem:s3] =	stream.indirect.scatter.add.f32 [tilespmem:s31], [sflag:$0x9], $0x10, s20, s12, $0xb8;
	[tilespmem:$0x17BF8] =	vst v63  }
0x128: {  	_ = 	snop  }
0x129: {  	[spmem:s17] =	stream.indirect.scatter.add.f32 [tilespmem:s29], [sflag:$0x11], $0x1, s20, s12, $0xb8;
	[tilespmem:$0x17BF8] =	vst v63  }
0x12a: {  	_ =	swait.ge [sflag:s8], $0x2000  }
0x12b: {  	s30 =	sld [smem:$0x7FD]  }
0x12c: {  	[sflag:s8] =	ssyncset.done $0x0  }
0x12d: {  	[sflag:s8] =	ssyncadd.s32 $0xFFFFE000  }
0x12e: {  	[tilespmem:s18], [sflag:$0x4] =	stream.indirect.gather [hbm4b:s5+s12], $0x10, s30, s12, $0xb8;
	[tilespmem:$0x17BF8] =	vst v63  }
0x12f: {  	_ =	swait.ge [sflag:s22], $0x2000  }
0x130: {  	[sflag:s22] =	ssyncset.done $0x0  }
0x131: {  	s31 =	simm.s32 $0x4A00;
	[sflag:s22] =	ssyncadd.s32 $0xFFFFE000  }
0x132: {  	[spmem:s3] =	stream.indirect.scatter.add.f32 [tilespmem:s13], [sflag:$0xA], $0x10, s31, s12, $0xb8;
	[tilespmem:$0x17BF8] =	vst v63  }
0x133: {  	_ = 	snop  }
0x134: {  	[spmem:s17] =	stream.indirect.scatter.add.f32 [tilespmem:s29], [sflag:$0x11], $0x1, s31, s12, $0xb8;
	[tilespmem:$0x17BF8] =	vst v63  }
0x135: {  	_ =	swait.ge [sflag:s25], $0x2000  }
0x136: {  	[sflag:s25] =	ssyncset.done $0x0  }
0x137: {  	s7 =	simm.s32 $0x4C00;
	[sflag:s25] =	ssyncadd.s32 $0xFFFFE000  }
0x138: {  	[spmem:s3] =	stream.indirect.scatter.add.f32 [tilespmem:s28], [sflag:$0xB], $0x10, s7, s12, $0xb8;
	[tilespmem:$0x17BF8] =	vst v63  }
0x139: {  	_ = 	snop  }
0x13a: {  	[spmem:s17] =	stream.indirect.scatter.add.f32 [tilespmem:s29], [sflag:$0x11], $0x1, s7, s12, $0xb8;
	[tilespmem:$0x17BF8] =	vst v63  }
0x13b: {  	_ =	swait.ge [sflag:s0], $0x2000  }
0x13c: {  	[sflag:s0] =	ssyncset.done $0x0  }
0x13d: {  	s9 =	simm.s32 $0x4E00;
	[sflag:s0] =	ssyncadd.s32 $0xFFFFE000  }
0x13e: {  	[spmem:s3] =	stream.indirect.scatter.add.f32 [tilespmem:s18], [sflag:$0xC], $0x10, s9, s12, $0xb8;
	[tilespmem:$0x17BF8] =	vst v63  }
0x13f: {  	_ = 	snop  }
0x140: {  	[spmem:s17] =	stream.indirect.scatter.add.f32 [tilespmem:s29], [sflag:$0x11], $0x1, s9, s12, $0xb8;
	[tilespmem:$0x17BF8] =	vst v63  }
0x141: {  	_ =	swait.ge [sflag:s15], $0x2000  }
0x142: {  	[sflag:s15] =	ssyncset.done $0x0  }
0x143: {  	[sflag:s15] =	ssyncadd.s32 $0xFFFFE000  }
0x144: {  	_ =	swait.ge [sflag:s14], $0x2000  }
0x145: {  	[sflag:s14] =	ssyncset.done $0x0  }
0x146: {  	[sflag:s14] =	ssyncadd.s32 $0xFFFFE000  }
0x147: {  	_ =	swait.ge [sflag:s2], $0x2000  }
0x148: {  	[sflag:s2] =	ssyncset.done $0x0  }
0x149: {  	[sflag:s2] =	ssyncadd.s32 $0xFFFFE000  }
0x14a: {  	_ =	swait.ge [sflag:s1], $0x2000  }
0x14b: {  	[sflag:s1] =	ssyncset.done $0x0  }
0x14c: {  	[sflag:s1] =	ssyncadd.s32 $0xFFFFE000  }
0x14d: {  	_ =	swait.ge [sflag:s26], $0x2000  }
0x14e: {  	[sflag:s26] =	ssyncset.done $0x0  }
0x14f: {  	[sflag:s26] =	ssyncadd.s32 $0xFFFFE000  }
0x150: {  	_ =	swait.ge [sflag:s23], $0x2000  }
0x151: {  	[sflag:s23] =	ssyncset.done $0x0  }
0x152: {  	[sflag:s23] =	ssyncadd.s32 $0xFFFFE000  }
0x153: {  	_ =	swait.ge [sflag:s6], $0x2000  }
0x154: {  	[sflag:s6] =	ssyncset.done $0x0  }
0x155: {  	[sflag:s6] =	ssyncadd.s32 $0xFFFFE000  }
0x156: {  	s13 =	sld [smem:$0x7F3];
	_ =	swait.ge [sflag:s8], $0x2000  }
0x157: {  	[sflag:s8] =	ssyncset.done $0x0  }
0x158: {  	[sflag:s8] =	ssyncadd.s32 $0xFFFFE000  }
0x159: {  	_ =	swait.ge [sflag:s24], $0x200  }
0x15a: {  	[sflag:s24] =	ssyncset.done $0x0  }
0x15b: {  	[sflag:s24] =	ssyncadd.s32 $0xFFFFFE00  }
0x15c: {  	_ =	swait.ge [sflag:s24], $0x200  }
0x15d: {  	[sflag:s24] =	ssyncset.done $0x0  }
0x15e: {  	[sflag:s24] =	ssyncadd.s32 $0xFFFFFE00  }
0x15f: {  	_ =	swait.ge [sflag:s24], $0x200  }
0x160: {  	[sflag:s24] =	ssyncset.done $0x0  }
0x161: {  	[sflag:s24] =	ssyncadd.s32 $0xFFFFFE00  }
0x162: {  	_ =	swait.ge [sflag:s24], $0x200  }
0x163: {  	[sflag:s24] =	ssyncset.done $0x0  }
0x164: {  	[sflag:s24] =	ssyncadd.s32 $0xFFFFFE00  }
0x165: {  	_ =	swait.ge [sflag:s24], $0x200  }
0x166: {  	[sflag:s24] =	ssyncset.done $0x0  }
0x167: {  	[sflag:s24] =	ssyncadd.s32 $0xFFFFFE00  }
0x168: {  	_ =	swait.ge [sflag:s24], $0x200  }
0x169: {  	[sflag:s24] =	ssyncset.done $0x0  }
0x16a: {  	[sflag:s24] =	ssyncadd.s32 $0xFFFFFE00  }
0x16b: {  	_ =	swait.ge [sflag:s24], $0x200  }
0x16c: {  	[sflag:s24] =	ssyncset.done $0x0  }
0x16d: {  	[sflag:s24] =	ssyncadd.s32 $0xFFFFFE00  }
0x16e: {  	_ =	swait.ge [sflag:s24], $0x200  }
0x16f: {  	[sflag:s24] =	ssyncset.done $0x0  }
0x170: {  	[sflag:s24] =	ssyncadd.s32 $0xFFFFFE00  }
0x171: {  	_ =	swait.ge [sflag:s24], $0x200  }
0x172: {  	[sflag:s24] =	ssyncset.done $0x0  }
0x173: {  	[sflag:s24] =	ssyncadd.s32 $0xFFFFFE00  }
0x174: {  	_ =	swait.ge [sflag:s24], $0x200  }
0x175: {  	[sflag:s24] =	ssyncset.done $0x0  }
0x176: {  	[sflag:s24] =	ssyncadd.s32 $0xFFFFFE00  }
0x177: {  	_ =	swait.ge [sflag:s24], $0x200  }
0x178: {  	[sflag:s24] =	ssyncset.done $0x0  }
0x179: {  	[sflag:s24] =	ssyncadd.s32 $0xFFFFFE00  }
0x17a: {  	_ =	swait.ge [sflag:s24], $0x200  }
0x17b: {  	[sflag:s24] =	ssyncset.done $0x0  }
0x17c: {  	[sflag:s24] =	ssyncadd.s32 $0xFFFFFE00  }
0x17d: {  	_ =	swait.ge [sflag:s24], $0x200  }
0x17e: {  	[sflag:s24] =	ssyncset.done $0x0  }
0x17f: {  	[sflag:s24] =	ssyncadd.s32 $0xFFFFFE00  }
0x180: {  	_ =	swait.ge [sflag:s24], $0x200  }
0x181: {  	[sflag:s24] =	ssyncset.done $0x0  }
0x182: {  	[sflag:s24] =	ssyncadd.s32 $0xFFFFFE00  }
0x183: {  	_ =	swait.ge [sflag:s24], $0x200  }
0x184: {  	[sflag:s24] =	ssyncset.done $0x0  }
0x185: {  	[sflag:s24] =	ssyncadd.s32 $0xFFFFFE00  }
0x186: {  	_ =	swait.ge [sflag:s24], $0x200  }
0x187: {  	[sflag:s24] =	ssyncset.done $0x0  }
0x188: {  	[sflag:s24] =	ssyncadd.s32 $0xFFFFFE00  }
0x189: {  	_ =	swait.ge [sflag:s24], $0x200  }
0x18a: {  	[sflag:s24] =	ssyncset.done $0x0  }
0x18b: {  	[sflag:s24] =	ssyncadd.s32 $0xFFFFFE00  }
0x18c: {  	_ =	swait.ge [sflag:s24], $0x200  }
0x18d: {  	[sflag:s24] =	ssyncset.done $0x0  }
0x18e: {  	[sflag:s24] =	ssyncadd.s32 $0xFFFFFE00  }
0x18f: {  	_ =	swait.ge [sflag:s24], $0x200  }
0x190: {  	[sflag:s24] =	ssyncset.done $0x0  }
0x191: {  	[sflag:s24] =	ssyncadd.s32 $0xFFFFFE00  }
0x192: {  	_ =	swait.ge [sflag:s24], $0x200  }
0x193: {  	[sflag:s24] =	ssyncset.done $0x0  }
0x194: {  	[sflag:s24] =	ssyncadd.s32 $0xFFFFFE00  }
0x195: {  	[bflag:$0x0] =	sbarrier.arrive $0xFFFF  }
0x196: {  	s18 =	sld [smem:$0x7F6]  }
0x197: {  	s28 =	sld [smem:$0x7F4];
	_ =	sdelay $0x1  }
0x198: {  	s17 =	rddreg [dreg:$0xd];
	s20 =	sshrl.u32 s18, $0x3  }
0x199: {  	[hbm:s17], [sflag:s28] =	dma.local [spmem:s20], $0x4F0  }
0x19a: {  	_ =	swait.ge [sflag:s10], $0x4F0  }
0x19b: {  	s2 =	sadd.s32 $0xFFFFFFFF, s13;
	s31 =	sld [smem:$0x7F7]  }
0x19c: {  	p3 =	sne.s32 s2, $0x0;
	[sflag:s10] =	ssyncset.done $0x0  }
.Ltmp0:
0x19d: {  	s30 =	rddreg [dreg:$0xe];
	[sflag:s10] =	ssyncadd.s32 $0xFFFFFB10;
	(pc) =	sbr.rel @p3 .LBB2_1-.Ltmp0, $4  }
0x19e: {  	[hbm:s30], [sflag:s28] =	dma.local [spmem:s31], $0x4F  }
0x19f: {  	_ =	swait.ge [sflag:s10], $0x4F  }
0x1a0: {  	[sflag:s10] =	ssyncset.done $0x0  }
0x1a1: {  	[sflag:s10] =	ssyncadd.s32 $0xFFFFFFB1  }
0x1a2: {  	_ =	sfence.sel $0x180000  }
0x1a3: {  	[bflag:$0x0] =	sbarrier.arrive $0xFFFF  }
0x1a4: {  	_ =	strace $0x90000047  }
0x1a5: {  	s0 =	stileid.u32;
	[bflag:$0x2] =	sbarrier.arrive $0xFFFF  }
0x1a6: {  	p0 =	sne.s32 s0, $0x0;
	s0 =	rddreg [dreg:$0x4]  }
0x1a7: {  	s0 =	sadd.s32 @!p0 $0x100000, s0  }
0x1a8: {  	[sflag:s0] =	ssyncadd.tile.s32 @!p0 $0x1;
	_ =	shalt  }
.Lfunc_end2:
_tile_overlayer_lowered:
.L_overlay_start_2:
0x1a9: {  	(tag) =	ssettag $0x2  }
0x1aa: {  	s0 =	rddreg [dreg:$0x0];
	s2 =	stileid.u32  }
0x1ab: {  	s1 =	rddreg [dreg:$0x1];
	p0 =	sne.s32 s2, $0x0  }
0x1ac: {  	s3 =	rddreg [dreg:$0x2];
	[bflag:$0x3] =	sbarrier.arrive $0xFFFF;
	s2 =	simm.s32 @!p0 $0x1C12  }
0x1ad: {  	[timem:s3], [sflag:s2] =	dma.local @!p0 [hbm:s0], s1  }
0x1ae: {  	s0 =	simm.s32 @!p0 $0x12  }
0x1af: {  	_ =	swait.ge @!p0 [sflag:s0], s1  }
0x1b0: {  	s1 =	ssub.s32 @!p0 $0x0, s1;
	[sflag:s0] =	ssyncset.done @!p0 $0x0  }
0x1b1: {  	[sflag:s0] =	ssyncadd.s32 @!p0 s1  }
0x1b2: {  	[bflag:$0x3] =	sbarrier.arrive $0xFFFF  }
0x1b3: {  	_ =	shalt  }

</sc_bundles>
